<compile_context>
chip_gen: v7x
topology: tpu7x:2x2x1
jax: 0.10.2.dev20260603
libtpu: 0.0.44.dev20260713+nightly
codegen_flags: <defaults>
</compile_context>

<pallas_src>
import functools

import jax
import jax.numpy as jnp
import numpy as np
from jax import lax
from jax.experimental import pallas as pl
from jax.experimental.pallas import tpu as pltpu
from jax.experimental.pallas import tpu_sc as plsc

B, N, C = 8, 8192, 64
M = 1024
S = 32
R2 = np.float32(0.2 ** 2)
EPS = 1e-5

MB = 256
NC_CHUNK = 512
N_CHUNKS = N // NC_CHUNK
C_H, C_OUT = 64, 128

SC_NC, SC_NS = 2, 16
NW = SC_NC * SC_NS
ROWS_TOTAL = B * S * M
ROWS_PER_W = ROWS_TOTAL // NW
GCHUNK = 128
GCHUNKS = ROWS_PER_W // GCHUNK
GDEPTH = 8


NR, NL = 64, 128
MR, ML = 8, 128


def _red2(v, op):
    return op(op(v, axis=0, keepdims=True), axis=1, keepdims=True)


def _fps_body(xs_ref, ys_ref, zs_ref, idx_ref, nx_ref, ny_ref, nz_ref):
    io_n = (lax.broadcasted_iota(jnp.int32, (NR, NL), 0) * NL
            + lax.broadcasted_iota(jnp.int32, (NR, NL), 1)).astype(
                jnp.float32)
    io_m = (lax.broadcasted_iota(jnp.int32, (MR, ML), 0) * ML
            + lax.broadcasted_iota(jnp.int32, (MR, ML), 1))

    def body(i, state):
        col = io_m == i
        out = []
        for b in range(B):
            dists, far, idx, nx, ny, nz = state[b]
            sel = io_n == far
            cx = _red2(jnp.where(sel, xs_ref[b], 0.0), jnp.sum)
            cy = _red2(jnp.where(sel, ys_ref[b], 0.0), jnp.sum)
            cz = _red2(jnp.where(sel, zs_ref[b], 0.0), jnp.sum)
            idx = jnp.where(col, far, idx)
            nx = jnp.where(col, cx, nx)
            ny = jnp.where(col, cy, ny)
            nz = jnp.where(col, cz, nz)
            dx = xs_ref[b] - cx
            dy = ys_ref[b] - cy
            dz = zs_ref[b] - cz
            d = (dx * dx + dz * dz) + dy * dy
            dists = jnp.minimum(dists, d)
            mx = _red2(dists, jnp.max)
            far = _red2(jnp.where(dists == mx, io_n, float(N)), jnp.min)
            out.append((dists, far, idx, nx, ny, nz))
        return tuple(out)

    state0 = []
    for b in range(B):
        dists0 = xs_ref[b] * 0.0 + 1e10
        far0 = _red2(xs_ref[b], jnp.min) * 0.0
        acc0 = io_m.astype(jnp.float32) * 0.0
        state0.append((dists0, far0, acc0, acc0, acc0, acc0))
    state = lax.fori_loop(0, M, body, tuple(state0))
    for b in range(B):
        _, _, idx, nx, ny, nz = state[b]
        idx_ref[b] = idx.astype(jnp.int32)
        nx_ref[b] = nx
        ny_ref[b] = ny
        nz_ref[b] = nz


def _fps(xs, ys, zs):
    return pl.pallas_call(
        _fps_body,
        out_shape=(
            jax.ShapeDtypeStruct((B, MR, ML), jnp.int32),
            jax.ShapeDtypeStruct((B, MR, ML), jnp.float32),
            jax.ShapeDtypeStruct((B, MR, ML), jnp.float32),
            jax.ShapeDtypeStruct((B, MR, ML), jnp.float32),
        ),
    )(xs, ys, zs)


def _ballq_body(xc_ref, yc_ref, zc_ref, cx_ref, cy_ref, cz_ref, out_ref,
                rows_ref):
    b = pl.program_id(0)
    cx = cx_ref[0]
    cy = cy_ref[0]
    cz = cz_ref[0]
    io_r = lax.broadcasted_iota(jnp.int32, (NC_CHUNK, NC_CHUNK), 0)
    io_c = lax.broadcasted_iota(jnp.int32, (NC_CHUNK, NC_CHUNK), 1)
    ltri = jnp.where(io_c <= io_r, 1.0, 0.0).astype(jnp.float32)
    io_sub = lax.broadcasted_iota(jnp.int32, (NC_CHUNK, MB), 0).astype(
        jnp.float32)
    kio = lax.broadcasted_iota(jnp.int32, (S, MB), 0).astype(jnp.float32)

    rows_ref[...] = kio * 0.0

    def cond(state):
        j, carry = state
        return jnp.logical_and(j < N_CHUNKS, jnp.min(carry) < float(S))

    def body(state):
        j, carry = state
        off = pl.multiple_of(j * NC_CHUNK, NC_CHUNK)
        xp = xc_ref[0, pl.ds(off, NC_CHUNK), :]
        yp = yc_ref[0, pl.ds(off, NC_CHUNK), :]
        zp = zc_ref[0, pl.ds(off, NC_CHUNK), :]
        dx = cx - xp
        dy = cy - yp
        dz = cz - zp
        sq = (dx * dx + dz * dz) + dy * dy
        m01 = jnp.where(sq <= R2, 1.0, 0.0).astype(jnp.float32)
        cum = jnp.dot(ltri, m01, preferred_element_type=jnp.float32) + carry
        slot = jnp.where((m01 > 0.0) & (cum <= float(S)), cum, 0.0)
        gidx = io_sub + (j * NC_CHUNK).astype(jnp.float32)
        for k in range(S):
            v = jnp.sum(jnp.where(slot == float(k + 1), gidx, 0.0),
                        axis=0, keepdims=True)
            rows_ref[k:k + 1, :] += v
        carry = cum[NC_CHUNK - 1:NC_CHUNK, :]
        return j + 1, carry

    j0 = jnp.int32(0)
    carry0 = jnp.zeros((1, MB), dtype=jnp.float32)
    _, carry = lax.while_loop(cond, body, (j0, carry0))
    rows = rows_ref[...]
    cnt = jnp.minimum(carry, float(S))
    first = rows[0:1, :]
    rows = jnp.where(kio < cnt, rows, first)
    out_ref[0] = rows.astype(jnp.int32) + b * N


def _ballq(xc, yc, zc, nx, ny, nz):
    return pl.pallas_call(
        _ballq_body,
        grid=(B, M // MB),
        in_specs=[
            pl.BlockSpec((1, N, 1), lambda b, mb: (b, 0, 0)),
            pl.BlockSpec((1, N, 1), lambda b, mb: (b, 0, 0)),
            pl.BlockSpec((1, N, 1), lambda b, mb: (b, 0, 0)),
            pl.BlockSpec((1, 1, MB), lambda b, mb: (b, 0, mb)),
            pl.BlockSpec((1, 1, MB), lambda b, mb: (b, 0, mb)),
            pl.BlockSpec((1, 1, MB), lambda b, mb: (b, 0, mb)),
        ],
        out_specs=pl.BlockSpec((1, S, MB), lambda b, mb: (b, 0, mb)),
        out_shape=jax.ShapeDtypeStruct((B, S, M), jnp.int32),
        scratch_shapes=[pltpu.VMEM((S, MB), jnp.float32)],
    )(xc, yc, zc, nx.reshape(B, 1, M), ny.reshape(B, 1, M),
      nz.reshape(B, 1, M))


def _tmat_body(f_ref, xyz_ref, wf_ref, wx_ref, out_ref):
    a = lax.dot_general(f_ref[0], wf_ref[...], (((0,), (0,)), ((), ())),
                        preferred_element_type=jnp.float32)
    bpart = jnp.dot(xyz_ref[0], wx_ref[...],
                    preferred_element_type=jnp.float32)
    out_ref[0] = a + bpart


def _tmat(features, points_xyz, wf, wx):
    return pl.pallas_call(
        _tmat_body,
        grid=(B,),
        in_specs=[
            pl.BlockSpec((1, C, N), lambda b: (b, 0, 0)),
            pl.BlockSpec((1, N, 3), lambda b: (b, 0, 0)),
            pl.BlockSpec((C, C_H), lambda b: (0, 0)),
            pl.BlockSpec((3, C_H), lambda b: (0, 0)),
        ],
        out_specs=pl.BlockSpec((1, N, C_H), lambda b: (b, 0, 0)),
        out_shape=jax.ShapeDtypeStruct((B, N, C_H), jnp.float32),
    )(features, points_xyz, wf, wx)


def _sc_gather(table, idx3):
    mesh = plsc.VectorSubcoreMesh(core_axis_name="c", subcore_axis_name="s")

    @functools.partial(
        pl.kernel,
        mesh=mesh,
        compiler_params=pltpu.CompilerParams(use_tc_tiling_on_sc=False),
        out_type=jax.ShapeDtypeStruct((ROWS_TOTAL, C_H), jnp.float32),
        scratch_types=[
            pltpu.VMEM((GCHUNKS, GCHUNK), jnp.int32),
            pltpu.VMEM((GDEPTH, GCHUNK, C_H), jnp.float32),
            pltpu.SemaphoreType.DMA,
        ],
    )
    def k(table_hbm, idx_hbm, out_hbm, idx_v, bufs, sem):
        wid = lax.axis_index("s") * SC_NC + lax.axis_index("c")
        pltpu.sync_copy(idx_hbm.at[wid], idx_v)
        base = wid * ROWS_PER_W

        def rnd(r, carry):
            waits = []
            for d in range(GDEPTH):
                waits.append(pltpu.async_copy(
                    table_hbm.at[idx_v.at[r * GDEPTH + d]], bufs.at[d], sem))
            for d in range(GDEPTH):
                waits[d].wait()
                j = r * GDEPTH + d
                pltpu.sync_copy(
                    bufs.at[d], out_hbm.at[pl.ds(base + j * GCHUNK, GCHUNK)])
            return carry

        lax.fori_loop(0, GCHUNKS // GDEPTH, rnd, 0)

    return k(table, idx3)


def _mlp_body(g_ref, nxyz_ref, w1t_ref, bias1_ref, t0_ref, wx_ref, wy_ref,
              wz_ref, out_ref):
    nb = nxyz_ref[0]
    cx = nb[:, 0:1]
    cy = nb[:, 1:2]
    cz = nb[:, 2:3]
    c = t0_ref[...] - (cx * wx_ref[...] + cy * wy_ref[...] + cz * wz_ref[...])
    g = g_ref[0]
    h = jnp.maximum(g + c[None, :, :], 0.0)
    h2 = h.reshape(S * MB, C_H)
    z = jnp.dot(h2, w1t_ref[...], preferred_element_type=jnp.float32)
    z = jnp.maximum(z + bias1_ref[...], 0.0)
    out_ref[0] = jnp.max(z.reshape(S, MB, C_OUT), axis=0)


def _mlp(gathered, new_xyz, w1t, bias1, t0, wx, wy, wz):
    return pl.pallas_call(
        _mlp_body,
        grid=(B, M // MB),
        in_specs=[
            pl.BlockSpec((1, S, MB, C_H), lambda b, mb: (b, 0, mb, 0)),
            pl.BlockSpec((1, MB, 3), lambda b, mb: (b, mb, 0)),
            pl.BlockSpec((C_H, C_OUT), lambda b, mb: (0, 0)),
            pl.BlockSpec((1, C_OUT), lambda b, mb: (0, 0)),
            pl.BlockSpec((1, C_H), lambda b, mb: (0, 0)),
            pl.BlockSpec((1, C_H), lambda b, mb: (0, 0)),
            pl.BlockSpec((1, C_H), lambda b, mb: (0, 0)),
            pl.BlockSpec((1, C_H), lambda b, mb: (0, 0)),
        ],
        out_specs=pl.BlockSpec((1, MB, C_OUT), lambda b, mb: (b, mb, 0)),
        out_shape=jax.ShapeDtypeStruct((B, M, C_OUT), jnp.float32),
    )(gathered, new_xyz, w1t, bias1, t0, wx, wy, wz)


def kernel(points_xyz, features, W0, b0, g0, be0, W1, b1, g1, be1):
    xs = points_xyz[:, :, 0].reshape(B, NR, NL)
    ys = points_xyz[:, :, 1].reshape(B, NR, NL)
    zs = points_xyz[:, :, 2].reshape(B, NR, NL)

    fps_idx3, nx3, ny3, nz3 = _fps(xs, ys, zs)
    fps_idx = fps_idx3.reshape(B, M)
    nx = nx3.reshape(B, M)
    ny = ny3.reshape(B, M)
    nz = nz3.reshape(B, M)
    new_xyz = jnp.stack([nx, ny, nz], axis=-1)

    xc = points_xyz[:, :, 0:1]
    yc = points_xyz[:, :, 1:2]
    zc = points_xyz[:, :, 2:3]
    gidx = _ballq(xc, yc, zc, nx, ny, nz)

    inv = 1.0 / jnp.sqrt(jnp.float32(1.0 + EPS))
    s0 = g0 * inv
    s1 = g1 * inv
    w0p = W0 * s0[:, None]
    w0pt = w0p.T
    tmat = _tmat(features, points_xyz, w0pt[3:], w0pt[:3])

    table = tmat.reshape(B * N, C_H)
    idx3 = gidx.reshape(NW, GCHUNKS, GCHUNK)
    gathered = _sc_gather(table, idx3).reshape(B, S, M, C_H)

    t0 = (b0 * s0 + be0)[None, :]
    wx = w0p[:, 0][None, :]
    wy = w0p[:, 1][None, :]
    wz = w0p[:, 2][None, :]
    w1p = W1 * s1[:, None]
    bias1 = (b1 * s1 + be1)[None, :]
    feats_out = _mlp(gathered, new_xyz, w1p.T, bias1, t0, wx, wy, wz)
    new_features = jnp.transpose(feats_out, (0, 2, 1))
    return new_xyz, new_features, fps_idx

# --- scband reference (transcript-rebuilt; emitter-appended) ---
"""Pipeline reference for scband-base-point-samodule-15599321219412 (READ-ONLY COPY).

The authoritative reference and input builder live on the scoring server;
editing this copy changes nothing except your own understanding.
"""

import jax, jax.numpy as jnp
import numpy as np

B, N, C = 8, 8192, 64
NUM_POINT = 1024
RADIUS = 0.2
NSAMPLE = 32
EPS = 1e-5


def farthest_point_sample(xyz, npoint):
    b, n, _ = xyz.shape
    def body(i, state):
        idxs, dists, farthest = state
        idxs = idxs.at[:, i].set(farthest)
        centroid = jnp.take_along_axis(xyz, farthest[:, None, None].astype(jnp.int32), axis=1)
        d = jnp.sum((xyz - centroid) ** 2, axis=-1)
        dists = jnp.minimum(dists, d)
        farthest = jnp.argmax(dists, axis=-1).astype(jnp.int32)
        return idxs, dists, farthest
    idxs = jnp.zeros((b, npoint), dtype=jnp.int32)
    dists = jnp.full((b, n), 1e10, dtype=xyz.dtype)
    farthest = jnp.zeros((b,), dtype=jnp.int32)
    idxs, _, _ = jax.lax.fori_loop(0, npoint, body, (idxs, dists, farthest))
    return idxs


def ball_query(radius, nsample, xyz, new_xyz):
    # xyz: (B, N, 3), new_xyz: (B, M, 3) -> idx (B, M, nsample)
    sq = jnp.sum((new_xyz[:, :, None, :] - xyz[:, None, :, :]) ** 2, axis=-1)
    mask = sq <= radius ** 2
    order = jnp.argsort(jnp.where(mask, 0, 1).astype(jnp.int32), axis=-1)
    idx = order[..., :nsample]
    valid = jnp.take_along_axis(mask, idx, axis=-1)
    first = idx[..., :1]
    idx = jnp.where(valid, idx, first)
    return idx.astype(jnp.int32)


def batched_gather(x, idx):
    # x: (B, N, ...), idx: (B, ...) int -> (B, idx.shape[1:], ...)
    return jax.vmap(lambda a, i: a[i])(x, idx)


def conv_bn_relu(x, W, b, g, be):
    # x: (B, Cin, M, S); conv2d 1x1 + BN(eval, running mean 0 / var 1) + ReLU
    y = jnp.einsum('oi,bimn->bomn', W, x) + b[None, :, None, None]
    y = y / jnp.sqrt(1.0 + EPS) * g[None, :, None, None] + be[None, :, None, None]
    return jax.nn.relu(y)


def setup_inputs(seed: int = 0):
    key = jax.random.key(seed)
    ks = jax.random.split(key, 10)
    points_xyz = jax.random.uniform(ks[0], (B, N, 3), dtype=jnp.float32)
    features = jax.random.normal(ks[1], (B, C, N), dtype=jnp.float32)
    c_in0, c_h, c_out = 67, 64, 128
    W0 = jax.random.normal(ks[2], (c_h, c_in0), dtype=jnp.float32) * (1.0 / np.sqrt(c_in0))
    b0 = jnp.zeros((c_h,), dtype=jnp.float32)
    g0 = jnp.ones((c_h,), dtype=jnp.float32)
    be0 = jnp.zeros((c_h,), dtype=jnp.float32)
    W1 = jax.random.normal(ks[3], (c_out, c_h), dtype=jnp.float32) * (1.0 / np.sqrt(c_h))
    b1 = jnp.zeros((c_out,), dtype=jnp.float32)
    g1 = jnp.ones((c_out,), dtype=jnp.float32)
    be1 = jnp.zeros((c_out,), dtype=jnp.float32)
    return {"points_xyz": points_xyz, "features": features,
            "W0": W0, "b0": b0, "g0": g0, "be0": be0,
            "W1": W1, "b1": b1, "g1": g1, "be1": be1}


def reference(points_xyz, features, W0, b0, g0, be0, W1, b1, g1, be1):
    # _sample_points: D-FPS then gather sampled xyz
    fps_idx = farthest_point_sample(points_xyz, NUM_POINT)
    new_xyz = batched_gather(points_xyz, fps_idx)  # (B, M, 3)
    # QueryAndGroup: ball query, relative xyz, concat features (use_xyz=True)
    gidx = ball_query(RADIUS, NSAMPLE, points_xyz, new_xyz)  # (B, M, S)
    grouped_xyz = batched_gather(points_xyz, gidx) - new_xyz[:, :, None, :]  # (B, M, S, 3)
    feats_nlast = jnp.transpose(features, (0, 2, 1))  # (B, N, C)
    grouped_feats = batched_gather(feats_nlast, gidx)  # (B, M, S, C)
    grouped = jnp.concatenate([grouped_xyz, grouped_feats], axis=-1)  # (B, M, S, 3+C)
    x = jnp.transpose(grouped, (0, 3, 1, 2))  # (B, 3+C, M, S)
    # shared MLP (Conv2d 1x1 + BN + ReLU stack)
    x = conv_bn_relu(x, W0, b0, g0, be0)
    x = conv_bn_relu(x, W1, b1, g1, be1)
    # _pool_features: max pool over sample dim
    new_features = jnp.max(x, axis=-1)  # (B, 128, M)
    return new_xyz, new_features, fps_idx

if __name__ == "__main__":
    import jax
    _d = setup_inputs()
    print(jax.jit(kernel)(*tuple(_d.values())))

</pallas_src>

<mosaic_0001>
#map = affine_map<(d0, d1) -> (0, 0)>
#map1 = affine_map<(d0, d1) -> (0, 0, 0)>
module attributes {stable_mosaic.version = 14 : i64} {
  func.func @k(%arg0: i32, %arg1: i32, %arg2: memref<65536x64xf32, #tpu.memory_space<hbm>>, %arg3: memref<32x64x128xi32, #tpu.memory_space<hbm>>, %arg4: memref<262144x64xf32, #tpu.memory_space<hbm>>, %arg5: memref<64x128xi32, #tpu.memory_space<vmem>>, %arg6: memref<8x128x64xf32, #tpu.memory_space<vmem>>, %arg7: memref<!tpu.dma_semaphore, #tpu.memory_space<semaphore_mem>>) attributes {dimension_semantics = [#tpu.dimension_semantics<core_parallel>, #tpu.dimension_semantics<subcore_parallel>], iteration_bounds = array<i64: 2, 16>, scalar_prefetch = 0 : i64, scratch_operands = 3 : i64, tpu.core_type = #tpu.core_type<sc_vector_subcore>, window_params = [{transform_indices = #map}, {transform_indices = #map1}, {transform_indices = #map}]} {
    %mul3A = arith.constant 2 : i32
    %mul3A_0 = arith.muli %arg1, %mul3A : i32
    %add3A = arith.addi %mul3A_0, %arg0 : i32
    "tpu.region"() ({
      %run_scoped3A = tpu.sem_alloc : memref<!tpu.dma_semaphore, #tpu.memory_space<semaphore_mem>>
      %dma_start3A = arith.constant 0 : i32
      %dma_start3A_8 = arith.constant 0 : i32
      %dma_start3A_9 = tpu.memref_slice %arg3[%add3A, %dma_start3A, %dma_start3A_8] : memref<32x64x128xi32, #tpu.memory_space<hbm>> -> memref<1x64x128xi32, #tpu.memory_space<hbm>>
      %dma_start3A_10 = tpu.memref_squeeze %dma_start3A_9 : memref<1x64x128xi32, #tpu.memory_space<hbm>> -> memref<64x128xi32, #tpu.memory_space<hbm>>
      %dma_start3A_11 = arith.constant 0 : i32
      %dma_start3A_12 = arith.constant 0 : i32
      %dma_start3A_13 = tpu.memref_slice %arg3[%add3A, %dma_start3A_11, %dma_start3A_12] : memref<32x64x128xi32, #tpu.memory_space<hbm>> -> memref<1x64x128xi32, #tpu.memory_space<hbm>>
      %dma_start3A_14 = tpu.memref_squeeze %dma_start3A_13 : memref<1x64x128xi32, #tpu.memory_space<hbm>> -> memref<64x128xi32, #tpu.memory_space<hbm>>
      tpu.enqueue_dma source(%dma_start3A_14 : memref<64x128xi32, #tpu.memory_space<hbm>>) target(%arg5 : memref<64x128xi32, #tpu.memory_space<vmem>>) target_semaphore(%run_scoped3A : memref<!tpu.dma_semaphore, #tpu.memory_space<semaphore_mem>>)
      %dma_wait3A = arith.constant 0 : i32
      %dma_wait3A_15 = arith.constant 0 : i32
      %dma_wait3A_16 = tpu.memref_slice %arg3[%add3A, %dma_wait3A, %dma_wait3A_15] : memref<32x64x128xi32, #tpu.memory_space<hbm>> -> memref<1x64x128xi32, #tpu.memory_space<hbm>>
      %dma_wait3A_17 = tpu.memref_squeeze %dma_wait3A_16 : memref<1x64x128xi32, #tpu.memory_space<hbm>> -> memref<64x128xi32, #tpu.memory_space<hbm>>
      %dma_wait3A_18 = arith.constant 0 : i32
      %dma_wait3A_19 = arith.constant 0 : i32
      %dma_wait3A_20 = tpu.memref_slice %arg3[%add3A, %dma_wait3A_18, %dma_wait3A_19] : memref<32x64x128xi32, #tpu.memory_space<hbm>> -> memref<1x64x128xi32, #tpu.memory_space<hbm>>
      %dma_wait3A_21 = tpu.memref_squeeze %dma_wait3A_20 : memref<1x64x128xi32, #tpu.memory_space<hbm>> -> memref<64x128xi32, #tpu.memory_space<hbm>>
      tpu.wait_dma2 semaphore(%run_scoped3A : memref<!tpu.dma_semaphore, #tpu.memory_space<semaphore_mem>>) src(%dma_wait3A_21 : memref<64x128xi32, #tpu.memory_space<hbm>>) dst(%arg5 : memref<64x128xi32, #tpu.memory_space<vmem>>)
      tpu.yield
    }) : () -> ()
    %mul3A_1 = arith.constant 8192 : i32
    %mul3A_2 = arith.muli %add3A, %mul3A_1 : i32
    %scan3A = arith.constant 0 : i32
    %scan3A_3 = arith.constant 0 : i32
    %scan3A_4 = arith.constant 8 : i32
    %scan3A_5 = arith.addi %scan3A_3, %scan3A_4 : i32
    %scan3A_6 = arith.constant 1 : i32
    scf.for %scan3A_8 = %scan3A_3 to %scan3A_5 step %scan3A_6  : i32 {
      %mul3A_9 = arith.constant 8 : i32
      %mul3A_10 = arith.muli %scan3A_8, %mul3A_9 : i32
      %add3A_11 = arith.constant 0 : i32
      %add3A_12 = arith.addi %mul3A_10, %add3A_11 : i32
      %dma_start3A = arith.constant 0 : i32
      %dma_start3A_13 = arith.constant 0 : i32
      %dma_start3A_14 = arith.constant 0 : i32
      %dma_start3A_15 = tpu.memref_slice %arg6[%dma_start3A, %dma_start3A_13, %dma_start3A_14] : memref<8x128x64xf32, #tpu.memory_space<vmem>> -> memref<1x128x64xf32, #tpu.memory_space<vmem>>
      %dma_start3A_16 = tpu.memref_squeeze %dma_start3A_15 : memref<1x128x64xf32, #tpu.memory_space<vmem>> -> memref<128x64xf32, #tpu.memory_space<vmem>>
      %dma_start3A_17 = arith.constant 0 : i32
      %dma_start3A_18 = tpu.memref_slice %arg5[%add3A_12, %dma_start3A_17] : memref<64x128xi32, #tpu.memory_space<vmem>> -> memref<1x128xi32, #tpu.memory_space<vmem>>
      %dma_start3A_19 = tpu.memref_squeeze %dma_start3A_18 : memref<1x128xi32, #tpu.memory_space<vmem>> -> memref<128xi32, #tpu.memory_space<vmem>>
      %dma_start3A_20 = arith.constant 0 : i32
      %dma_start3A_21 = arith.constant 0 : i32
      %dma_start3A_22 = tpu.memref_slice %arg2[%dma_start3A_20, %dma_start3A_21] : memref<65536x64xf32, #tpu.memory_space<hbm>> -> memref<65536x64xf32, #tpu.memory_space<hbm>>
      tpu.enqueue_indirect_dma source(%dma_start3A_22 : memref<65536x64xf32, #tpu.memory_space<hbm>>) target(%dma_start3A_16 : memref<128x64xf32, #tpu.memory_space<vmem>>) offsets(%dma_start3A_19 : memref<128xi32, #tpu.memory_space<vmem>>) semaphore(%arg7 : memref<!tpu.dma_semaphore, #tpu.memory_space<semaphore_mem>>)
      %mul3A_23 = arith.constant 8 : i32
      %mul3A_24 = arith.muli %scan3A_8, %mul3A_23 : i32
      %add3A_25 = arith.constant 1 : i32
      %add3A_26 = arith.addi %mul3A_24, %add3A_25 : i32
      %dma_start3A_27 = arith.constant 1 : i32
      %dma_start3A_28 = arith.constant 0 : i32
      %dma_start3A_29 = arith.constant 0 : i32
      %dma_start3A_30 = tpu.memref_slice %arg6[%dma_start3A_27, %dma_start3A_28, %dma_start3A_29] : memref<8x128x64xf32, #tpu.memory_space<vmem>> -> memref<1x128x64xf32, #tpu.memory_space<vmem>>
      %dma_start3A_31 = tpu.memref_squeeze %dma_start3A_30 : memref<1x128x64xf32, #tpu.memory_space<vmem>> -> memref<128x64xf32, #tpu.memory_space<vmem>>
      %dma_start3A_32 = arith.constant 0 : i32
      %dma_start3A_33 = tpu.memref_slice %arg5[%add3A_26, %dma_start3A_32] : memref<64x128xi32, #tpu.memory_space<vmem>> -> memref<1x128xi32, #tpu.memory_space<vmem>>
      %dma_start3A_34 = tpu.memref_squeeze %dma_start3A_33 : memref<1x128xi32, #tpu.memory_space<vmem>> -> memref<128xi32, #tpu.memory_space<vmem>>
      %dma_start3A_35 = arith.constant 0 : i32
      %dma_start3A_36 = arith.constant 0 : i32
      %dma_start3A_37 = tpu.memref_slice %arg2[%dma_start3A_35, %dma_start3A_36] : memref<65536x64xf32, #tpu.memory_space<hbm>> -> memref<65536x64xf32, #tpu.memory_space<hbm>>
      tpu.enqueue_indirect_dma source(%dma_start3A_37 : memref<65536x64xf32, #tpu.memory_space<hbm>>) target(%dma_start3A_31 : memref<128x64xf32, #tpu.memory_space<vmem>>) offsets(%dma_start3A_34 : memref<128xi32, #tpu.memory_space<vmem>>) semaphore(%arg7 : memref<!tpu.dma_semaphore, #tpu.memory_space<semaphore_mem>>)
      %mul3A_38 = arith.constant 8 : i32
      %mul3A_39 = arith.muli %scan3A_8, %mul3A_38 : i32
      %add3A_40 = arith.constant 2 : i32
      %add3A_41 = arith.addi %mul3A_39, %add3A_40 : i32
      %dma_start3A_42 = arith.constant 2 : i32
      %dma_start3A_43 = arith.constant 0 : i32
      %dma_start3A_44 = arith.constant 0 : i32
      %dma_start3A_45 = tpu.memref_slice %arg6[%dma_start3A_42, %dma_start3A_43, %dma_start3A_44] : memref<8x128x64xf32, #tpu.memory_space<vmem>> -> memref<1x128x64xf32, #tpu.memory_space<vmem>>
      %dma_start3A_46 = tpu.memref_squeeze %dma_start3A_45 : memref<1x128x64xf32, #tpu.memory_space<vmem>> -> memref<128x64xf32, #tpu.memory_space<vmem>>
      %dma_start3A_47 = arith.constant 0 : i32
      %dma_start3A_48 = tpu.memref_slice %arg5[%add3A_41, %dma_start3A_47] : memref<64x128xi32, #tpu.memory_space<vmem>> -> memref<1x128xi32, #tpu.memory_space<vmem>>
      %dma_start3A_49 = tpu.memref_squeeze %dma_start3A_48 : memref<1x128xi32, #tpu.memory_space<vmem>> -> memref<128xi32, #tpu.memory_space<vmem>>
      %dma_start3A_50 = arith.constant 0 : i32
      %dma_start3A_51 = arith.constant 0 : i32
      %dma_start3A_52 = tpu.memref_slice %arg2[%dma_start3A_50, %dma_start3A_51] : memref<65536x64xf32, #tpu.memory_space<hbm>> -> memref<65536x64xf32, #tpu.memory_space<hbm>>
      tpu.enqueue_indirect_dma source(%dma_start3A_52 : memref<65536x64xf32, #tpu.memory_space<hbm>>) target(%dma_start3A_46 : memref<128x64xf32, #tpu.memory_space<vmem>>) offsets(%dma_start3A_49 : memref<128xi32, #tpu.memory_space<vmem>>) semaphore(%arg7 : memref<!tpu.dma_semaphore, #tpu.memory_space<semaphore_mem>>)
      %mul3A_53 = arith.constant 8 : i32
      %mul3A_54 = arith.muli %scan3A_8, %mul3A_53 : i32
      %add3A_55 = arith.constant 3 : i32
      %add3A_56 = arith.addi %mul3A_54, %add3A_55 : i32
      %dma_start3A_57 = arith.constant 3 : i32
      %dma_start3A_58 = arith.constant 0 : i32
      %dma_start3A_59 = arith.constant 0 : i32
      %dma_start3A_60 = tpu.memref_slice %arg6[%dma_start3A_57, %dma_start3A_58, %dma_start3A_59] : memref<8x128x64xf32, #tpu.memory_space<vmem>> -> memref<1x128x64xf32, #tpu.memory_space<vmem>>
      %dma_start3A_61 = tpu.memref_squeeze %dma_start3A_60 : memref<1x128x64xf32, #tpu.memory_space<vmem>> -> memref<128x64xf32, #tpu.memory_space<vmem>>
      %dma_start3A_62 = arith.constant 0 : i32
      %dma_start3A_63 = tpu.memref_slice %arg5[%add3A_56, %dma_start3A_62] : memref<64x128xi32, #tpu.memory_space<vmem>> -> memref<1x128xi32, #tpu.memory_space<vmem>>
      %dma_start3A_64 = tpu.memref_squeeze %dma_start3A_63 : memref<1x128xi32, #tpu.memory_space<vmem>> -> memref<128xi32, #tpu.memory_space<vmem>>
      %dma_start3A_65 = arith.constant 0 : i32
      %dma_start3A_66 = arith.constant 0 : i32
      %dma_start3A_67 = tpu.memref_slice %arg2[%dma_start3A_65, %dma_start3A_66] : memref<65536x64xf32, #tpu.memory_space<hbm>> -> memref<65536x64xf32, #tpu.memory_space<hbm>>
      tpu.enqueue_indirect_dma source(%dma_start3A_67 : memref<65536x64xf32, #tpu.memory_space<hbm>>) target(%dma_start3A_61 : memref<128x64xf32, #tpu.memory_space<vmem>>) offsets(%dma_start3A_64 : memref<128xi32, #tpu.memory_space<vmem>>) semaphore(%arg7 : memref<!tpu.dma_semaphore, #tpu.memory_space<semaphore_mem>>)
      %mul3A_68 = arith.constant 8 : i32
      %mul3A_69 = arith.muli %scan3A_8, %mul3A_68 : i32
      %add3A_70 = arith.constant 4 : i32
      %add3A_71 = arith.addi %mul3A_69, %add3A_70 : i32
      %dma_start3A_72 = arith.constant 4 : i32
      %dma_start3A_73 = arith.constant 0 : i32
      %dma_start3A_74 = arith.constant 0 : i32
      %dma_start3A_75 = tpu.memref_slice %arg6[%dma_start3A_72, %dma_start3A_73, %dma_start3A_74] : memref<8x128x64xf32, #tpu.memory_space<vmem>> -> memref<1x128x64xf32, #tpu.memory_space<vmem>>
      %dma_start3A_76 = tpu.memref_squeeze %dma_start3A_75 : memref<1x128x64xf32, #tpu.memory_space<vmem>> -> memref<128x64xf32, #tpu.memory_space<vmem>>
      %dma_start3A_77 = arith.constant 0 : i32
      %dma_start3A_78 = tpu.memref_slice %arg5[%add3A_71, %dma_start3A_77] : memref<64x128xi32, #tpu.memory_space<vmem>> -> memref<1x128xi32, #tpu.memory_space<vmem>>
      %dma_start3A_79 = tpu.memref_squeeze %dma_start3A_78 : memref<1x128xi32, #tpu.memory_space<vmem>> -> memref<128xi32, #tpu.memory_space<vmem>>
      %dma_start3A_80 = arith.constant 0 : i32
      %dma_start3A_81 = arith.constant 0 : i32
      %dma_start3A_82 = tpu.memref_slice %arg2[%dma_start3A_80, %dma_start3A_81] : memref<65536x64xf32, #tpu.memory_space<hbm>> -> memref<65536x64xf32, #tpu.memory_space<hbm>>
      tpu.enqueue_indirect_dma source(%dma_start3A_82 : memref<65536x64xf32, #tpu.memory_space<hbm>>) target(%dma_start3A_76 : memref<128x64xf32, #tpu.memory_space<vmem>>) offsets(%dma_start3A_79 : memref<128xi32, #tpu.memory_space<vmem>>) semaphore(%arg7 : memref<!tpu.dma_semaphore, #tpu.memory_space<semaphore_mem>>)
      %mul3A_83 = arith.constant 8 : i32
      %mul3A_84 = arith.muli %scan3A_8, %mul3A_83 : i32
      %add3A_85 = arith.constant 5 : i32
      %add3A_86 = arith.addi %mul3A_84, %add3A_85 : i32
      %dma_start3A_87 = arith.constant 5 : i32
      %dma_start3A_88 = arith.constant 0 : i32
      %dma_start3A_89 = arith.constant 0 : i32
      %dma_start3A_90 = tpu.memref_slice %arg6[%dma_start3A_87, %dma_start3A_88, %dma_start3A_89] : memref<8x128x64xf32, #tpu.memory_space<vmem>> -> memref<1x128x64xf32, #tpu.memory_space<vmem>>
      %dma_start3A_91 = tpu.memref_squeeze %dma_start3A_90 : memref<1x128x64xf32, #tpu.memory_space<vmem>> -> memref<128x64xf32, #tpu.memory_space<vmem>>
      %dma_start3A_92 = arith.constant 0 : i32
      %dma_start3A_93 = tpu.memref_slice %arg5[%add3A_86, %dma_start3A_92] : memref<64x128xi32, #tpu.memory_space<vmem>> -> memref<1x128xi32, #tpu.memory_space<vmem>>
      %dma_start3A_94 = tpu.memref_squeeze %dma_start3A_93 : memref<1x128xi32, #tpu.memory_space<vmem>> -> memref<128xi32, #tpu.memory_space<vmem>>
      %dma_start3A_95 = arith.constant 0 : i32
      %dma_start3A_96 = arith.constant 0 : i32
      %dma_start3A_97 = tpu.memref_slice %arg2[%dma_start3A_95, %dma_start3A_96] : memref<65536x64xf32, #tpu.memory_space<hbm>> -> memref<65536x64xf32, #tpu.memory_space<hbm>>
      tpu.enqueue_indirect_dma source(%dma_start3A_97 : memref<65536x64xf32, #tpu.memory_space<hbm>>) target(%dma_start3A_91 : memref<128x64xf32, #tpu.memory_space<vmem>>) offsets(%dma_start3A_94 : memref<128xi32, #tpu.memory_space<vmem>>) semaphore(%arg7 : memref<!tpu.dma_semaphore, #tpu.memory_space<semaphore_mem>>)
      %mul3A_98 = arith.constant 8 : i32
      %mul3A_99 = arith.muli %scan3A_8, %mul3A_98 : i32
      %add3A_100 = arith.constant 6 : i32
      %add3A_101 = arith.addi %mul3A_99, %add3A_100 : i32
      %dma_start3A_102 = arith.constant 6 : i32
      %dma_start3A_103 = arith.constant 0 : i32
      %dma_start3A_104 = arith.constant 0 : i32
      %dma_start3A_105 = tpu.memref_slice %arg6[%dma_start3A_102, %dma_start3A_103, %dma_start3A_104] : memref<8x128x64xf32, #tpu.memory_space<vmem>> -> memref<1x128x64xf32, #tpu.memory_space<vmem>>
      %dma_start3A_106 = tpu.memref_squeeze %dma_start3A_105 : memref<1x128x64xf32, #tpu.memory_space<vmem>> -> memref<128x64xf32, #tpu.memory_space<vmem>>
      %dma_start3A_107 = arith.constant 0 : i32
      %dma_start3A_108 = tpu.memref_slice %arg5[%add3A_101, %dma_start3A_107] : memref<64x128xi32, #tpu.memory_space<vmem>> -> memref<1x128xi32, #tpu.memory_space<vmem>>
      %dma_start3A_109 = tpu.memref_squeeze %dma_start3A_108 : memref<1x128xi32, #tpu.memory_space<vmem>> -> memref<128xi32, #tpu.memory_space<vmem>>
      %dma_start3A_110 = arith.constant 0 : i32
      %dma_start3A_111 = arith.constant 0 : i32
      %dma_start3A_112 = tpu.memref_slice %arg2[%dma_start3A_110, %dma_start3A_111] : memref<65536x64xf32, #tpu.memory_space<hbm>> -> memref<65536x64xf32, #tpu.memory_space<hbm>>
      tpu.enqueue_indirect_dma source(%dma_start3A_112 : memref<65536x64xf32, #tpu.memory_space<hbm>>) target(%dma_start3A_106 : memref<128x64xf32, #tpu.memory_space<vmem>>) offsets(%dma_start3A_109 : memref<128xi32, #tpu.memory_space<vmem>>) semaphore(%arg7 : memref<!tpu.dma_semaphore, #tpu.memory_space<semaphore_mem>>)
      %mul3A_113 = arith.constant 8 : i32
      %mul3A_114 = arith.muli %scan3A_8, %mul3A_113 : i32
      %add3A_115 = arith.constant 7 : i32
      %add3A_116 = arith.addi %mul3A_114, %add3A_115 : i32
      %dma_start3A_117 = arith.constant 7 : i32
      %dma_start3A_118 = arith.constant 0 : i32
      %dma_start3A_119 = arith.constant 0 : i32
      %dma_start3A_120 = tpu.memref_slice %arg6[%dma_start3A_117, %dma_start3A_118, %dma_start3A_119] : memref<8x128x64xf32, #tpu.memory_space<vmem>> -> memref<1x128x64xf32, #tpu.memory_space<vmem>>
      %dma_start3A_121 = tpu.memref_squeeze %dma_start3A_120 : memref<1x128x64xf32, #tpu.memory_space<vmem>> -> memref<128x64xf32, #tpu.memory_space<vmem>>
      %dma_start3A_122 = arith.constant 0 : i32
      %dma_start3A_123 = tpu.memref_slice %arg5[%add3A_116, %dma_start3A_122] : memref<64x128xi32, #tpu.memory_space<vmem>> -> memref<1x128xi32, #tpu.memory_space<vmem>>
      %dma_start3A_124 = tpu.memref_squeeze %dma_start3A_123 : memref<1x128xi32, #tpu.memory_space<vmem>> -> memref<128xi32, #tpu.memory_space<vmem>>
      %dma_start3A_125 = arith.constant 0 : i32
      %dma_start3A_126 = arith.constant 0 : i32
      %dma_start3A_127 = tpu.memref_slice %arg2[%dma_start3A_125, %dma_start3A_126] : memref<65536x64xf32, #tpu.memory_space<hbm>> -> memref<65536x64xf32, #tpu.memory_space<hbm>>
      tpu.enqueue_indirect_dma source(%dma_start3A_127 : memref<65536x64xf32, #tpu.memory_space<hbm>>) target(%dma_start3A_121 : memref<128x64xf32, #tpu.memory_space<vmem>>) offsets(%dma_start3A_124 : memref<128xi32, #tpu.memory_space<vmem>>) semaphore(%arg7 : memref<!tpu.dma_semaphore, #tpu.memory_space<semaphore_mem>>)
      %dma_wait3A = arith.constant 0 : i32
      %dma_wait3A_128 = arith.constant 0 : i32
      %dma_wait3A_129 = arith.constant 0 : i32
      %dma_wait3A_130 = tpu.memref_slice %arg6[%dma_wait3A, %dma_wait3A_128, %dma_wait3A_129] : memref<8x128x64xf32, #tpu.memory_space<vmem>> -> memref<1x128x64xf32, #tpu.memory_space<vmem>>
      %dma_wait3A_131 = tpu.memref_squeeze %dma_wait3A_130 : memref<1x128x64xf32, #tpu.memory_space<vmem>> -> memref<128x64xf32, #tpu.memory_space<vmem>>
      %dma_wait3A_132 = arith.constant 0 : i32
      %dma_wait3A_133 = tpu.memref_slice %arg5[%add3A_12, %dma_wait3A_132] : memref<64x128xi32, #tpu.memory_space<vmem>> -> memref<1x128xi32, #tpu.memory_space<vmem>>
      %dma_wait3A_134 = tpu.memref_squeeze %dma_wait3A_133 : memref<1x128xi32, #tpu.memory_space<vmem>> -> memref<128xi32, #tpu.memory_space<vmem>>
      %dma_wait3A_135 = arith.constant 0 : i32
      %dma_wait3A_136 = arith.constant 0 : i32
      %dma_wait3A_137 = tpu.memref_slice %arg2[%dma_wait3A_135, %dma_wait3A_136] : memref<65536x64xf32, #tpu.memory_space<hbm>> -> memref<65536x64xf32, #tpu.memory_space<hbm>>
      tpu.wait_indirect_dma semaphore(%arg7 : memref<!tpu.dma_semaphore, #tpu.memory_space<semaphore_mem>>) src(%dma_wait3A_137 : memref<65536x64xf32, #tpu.memory_space<hbm>>) dst(%dma_wait3A_131 : memref<128x64xf32, #tpu.memory_space<vmem>>)
      %mul3A_138 = arith.constant 8 : i32
      %mul3A_139 = arith.muli %scan3A_8, %mul3A_138 : i32
      %add3A_140 = arith.constant 0 : i32
      %add3A_141 = arith.addi %mul3A_139, %add3A_140 : i32
      %mul3A_142 = arith.constant 128 : i32
      %mul3A_143 = arith.muli %add3A_141, %mul3A_142 : i32
      %add3A_144 = arith.addi %mul3A_2, %mul3A_143 : i32
      %run_scoped3A = arith.constant 0 : i32
      "tpu.region"() ({
        %run_scoped3A_278 = tpu.sem_alloc : memref<!tpu.dma_semaphore, #tpu.memory_space<semaphore_mem>>
        %dma_start3A_279 = arith.constant 0 : i32
        %dma_start3A_280 = arith.constant 0 : i32
        %dma_start3A_281 = tpu.memref_slice %arg6[%run_scoped3A, %dma_start3A_279, %dma_start3A_280] : memref<8x128x64xf32, #tpu.memory_space<vmem>> -> memref<1x128x64xf32, #tpu.memory_space<vmem>>
        %dma_start3A_282 = tpu.memref_squeeze %dma_start3A_281 : memref<1x128x64xf32, #tpu.memory_space<vmem>> -> memref<128x64xf32, #tpu.memory_space<vmem>>
        %dma_start3A_283 = arith.constant 0 : i32
        %dma_start3A_284 = tpu.memref_slice %arg4[%add3A_144, %dma_start3A_283] : memref<262144x64xf32, #tpu.memory_space<hbm>> -> memref<128x64xf32, #tpu.memory_space<hbm>>
        %dma_start3A_285 = arith.constant 0 : i32
        %dma_start3A_286 = tpu.memref_slice %arg4[%add3A_144, %dma_start3A_285] : memref<262144x64xf32, #tpu.memory_space<hbm>> -> memref<128x64xf32, #tpu.memory_space<hbm>>
        %dma_start3A_287 = arith.constant 0 : i32
        %dma_start3A_288 = arith.constant 0 : i32
        %dma_start3A_289 = tpu.memref_slice %arg6[%run_scoped3A, %dma_start3A_287, %dma_start3A_288] : memref<8x128x64xf32, #tpu.memory_space<vmem>> -> memref<1x128x64xf32, #tpu.memory_space<vmem>>
        %dma_start3A_290 = tpu.memref_squeeze %dma_start3A_289 : memref<1x128x64xf32, #tpu.memory_space<vmem>> -> memref<128x64xf32, #tpu.memory_space<vmem>>
        tpu.enqueue_dma source(%dma_start3A_290 : memref<128x64xf32, #tpu.memory_space<vmem>>) target(%dma_start3A_286 : memref<128x64xf32, #tpu.memory_space<hbm>>) target_semaphore(%run_scoped3A_278 : memref<!tpu.dma_semaphore, #tpu.memory_space<semaphore_mem>>)
        %dma_wait3A_291 = arith.constant 0 : i32
        %dma_wait3A_292 = arith.constant 0 : i32
        %dma_wait3A_293 = tpu.memref_slice %arg6[%run_scoped3A, %dma_wait3A_291, %dma_wait3A_292] : memref<8x128x64xf32, #tpu.memory_space<vmem>> -> memref<1x128x64xf32, #tpu.memory_space<vmem>>
        %dma_wait3A_294 = tpu.memref_squeeze %dma_wait3A_293 : memref<1x128x64xf32, #tpu.memory_space<vmem>> -> memref<128x64xf32, #tpu.memory_space<vmem>>
        %dma_wait3A_295 = arith.constant 0 : i32
        %dma_wait3A_296 = tpu.memref_slice %arg4[%add3A_144, %dma_wait3A_295] : memref<262144x64xf32, #tpu.memory_space<hbm>> -> memref<128x64xf32, #tpu.memory_space<hbm>>
        %dma_wait3A_297 = arith.constant 0 : i32
        %dma_wait3A_298 = tpu.memref_slice %arg4[%add3A_144, %dma_wait3A_297] : memref<262144x64xf32, #tpu.memory_space<hbm>> -> memref<128x64xf32, #tpu.memory_space<hbm>>
        %dma_wait3A_299 = arith.constant 0 : i32
        %dma_wait3A_300 = arith.constant 0 : i32
        %dma_wait3A_301 = tpu.memref_slice %arg6[%run_scoped3A, %dma_wait3A_299, %dma_wait3A_300] : memref<8x128x64xf32, #tpu.memory_space<vmem>> -> memref<1x128x64xf32, #tpu.memory_space<vmem>>
        %dma_wait3A_302 = tpu.memref_squeeze %dma_wait3A_301 : memref<1x128x64xf32, #tpu.memory_space<vmem>> -> memref<128x64xf32, #tpu.memory_space<vmem>>
        tpu.wait_dma2 semaphore(%run_scoped3A_278 : memref<!tpu.dma_semaphore, #tpu.memory_space<semaphore_mem>>) src(%dma_wait3A_302 : memref<128x64xf32, #tpu.memory_space<vmem>>) dst(%dma_wait3A_298 : memref<128x64xf32, #tpu.memory_space<hbm>>)
        tpu.yield
      }) : () -> ()
      %dma_wait3A_145 = arith.constant 1 : i32
      %dma_wait3A_146 = arith.constant 0 : i32
      %dma_wait3A_147 = arith.constant 0 : i32
      %dma_wait3A_148 = tpu.memref_slice %arg6[%dma_wait3A_145, %dma_wait3A_146, %dma_wait3A_147] : memref<8x128x64xf32, #tpu.memory_space<vmem>> -> memref<1x128x64xf32, #tpu.memory_space<vmem>>
      %dma_wait3A_149 = tpu.memref_squeeze %dma_wait3A_148 : memref<1x128x64xf32, #tpu.memory_space<vmem>> -> memref<128x64xf32, #tpu.memory_space<vmem>>
      %dma_wait3A_150 = arith.constant 0 : i32
      %dma_wait3A_151 = tpu.memref_slice %arg5[%add3A_26, %dma_wait3A_150] : memref<64x128xi32, #tpu.memory_space<vmem>> -> memref<1x128xi32, #tpu.memory_space<vmem>>
      %dma_wait3A_152 = tpu.memref_squeeze %dma_wait3A_151 : memref<1x128xi32, #tpu.memory_space<vmem>> -> memref<128xi32, #tpu.memory_space<vmem>>
      %dma_wait3A_153 = arith.constant 0 : i32
      %dma_wait3A_154 = arith.constant 0 : i32
      %dma_wait3A_155 = tpu.memref_slice %arg2[%dma_wait3A_153, %dma_wait3A_154] : memref<65536x64xf32, #tpu.memory_space<hbm>> -> memref<65536x64xf32, #tpu.memory_space<hbm>>
      tpu.wait_indirect_dma semaphore(%arg7 : memref<!tpu.dma_semaphore, #tpu.memory_space<semaphore_mem>>) src(%dma_wait3A_155 : memref<65536x64xf32, #tpu.memory_space<hbm>>) dst(%dma_wait3A_149 : memref<128x64xf32, #tpu.memory_space<vmem>>)
      %mul3A_156 = arith.constant 8 : i32
      %mul3A_157 = arith.muli %scan3A_8, %mul3A_156 : i32
      %add3A_158 = arith.constant 1 : i32
      %add3A_159 = arith.addi %mul3A_157, %add3A_158 : i32
      %mul3A_160 = arith.constant 128 : i32
      %mul3A_161 = arith.muli %add3A_159, %mul3A_160 : i32
      %add3A_162 = arith.addi %mul3A_2, %mul3A_161 : i32
      %run_scoped3A_163 = arith.constant 1 : i32
      "tpu.region"() ({
        %run_scoped3A_278 = tpu.sem_alloc : memref<!tpu.dma_semaphore, #tpu.memory_space<semaphore_mem>>
        %dma_start3A_279 = arith.constant 0 : i32
        %dma_start3A_280 = arith.constant 0 : i32
        %dma_start3A_281 = tpu.memref_slice %arg6[%run_scoped3A_163, %dma_start3A_279, %dma_start3A_280] : memref<8x128x64xf32, #tpu.memory_space<vmem>> -> memref<1x128x64xf32, #tpu.memory_space<vmem>>
        %dma_start3A_282 = tpu.memref_squeeze %dma_start3A_281 : memref<1x128x64xf32, #tpu.memory_space<vmem>> -> memref<128x64xf32, #tpu.memory_space<vmem>>
        %dma_start3A_283 = arith.constant 0 : i32
        %dma_start3A_284 = tpu.memref_slice %arg4[%add3A_162, %dma_start3A_283] : memref<262144x64xf32, #tpu.memory_space<hbm>> -> memref<128x64xf32, #tpu.memory_space<hbm>>
        %dma_start3A_285 = arith.constant 0 : i32
        %dma_start3A_286 = tpu.memref_slice %arg4[%add3A_162, %dma_start3A_285] : memref<262144x64xf32, #tpu.memory_space<hbm>> -> memref<128x64xf32, #tpu.memory_space<hbm>>
        %dma_start3A_287 = arith.constant 0 : i32
        %dma_start3A_288 = arith.constant 0 : i32
        %dma_start3A_289 = tpu.memref_slice %arg6[%run_scoped3A_163, %dma_start3A_287, %dma_start3A_288] : memref<8x128x64xf32, #tpu.memory_space<vmem>> -> memref<1x128x64xf32, #tpu.memory_space<vmem>>
        %dma_start3A_290 = tpu.memref_squeeze %dma_start3A_289 : memref<1x128x64xf32, #tpu.memory_space<vmem>> -> memref<128x64xf32, #tpu.memory_space<vmem>>
        tpu.enqueue_dma source(%dma_start3A_290 : memref<128x64xf32, #tpu.memory_space<vmem>>) target(%dma_start3A_286 : memref<128x64xf32, #tpu.memory_space<hbm>>) target_semaphore(%run_scoped3A_278 : memref<!tpu.dma_semaphore, #tpu.memory_space<semaphore_mem>>)
        %dma_wait3A_291 = arith.constant 0 : i32
        %dma_wait3A_292 = arith.constant 0 : i32
        %dma_wait3A_293 = tpu.memref_slice %arg6[%run_scoped3A_163, %dma_wait3A_291, %dma_wait3A_292] : memref<8x128x64xf32, #tpu.memory_space<vmem>> -> memref<1x128x64xf32, #tpu.memory_space<vmem>>
        %dma_wait3A_294 = tpu.memref_squeeze %dma_wait3A_293 : memref<1x128x64xf32, #tpu.memory_space<vmem>> -> memref<128x64xf32, #tpu.memory_space<vmem>>
        %dma_wait3A_295 = arith.constant 0 : i32
        %dma_wait3A_296 = tpu.memref_slice %arg4[%add3A_162, %dma_wait3A_295] : memref<262144x64xf32, #tpu.memory_space<hbm>> -> memref<128x64xf32, #tpu.memory_space<hbm>>
        %dma_wait3A_297 = arith.constant 0 : i32
        %dma_wait3A_298 = tpu.memref_slice %arg4[%add3A_162, %dma_wait3A_297] : memref<262144x64xf32, #tpu.memory_space<hbm>> -> memref<128x64xf32, #tpu.memory_space<hbm>>
        %dma_wait3A_299 = arith.constant 0 : i32
        %dma_wait3A_300 = arith.constant 0 : i32
        %dma_wait3A_301 = tpu.memref_slice %arg6[%run_scoped3A_163, %dma_wait3A_299, %dma_wait3A_300] : memref<8x128x64xf32, #tpu.memory_space<vmem>> -> memref<1x128x64xf32, #tpu.memory_space<vmem>>
        %dma_wait3A_302 = tpu.memref_squeeze %dma_wait3A_301 : memref<1x128x64xf32, #tpu.memory_space<vmem>> -> memref<128x64xf32, #tpu.memory_space<vmem>>
        tpu.wait_dma2 semaphore(%run_scoped3A_278 : memref<!tpu.dma_semaphore, #tpu.memory_space<semaphore_mem>>) src(%dma_wait3A_302 : memref<128x64xf32, #tpu.memory_space<vmem>>) dst(%dma_wait3A_298 : memref<128x64xf32, #tpu.memory_space<hbm>>)
        tpu.yield
      }) : () -> ()
      %dma_wait3A_164 = arith.constant 2 : i32
      %dma_wait3A_165 = arith.constant 0 : i32
      %dma_wait3A_166 = arith.constant 0 : i32
      %dma_wait3A_167 = tpu.memref_slice %arg6[%dma_wait3A_164, %dma_wait3A_165, %dma_wait3A_166] : memref<8x128x64xf32, #tpu.memory_space<vmem>> -> memref<1x128x64xf32, #tpu.memory_space<vmem>>
      %dma_wait3A_168 = tpu.memref_squeeze %dma_wait3A_167 : memref<1x128x64xf32, #tpu.memory_space<vmem>> -> memref<128x64xf32, #tpu.memory_space<vmem>>
      %dma_wait3A_169 = arith.constant 0 : i32
      %dma_wait3A_170 = tpu.memref_slice %arg5[%add3A_41, %dma_wait3A_169] : memref<64x128xi32, #tpu.memory_space<vmem>> -> memref<1x128xi32, #tpu.memory_space<vmem>>
      %dma_wait3A_171 = tpu.memref_squeeze %dma_wait3A_170 : memref<1x128xi32, #tpu.memory_space<vmem>> -> memref<128xi32, #tpu.memory_space<vmem>>
      %dma_wait3A_172 = arith.constant 0 : i32
      %dma_wait3A_173 = arith.constant 0 : i32
      %dma_wait3A_174 = tpu.memref_slice %arg2[%dma_wait3A_172, %dma_wait3A_173] : memref<65536x64xf32, #tpu.memory_space<hbm>> -> memref<65536x64xf32, #tpu.memory_space<hbm>>
      tpu.wait_indirect_dma semaphore(%arg7 : memref<!tpu.dma_semaphore, #tpu.memory_space<semaphore_mem>>) src(%dma_wait3A_174 : memref<65536x64xf32, #tpu.memory_space<hbm>>) dst(%dma_wait3A_168 : memref<128x64xf32, #tpu.memory_space<vmem>>)
      %mul3A_175 = arith.constant 8 : i32
      %mul3A_176 = arith.muli %scan3A_8, %mul3A_175 : i32
      %add3A_177 = arith.constant 2 : i32
      %add3A_178 = arith.addi %mul3A_176, %add3A_177 : i32
      %mul3A_179 = arith.constant 128 : i32
      %mul3A_180 = arith.muli %add3A_178, %mul3A_179 : i32
      %add3A_181 = arith.addi %mul3A_2, %mul3A_180 : i32
      %run_scoped3A_182 = arith.constant 2 : i32
      "tpu.region"() ({
        %run_scoped3A_278 = tpu.sem_alloc : memref<!tpu.dma_semaphore, #tpu.memory_space<semaphore_mem>>
        %dma_start3A_279 = arith.constant 0 : i32
        %dma_start3A_280 = arith.constant 0 : i32
        %dma_start3A_281 = tpu.memref_slice %arg6[%run_scoped3A_182, %dma_start3A_279, %dma_start3A_280] : memref<8x128x64xf32, #tpu.memory_space<vmem>> -> memref<1x128x64xf32, #tpu.memory_space<vmem>>
        %dma_start3A_282 = tpu.memref_squeeze %dma_start3A_281 : memref<1x128x64xf32, #tpu.memory_space<vmem>> -> memref<128x64xf32, #tpu.memory_space<vmem>>
        %dma_start3A_283 = arith.constant 0 : i32
        %dma_start3A_284 = tpu.memref_slice %arg4[%add3A_181, %dma_start3A_283] : memref<262144x64xf32, #tpu.memory_space<hbm>> -> memref<128x64xf32, #tpu.memory_space<hbm>>
        %dma_start3A_285 = arith.constant 0 : i32
        %dma_start3A_286 = tpu.memref_slice %arg4[%add3A_181, %dma_start3A_285] : memref<262144x64xf32, #tpu.memory_space<hbm>> -> memref<128x64xf32, #tpu.memory_space<hbm>>
        %dma_start3A_287 = arith.constant 0 : i32
        %dma_start3A_288 = arith.constant 0 : i32
        %dma_start3A_289 = tpu.memref_slice %arg6[%run_scoped3A_182, %dma_start3A_287, %dma_start3A_288] : memref<8x128x64xf32, #tpu.memory_space<vmem>> -> memref<1x128x64xf32, #tpu.memory_space<vmem>>
        %dma_start3A_290 = tpu.memref_squeeze %dma_start3A_289 : memref<1x128x64xf32, #tpu.memory_space<vmem>> -> memref<128x64xf32, #tpu.memory_space<vmem>>
        tpu.enqueue_dma source(%dma_start3A_290 : memref<128x64xf32, #tpu.memory_space<vmem>>) target(%dma_start3A_286 : memref<128x64xf32, #tpu.memory_space<hbm>>) target_semaphore(%run_scoped3A_278 : memref<!tpu.dma_semaphore, #tpu.memory_space<semaphore_mem>>)
        %dma_wait3A_291 = arith.constant 0 : i32
        %dma_wait3A_292 = arith.constant 0 : i32
        %dma_wait3A_293 = tpu.memref_slice %arg6[%run_scoped3A_182, %dma_wait3A_291, %dma_wait3A_292] : memref<8x128x64xf32, #tpu.memory_space<vmem>> -> memref<1x128x64xf32, #tpu.memory_space<vmem>>
        %dma_wait3A_294 = tpu.memref_squeeze %dma_wait3A_293 : memref<1x128x64xf32, #tpu.memory_space<vmem>> -> memref<128x64xf32, #tpu.memory_space<vmem>>
        %dma_wait3A_295 = arith.constant 0 : i32
        %dma_wait3A_296 = tpu.memref_slice %arg4[%add3A_181, %dma_wait3A_295] : memref<262144x64xf32, #tpu.memory_space<hbm>> -> memref<128x64xf32, #tpu.memory_space<hbm>>
        %dma_wait3A_297 = arith.constant 0 : i32
        %dma_wait3A_298 = tpu.memref_slice %arg4[%add3A_181, %dma_wait3A_297] : memref<262144x64xf32, #tpu.memory_space<hbm>> -> memref<128x64xf32, #tpu.memory_space<hbm>>
        %dma_wait3A_299 = arith.constant 0 : i32
        %dma_wait3A_300 = arith.constant 0 : i32
        %dma_wait3A_301 = tpu.memref_slice %arg6[%run_scoped3A_182, %dma_wait3A_299, %dma_wait3A_300] : memref<8x128x64xf32, #tpu.memory_space<vmem>> -> memref<1x128x64xf32, #tpu.memory_space<vmem>>
        %dma_wait3A_302 = tpu.memref_squeeze %dma_wait3A_301 : memref<1x128x64xf32, #tpu.memory_space<vmem>> -> memref<128x64xf32, #tpu.memory_space<vmem>>
        tpu.wait_dma2 semaphore(%run_scoped3A_278 : memref<!tpu.dma_semaphore, #tpu.memory_space<semaphore_mem>>) src(%dma_wait3A_302 : memref<128x64xf32, #tpu.memory_space<vmem>>) dst(%dma_wait3A_298 : memref<128x64xf32, #tpu.memory_space<hbm>>)
        tpu.yield
      }) : () -> ()
      %dma_wait3A_183 = arith.constant 3 : i32
      %dma_wait3A_184 = arith.constant 0 : i32
      %dma_wait3A_185 = arith.constant 0 : i32
      %dma_wait3A_186 = tpu.memref_slice %arg6[%dma_wait3A_183, %dma_wait3A_184, %dma_wait3A_185] : memref<8x128x64xf32, #tpu.memory_space<vmem>> -> memref<1x128x64xf32, #tpu.memory_space<vmem>>
      %dma_wait3A_187 = tpu.memref_squeeze %dma_wait3A_186 : memref<1x128x64xf32, #tpu.memory_space<vmem>> -> memref<128x64xf32, #tpu.memory_space<vmem>>
      %dma_wait3A_188 = arith.constant 0 : i32
      %dma_wait3A_189 = tpu.memref_slice %arg5[%add3A_56, %dma_wait3A_188] : memref<64x128xi32, #tpu.memory_space<vmem>> -> memref<1x128xi32, #tpu.memory_space<vmem>>
      %dma_wait3A_190 = tpu.memref_squeeze %dma_wait3A_189 : memref<1x128xi32, #tpu.memory_space<vmem>> -> memref<128xi32, #tpu.memory_space<vmem>>
      %dma_wait3A_191 = arith.constant 0 : i32
      %dma_wait3A_192 = arith.constant 0 : i32
      %dma_wait3A_193 = tpu.memref_slice %arg2[%dma_wait3A_191, %dma_wait3A_192] : memref<65536x64xf32, #tpu.memory_space<hbm>> -> memref<65536x64xf32, #tpu.memory_space<hbm>>
      tpu.wait_indirect_dma semaphore(%arg7 : memref<!tpu.dma_semaphore, #tpu.memory_space<semaphore_mem>>) src(%dma_wait3A_193 : memref<65536x64xf32, #tpu.memory_space<hbm>>) dst(%dma_wait3A_187 : memref<128x64xf32, #tpu.memory_space<vmem>>)
      %mul3A_194 = arith.constant 8 : i32
      %mul3A_195 = arith.muli %scan3A_8, %mul3A_194 : i32
      %add3A_196 = arith.constant 3 : i32
      %add3A_197 = arith.addi %mul3A_195, %add3A_196 : i32
      %mul3A_198 = arith.constant 128 : i32
      %mul3A_199 = arith.muli %add3A_197, %mul3A_198 : i32
      %add3A_200 = arith.addi %mul3A_2, %mul3A_199 : i32
      %run_scoped3A_201 = arith.constant 3 : i32
      "tpu.region"() ({
        %run_scoped3A_278 = tpu.sem_alloc : memref<!tpu.dma_semaphore, #tpu.memory_space<semaphore_mem>>
        %dma_start3A_279 = arith.constant 0 : i32
        %dma_start3A_280 = arith.constant 0 : i32
        %dma_start3A_281 = tpu.memref_slice %arg6[%run_scoped3A_201, %dma_start3A_279, %dma_start3A_280] : memref<8x128x64xf32, #tpu.memory_space<vmem>> -> memref<1x128x64xf32, #tpu.memory_space<vmem>>
        %dma_start3A_282 = tpu.memref_squeeze %dma_start3A_281 : memref<1x128x64xf32, #tpu.memory_space<vmem>> -> memref<128x64xf32, #tpu.memory_space<vmem>>
        %dma_start3A_283 = arith.constant 0 : i32
        %dma_start3A_284 = tpu.memref_slice %arg4[%add3A_200, %dma_start3A_283] : memref<262144x64xf32, #tpu.memory_space<hbm>> -> memref<128x64xf32, #tpu.memory_space<hbm>>
        %dma_start3A_285 = arith.constant 0 : i32
        %dma_start3A_286 = tpu.memref_slice %arg4[%add3A_200, %dma_start3A_285] : memref<262144x64xf32, #tpu.memory_space<hbm>> -> memref<128x64xf32, #tpu.memory_space<hbm>>
        %dma_start3A_287 = arith.constant 0 : i32
        %dma_start3A_288 = arith.constant 0 : i32
        %dma_start3A_289 = tpu.memref_slice %arg6[%run_scoped3A_201, %dma_start3A_287, %dma_start3A_288] : memref<8x128x64xf32, #tpu.memory_space<vmem>> -> memref<1x128x64xf32, #tpu.memory_space<vmem>>
        %dma_start3A_290 = tpu.memref_squeeze %dma_start3A_289 : memref<1x128x64xf32, #tpu.memory_space<vmem>> -> memref<128x64xf32, #tpu.memory_space<vmem>>
        tpu.enqueue_dma source(%dma_start3A_290 : memref<128x64xf32, #tpu.memory_space<vmem>>) target(%dma_start3A_286 : memref<128x64xf32, #tpu.memory_space<hbm>>) target_semaphore(%run_scoped3A_278 : memref<!tpu.dma_semaphore, #tpu.memory_space<semaphore_mem>>)
        %dma_wait3A_291 = arith.constant 0 : i32
        %dma_wait3A_292 = arith.constant 0 : i32
        %dma_wait3A_293 = tpu.memref_slice %arg6[%run_scoped3A_201, %dma_wait3A_291, %dma_wait3A_292] : memref<8x128x64xf32, #tpu.memory_space<vmem>> -> memref<1x128x64xf32, #tpu.memory_space<vmem>>
        %dma_wait3A_294 = tpu.memref_squeeze %dma_wait3A_293 : memref<1x128x64xf32, #tpu.memory_space<vmem>> -> memref<128x64xf32, #tpu.memory_space<vmem>>
        %dma_wait3A_295 = arith.constant 0 : i32
        %dma_wait3A_296 = tpu.memref_slice %arg4[%add3A_200, %dma_wait3A_295] : memref<262144x64xf32, #tpu.memory_space<hbm>> -> memref<128x64xf32, #tpu.memory_space<hbm>>
        %dma_wait3A_297 = arith.constant 0 : i32
        %dma_wait3A_298 = tpu.memref_slice %arg4[%add3A_200, %dma_wait3A_297] : memref<262144x64xf32, #tpu.memory_space<hbm>> -> memref<128x64xf32, #tpu.memory_space<hbm>>
        %dma_wait3A_299 = arith.constant 0 : i32
        %dma_wait3A_300 = arith.constant 0 : i32
        %dma_wait3A_301 = tpu.memref_slice %arg6[%run_scoped3A_201, %dma_wait3A_299, %dma_wait3A_300] : memref<8x128x64xf32, #tpu.memory_space<vmem>> -> memref<1x128x64xf32, #tpu.memory_space<vmem>>
        %dma_wait3A_302 = tpu.memref_squeeze %dma_wait3A_301 : memref<1x128x64xf32, #tpu.memory_space<vmem>> -> memref<128x64xf32, #tpu.memory_space<vmem>>
        tpu.wait_dma2 semaphore(%run_scoped3A_278 : memref<!tpu.dma_semaphore, #tpu.memory_space<semaphore_mem>>) src(%dma_wait3A_302 : memref<128x64xf32, #tpu.memory_space<vmem>>) dst(%dma_wait3A_298 : memref<128x64xf32, #tpu.memory_space<hbm>>)
        tpu.yield
      }) : () -> ()
      %dma_wait3A_202 = arith.constant 4 : i32
      %dma_wait3A_203 = arith.constant 0 : i32
      %dma_wait3A_204 = arith.constant 0 : i32
      %dma_wait3A_205 = tpu.memref_slice %arg6[%dma_wait3A_202, %dma_wait3A_203, %dma_wait3A_204] : memref<8x128x64xf32, #tpu.memory_space<vmem>> -> memref<1x128x64xf32, #tpu.memory_space<vmem>>
      %dma_wait3A_206 = tpu.memref_squeeze %dma_wait3A_205 : memref<1x128x64xf32, #tpu.memory_space<vmem>> -> memref<128x64xf32, #tpu.memory_space<vmem>>
      %dma_wait3A_207 = arith.constant 0 : i32
      %dma_wait3A_208 = tpu.memref_slice %arg5[%add3A_71, %dma_wait3A_207] : memref<64x128xi32, #tpu.memory_space<vmem>> -> memref<1x128xi32, #tpu.memory_space<vmem>>
      %dma_wait3A_209 = tpu.memref_squeeze %dma_wait3A_208 : memref<1x128xi32, #tpu.memory_space<vmem>> -> memref<128xi32, #tpu.memory_space<vmem>>
      %dma_wait3A_210 = arith.constant 0 : i32
      %dma_wait3A_211 = arith.constant 0 : i32
      %dma_wait3A_212 = tpu.memref_slice %arg2[%dma_wait3A_210, %dma_wait3A_211] : memref<65536x64xf32, #tpu.memory_space<hbm>> -> memref<65536x64xf32, #tpu.memory_space<hbm>>
      tpu.wait_indirect_dma semaphore(%arg7 : memref<!tpu.dma_semaphore, #tpu.memory_space<semaphore_mem>>) src(%dma_wait3A_212 : memref<65536x64xf32, #tpu.memory_space<hbm>>) dst(%dma_wait3A_206 : memref<128x64xf32, #tpu.memory_space<vmem>>)
      %mul3A_213 = arith.constant 8 : i32
      %mul3A_214 = arith.muli %scan3A_8, %mul3A_213 : i32
      %add3A_215 = arith.constant 4 : i32
      %add3A_216 = arith.addi %mul3A_214, %add3A_215 : i32
      %mul3A_217 = arith.constant 128 : i32
      %mul3A_218 = arith.muli %add3A_216, %mul3A_217 : i32
      %add3A_219 = arith.addi %mul3A_2, %mul3A_218 : i32
      %run_scoped3A_220 = arith.constant 4 : i32
      "tpu.region"() ({
        %run_scoped3A_278 = tpu.sem_alloc : memref<!tpu.dma_semaphore, #tpu.memory_space<semaphore_mem>>
        %dma_start3A_279 = arith.constant 0 : i32
        %dma_start3A_280 = arith.constant 0 : i32
        %dma_start3A_281 = tpu.memref_slice %arg6[%run_scoped3A_220, %dma_start3A_279, %dma_start3A_280] : memref<8x128x64xf32, #tpu.memory_space<vmem>> -> memref<1x128x64xf32, #tpu.memory_space<vmem>>
        %dma_start3A_282 = tpu.memref_squeeze %dma_start3A_281 : memref<1x128x64xf32, #tpu.memory_space<vmem>> -> memref<128x64xf32, #tpu.memory_space<vmem>>
        %dma_start3A_283 = arith.constant 0 : i32
        %dma_start3A_284 = tpu.memref_slice %arg4[%add3A_219, %dma_start3A_283] : memref<262144x64xf32, #tpu.memory_space<hbm>> -> memref<128x64xf32, #tpu.memory_space<hbm>>
        %dma_start3A_285 = arith.constant 0 : i32
        %dma_start3A_286 = tpu.memref_slice %arg4[%add3A_219, %dma_start3A_285] : memref<262144x64xf32, #tpu.memory_space<hbm>> -> memref<128x64xf32, #tpu.memory_space<hbm>>
        %dma_start3A_287 = arith.constant 0 : i32
        %dma_start3A_288 = arith.constant 0 : i32
        %dma_start3A_289 = tpu.memref_slice %arg6[%run_scoped3A_220, %dma_start3A_287, %dma_start3A_288] : memref<8x128x64xf32, #tpu.memory_space<vmem>> -> memref<1x128x64xf32, #tpu.memory_space<vmem>>
        %dma_start3A_290 = tpu.memref_squeeze %dma_start3A_289 : memref<1x128x64xf32, #tpu.memory_space<vmem>> -> memref<128x64xf32, #tpu.memory_space<vmem>>
        tpu.enqueue_dma source(%dma_start3A_290 : memref<128x64xf32, #tpu.memory_space<vmem>>) target(%dma_start3A_286 : memref<128x64xf32, #tpu.memory_space<hbm>>) target_semaphore(%run_scoped3A_278 : memref<!tpu.dma_semaphore, #tpu.memory_space<semaphore_mem>>)
        %dma_wait3A_291 = arith.constant 0 : i32
        %dma_wait3A_292 = arith.constant 0 : i32
        %dma_wait3A_293 = tpu.memref_slice %arg6[%run_scoped3A_220, %dma_wait3A_291, %dma_wait3A_292] : memref<8x128x64xf32, #tpu.memory_space<vmem>> -> memref<1x128x64xf32, #tpu.memory_space<vmem>>
        %dma_wait3A_294 = tpu.memref_squeeze %dma_wait3A_293 : memref<1x128x64xf32, #tpu.memory_space<vmem>> -> memref<128x64xf32, #tpu.memory_space<vmem>>
        %dma_wait3A_295 = arith.constant 0 : i32
        %dma_wait3A_296 = tpu.memref_slice %arg4[%add3A_219, %dma_wait3A_295] : memref<262144x64xf32, #tpu.memory_space<hbm>> -> memref<128x64xf32, #tpu.memory_space<hbm>>
        %dma_wait3A_297 = arith.constant 0 : i32
        %dma_wait3A_298 = tpu.memref_slice %arg4[%add3A_219, %dma_wait3A_297] : memref<262144x64xf32, #tpu.memory_space<hbm>> -> memref<128x64xf32, #tpu.memory_space<hbm>>
        %dma_wait3A_299 = arith.constant 0 : i32
        %dma_wait3A_300 = arith.constant 0 : i32
        %dma_wait3A_301 = tpu.memref_slice %arg6[%run_scoped3A_220, %dma_wait3A_299, %dma_wait3A_300] : memref<8x128x64xf32, #tpu.memory_space<vmem>> -> memref<1x128x64xf32, #tpu.memory_space<vmem>>
        %dma_wait3A_302 = tpu.memref_squeeze %dma_wait3A_301 : memref<1x128x64xf32, #tpu.memory_space<vmem>> -> memref<128x64xf32, #tpu.memory_space<vmem>>
        tpu.wait_dma2 semaphore(%run_scoped3A_278 : memref<!tpu.dma_semaphore, #tpu.memory_space<semaphore_mem>>) src(%dma_wait3A_302 : memref<128x64xf32, #tpu.memory_space<vmem>>) dst(%dma_wait3A_298 : memref<128x64xf32, #tpu.memory_space<hbm>>)
        tpu.yield
      }) : () -> ()
      %dma_wait3A_221 = arith.constant 5 : i32
      %dma_wait3A_222 = arith.constant 0 : i32
      %dma_wait3A_223 = arith.constant 0 : i32
      %dma_wait3A_224 = tpu.memref_slice %arg6[%dma_wait3A_221, %dma_wait3A_222, %dma_wait3A_223] : memref<8x128x64xf32, #tpu.memory_space<vmem>> -> memref<1x128x64xf32, #tpu.memory_space<vmem>>
      %dma_wait3A_225 = tpu.memref_squeeze %dma_wait3A_224 : memref<1x128x64xf32, #tpu.memory_space<vmem>> -> memref<128x64xf32, #tpu.memory_space<vmem>>
      %dma_wait3A_226 = arith.constant 0 : i32
      %dma_wait3A_227 = tpu.memref_slice %arg5[%add3A_86, %dma_wait3A_226] : memref<64x128xi32, #tpu.memory_space<vmem>> -> memref<1x128xi32, #tpu.memory_space<vmem>>
      %dma_wait3A_228 = tpu.memref_squeeze %dma_wait3A_227 : memref<1x128xi32, #tpu.memory_space<vmem>> -> memref<128xi32, #tpu.memory_space<vmem>>
      %dma_wait3A_229 = arith.constant 0 : i32
      %dma_wait3A_230 = arith.constant 0 : i32
      %dma_wait3A_231 = tpu.memref_slice %arg2[%dma_wait3A_229, %dma_wait3A_230] : memref<65536x64xf32, #tpu.memory_space<hbm>> -> memref<65536x64xf32, #tpu.memory_space<hbm>>
      tpu.wait_indirect_dma semaphore(%arg7 : memref<!tpu.dma_semaphore, #tpu.memory_space<semaphore_mem>>) src(%dma_wait3A_231 : memref<65536x64xf32, #tpu.memory_space<hbm>>) dst(%dma_wait3A_225 : memref<128x64xf32, #tpu.memory_space<vmem>>)
      %mul3A_232 = arith.constant 8 : i32
      %mul3A_233 = arith.muli %scan3A_8, %mul3A_232 : i32
      %add3A_234 = arith.constant 5 : i32
      %add3A_235 = arith.addi %mul3A_233, %add3A_234 : i32
      %mul3A_236 = arith.constant 128 : i32
      %mul3A_237 = arith.muli %add3A_235, %mul3A_236 : i32
      %add3A_238 = arith.addi %mul3A_2, %mul3A_237 : i32
      %run_scoped3A_239 = arith.constant 5 : i32
      "tpu.region"() ({
        %run_scoped3A_278 = tpu.sem_alloc : memref<!tpu.dma_semaphore, #tpu.memory_space<semaphore_mem>>
        %dma_start3A_279 = arith.constant 0 : i32
        %dma_start3A_280 = arith.constant 0 : i32
        %dma_start3A_281 = tpu.memref_slice %arg6[%run_scoped3A_239, %dma_start3A_279, %dma_start3A_280] : memref<8x128x64xf32, #tpu.memory_space<vmem>> -> memref<1x128x64xf32, #tpu.memory_space<vmem>>
        %dma_start3A_282 = tpu.memref_squeeze %dma_start3A_281 : memref<1x128x64xf32, #tpu.memory_space<vmem>> -> memref<128x64xf32, #tpu.memory_space<vmem>>
        %dma_start3A_283 = arith.constant 0 : i32
        %dma_start3A_284 = tpu.memref_slice %arg4[%add3A_238, %dma_start3A_283] : memref<262144x64xf32, #tpu.memory_space<hbm>> -> memref<128x64xf32, #tpu.memory_space<hbm>>
        %dma_start3A_285 = arith.constant 0 : i32
        %dma_start3A_286 = tpu.memref_slice %arg4[%add3A_238, %dma_start3A_285] : memref<262144x64xf32, #tpu.memory_space<hbm>> -> memref<128x64xf32, #tpu.memory_space<hbm>>
        %dma_start3A_287 = arith.constant 0 : i32
        %dma_start3A_288 = arith.constant 0 : i32
        %dma_start3A_289 = tpu.memref_slice %arg6[%run_scoped3A_239, %dma_start3A_287, %dma_start3A_288] : memref<8x128x64xf32, #tpu.memory_space<vmem>> -> memref<1x128x64xf32, #tpu.memory_space<vmem>>
        %dma_start3A_290 = tpu.memref_squeeze %dma_start3A_289 : memref<1x128x64xf32, #tpu.memory_space<vmem>> -> memref<128x64xf32, #tpu.memory_space<vmem>>
        tpu.enqueue_dma source(%dma_start3A_290 : memref<128x64xf32, #tpu.memory_space<vmem>>) target(%dma_start3A_286 : memref<128x64xf32, #tpu.memory_space<hbm>>) target_semaphore(%run_scoped3A_278 : memref<!tpu.dma_semaphore, #tpu.memory_space<semaphore_mem>>)
        %dma_wait3A_291 = arith.constant 0 : i32
        %dma_wait3A_292 = arith.constant 0 : i32
        %dma_wait3A_293 = tpu.memref_slice %arg6[%run_scoped3A_239, %dma_wait3A_291, %dma_wait3A_292] : memref<8x128x64xf32, #tpu.memory_space<vmem>> -> memref<1x128x64xf32, #tpu.memory_space<vmem>>
        %dma_wait3A_294 = tpu.memref_squeeze %dma_wait3A_293 : memref<1x128x64xf32, #tpu.memory_space<vmem>> -> memref<128x64xf32, #tpu.memory_space<vmem>>
        %dma_wait3A_295 = arith.constant 0 : i32
        %dma_wait3A_296 = tpu.memref_slice %arg4[%add3A_238, %dma_wait3A_295] : memref<262144x64xf32, #tpu.memory_space<hbm>> -> memref<128x64xf32, #tpu.memory_space<hbm>>
        %dma_wait3A_297 = arith.constant 0 : i32
        %dma_wait3A_298 = tpu.memref_slice %arg4[%add3A_238, %dma_wait3A_297] : memref<262144x64xf32, #tpu.memory_space<hbm>> -> memref<128x64xf32, #tpu.memory_space<hbm>>
        %dma_wait3A_299 = arith.constant 0 : i32
        %dma_wait3A_300 = arith.constant 0 : i32
        %dma_wait3A_301 = tpu.memref_slice %arg6[%run_scoped3A_239, %dma_wait3A_299, %dma_wait3A_300] : memref<8x128x64xf32, #tpu.memory_space<vmem>> -> memref<1x128x64xf32, #tpu.memory_space<vmem>>
        %dma_wait3A_302 = tpu.memref_squeeze %dma_wait3A_301 : memref<1x128x64xf32, #tpu.memory_space<vmem>> -> memref<128x64xf32, #tpu.memory_space<vmem>>
        tpu.wait_dma2 semaphore(%run_scoped3A_278 : memref<!tpu.dma_semaphore, #tpu.memory_space<semaphore_mem>>) src(%dma_wait3A_302 : memref<128x64xf32, #tpu.memory_space<vmem>>) dst(%dma_wait3A_298 : memref<128x64xf32, #tpu.memory_space<hbm>>)
        tpu.yield
      }) : () -> ()
      %dma_wait3A_240 = arith.constant 6 : i32
      %dma_wait3A_241 = arith.constant 0 : i32
      %dma_wait3A_242 = arith.constant 0 : i32
      %dma_wait3A_243 = tpu.memref_slice %arg6[%dma_wait3A_240, %dma_wait3A_241, %dma_wait3A_242] : memref<8x128x64xf32, #tpu.memory_space<vmem>> -> memref<1x128x64xf32, #tpu.memory_space<vmem>>
      %dma_wait3A_244 = tpu.memref_squeeze %dma_wait3A_243 : memref<1x128x64xf32, #tpu.memory_space<vmem>> -> memref<128x64xf32, #tpu.memory_space<vmem>>
      %dma_wait3A_245 = arith.constant 0 : i32
      %dma_wait3A_246 = tpu.memref_slice %arg5[%add3A_101, %dma_wait3A_245] : memref<64x128xi32, #tpu.memory_space<vmem>> -> memref<1x128xi32, #tpu.memory_space<vmem>>
      %dma_wait3A_247 = tpu.memref_squeeze %dma_wait3A_246 : memref<1x128xi32, #tpu.memory_space<vmem>> -> memref<128xi32, #tpu.memory_space<vmem>>
      %dma_wait3A_248 = arith.constant 0 : i32
      %dma_wait3A_249 = arith.constant 0 : i32
      %dma_wait3A_250 = tpu.memref_slice %arg2[%dma_wait3A_248, %dma_wait3A_249] : memref<65536x64xf32, #tpu.memory_space<hbm>> -> memref<65536x64xf32, #tpu.memory_space<hbm>>
      tpu.wait_indirect_dma semaphore(%arg7 : memref<!tpu.dma_semaphore, #tpu.memory_space<semaphore_mem>>) src(%dma_wait3A_250 : memref<65536x64xf32, #tpu.memory_space<hbm>>) dst(%dma_wait3A_244 : memref<128x64xf32, #tpu.memory_space<vmem>>)
      %mul3A_251 = arith.constant 8 : i32
      %mul3A_252 = arith.muli %scan3A_8, %mul3A_251 : i32
      %add3A_253 = arith.constant 6 : i32
      %add3A_254 = arith.addi %mul3A_252, %add3A_253 : i32
      %mul3A_255 = arith.constant 128 : i32
      %mul3A_256 = arith.muli %add3A_254, %mul3A_255 : i32
      %add3A_257 = arith.addi %mul3A_2, %mul3A_256 : i32
      %run_scoped3A_258 = arith.constant 6 : i32
      "tpu.region"() ({
        %run_scoped3A_278 = tpu.sem_alloc : memref<!tpu.dma_semaphore, #tpu.memory_space<semaphore_mem>>
        %dma_start3A_279 = arith.constant 0 : i32
        %dma_start3A_280 = arith.constant 0 : i32
        %dma_start3A_281 = tpu.memref_slice %arg6[%run_scoped3A_258, %dma_start3A_279, %dma_start3A_280] : memref<8x128x64xf32, #tpu.memory_space<vmem>> -> memref<1x128x64xf32, #tpu.memory_space<vmem>>
        %dma_start3A_282 = tpu.memref_squeeze %dma_start3A_281 : memref<1x128x64xf32, #tpu.memory_space<vmem>> -> memref<128x64xf32, #tpu.memory_space<vmem>>
        %dma_start3A_283 = arith.constant 0 : i32
        %dma_start3A_284 = tpu.memref_slice %arg4[%add3A_257, %dma_start3A_283] : memref<262144x64xf32, #tpu.memory_space<hbm>> -> memref<128x64xf32, #tpu.memory_space<hbm>>
        %dma_start3A_285 = arith.constant 0 : i32
        %dma_start3A_286 = tpu.memref_slice %arg4[%add3A_257, %dma_start3A_285] : memref<262144x64xf32, #tpu.memory_space<hbm>> -> memref<128x64xf32, #tpu.memory_space<hbm>>
        %dma_start3A_287 = arith.constant 0 : i32
        %dma_start3A_288 = arith.constant 0 : i32
        %dma_start3A_289 = tpu.memref_slice %arg6[%run_scoped3A_258, %dma_start3A_287, %dma_start3A_288] : memref<8x128x64xf32, #tpu.memory_space<vmem>> -> memref<1x128x64xf32, #tpu.memory_space<vmem>>
        %dma_start3A_290 = tpu.memref_squeeze %dma_start3A_289 : memref<1x128x64xf32, #tpu.memory_space<vmem>> -> memref<128x64xf32, #tpu.memory_space<vmem>>
        tpu.enqueue_dma source(%dma_start3A_290 : memref<128x64xf32, #tpu.memory_space<vmem>>) target(%dma_start3A_286 : memref<128x64xf32, #tpu.memory_space<hbm>>) target_semaphore(%run_scoped3A_278 : memref<!tpu.dma_semaphore, #tpu.memory_space<semaphore_mem>>)
        %dma_wait3A_291 = arith.constant 0 : i32
        %dma_wait3A_292 = arith.constant 0 : i32
        %dma_wait3A_293 = tpu.memref_slice %arg6[%run_scoped3A_258, %dma_wait3A_291, %dma_wait3A_292] : memref<8x128x64xf32, #tpu.memory_space<vmem>> -> memref<1x128x64xf32, #tpu.memory_space<vmem>>
        %dma_wait3A_294 = tpu.memref_squeeze %dma_wait3A_293 : memref<1x128x64xf32, #tpu.memory_space<vmem>> -> memref<128x64xf32, #tpu.memory_space<vmem>>
        %dma_wait3A_295 = arith.constant 0 : i32
        %dma_wait3A_296 = tpu.memref_slice %arg4[%add3A_257, %dma_wait3A_295] : memref<262144x64xf32, #tpu.memory_space<hbm>> -> memref<128x64xf32, #tpu.memory_space<hbm>>
        %dma_wait3A_297 = arith.constant 0 : i32
        %dma_wait3A_298 = tpu.memref_slice %arg4[%add3A_257, %dma_wait3A_297] : memref<262144x64xf32, #tpu.memory_space<hbm>> -> memref<128x64xf32, #tpu.memory_space<hbm>>
        %dma_wait3A_299 = arith.constant 0 : i32
        %dma_wait3A_300 = arith.constant 0 : i32
        %dma_wait3A_301 = tpu.memref_slice %arg6[%run_scoped3A_258, %dma_wait3A_299, %dma_wait3A_300] : memref<8x128x64xf32, #tpu.memory_space<vmem>> -> memref<1x128x64xf32, #tpu.memory_space<vmem>>
        %dma_wait3A_302 = tpu.memref_squeeze %dma_wait3A_301 : memref<1x128x64xf32, #tpu.memory_space<vmem>> -> memref<128x64xf32, #tpu.memory_space<vmem>>
        tpu.wait_dma2 semaphore(%run_scoped3A_278 : memref<!tpu.dma_semaphore, #tpu.memory_space<semaphore_mem>>) src(%dma_wait3A_302 : memref<128x64xf32, #tpu.memory_space<vmem>>) dst(%dma_wait3A_298 : memref<128x64xf32, #tpu.memory_space<hbm>>)
        tpu.yield
      }) : () -> ()
      %dma_wait3A_259 = arith.constant 7 : i32
      %dma_wait3A_260 = arith.constant 0 : i32
      %dma_wait3A_261 = arith.constant 0 : i32
      %dma_wait3A_262 = tpu.memref_slice %arg6[%dma_wait3A_259, %dma_wait3A_260, %dma_wait3A_261] : memref<8x128x64xf32, #tpu.memory_space<vmem>> -> memref<1x128x64xf32, #tpu.memory_space<vmem>>
      %dma_wait3A_263 = tpu.memref_squeeze %dma_wait3A_262 : memref<1x128x64xf32, #tpu.memory_space<vmem>> -> memref<128x64xf32, #tpu.memory_space<vmem>>
      %dma_wait3A_264 = arith.constant 0 : i32
      %dma_wait3A_265 = tpu.memref_slice %arg5[%add3A_116, %dma_wait3A_264] : memref<64x128xi32, #tpu.memory_space<vmem>> -> memref<1x128xi32, #tpu.memory_space<vmem>>
      %dma_wait3A_266 = tpu.memref_squeeze %dma_wait3A_265 : memref<1x128xi32, #tpu.memory_space<vmem>> -> memref<128xi32, #tpu.memory_space<vmem>>
      %dma_wait3A_267 = arith.constant 0 : i32
      %dma_wait3A_268 = arith.constant 0 : i32
      %dma_wait3A_269 = tpu.memref_slice %arg2[%dma_wait3A_267, %dma_wait3A_268] : memref<65536x64xf32, #tpu.memory_space<hbm>> -> memref<65536x64xf32, #tpu.memory_space<hbm>>
      tpu.wait_indirect_dma semaphore(%arg7 : memref<!tpu.dma_semaphore, #tpu.memory_space<semaphore_mem>>) src(%dma_wait3A_269 : memref<65536x64xf32, #tpu.memory_space<hbm>>) dst(%dma_wait3A_263 : memref<128x64xf32, #tpu.memory_space<vmem>>)
      %mul3A_270 = arith.constant 8 : i32
      %mul3A_271 = arith.muli %scan3A_8, %mul3A_270 : i32
      %add3A_272 = arith.constant 7 : i32
      %add3A_273 = arith.addi %mul3A_271, %add3A_272 : i32
      %mul3A_274 = arith.constant 128 : i32
      %mul3A_275 = arith.muli %add3A_273, %mul3A_274 : i32
      %add3A_276 = arith.addi %mul3A_2, %mul3A_275 : i32
      %run_scoped3A_277 = arith.constant 7 : i32
      "tpu.region"() ({
        %run_scoped3A_278 = tpu.sem_alloc : memref<!tpu.dma_semaphore, #tpu.memory_space<semaphore_mem>>
        %dma_start3A_279 = arith.constant 0 : i32
        %dma_start3A_280 = arith.constant 0 : i32
        %dma_start3A_281 = tpu.memref_slice %arg6[%run_scoped3A_277, %dma_start3A_279, %dma_start3A_280] : memref<8x128x64xf32, #tpu.memory_space<vmem>> -> memref<1x128x64xf32, #tpu.memory_space<vmem>>
        %dma_start3A_282 = tpu.memref_squeeze %dma_start3A_281 : memref<1x128x64xf32, #tpu.memory_space<vmem>> -> memref<128x64xf32, #tpu.memory_space<vmem>>
        %dma_start3A_283 = arith.constant 0 : i32
        %dma_start3A_284 = tpu.memref_slice %arg4[%add3A_276, %dma_start3A_283] : memref<262144x64xf32, #tpu.memory_space<hbm>> -> memref<128x64xf32, #tpu.memory_space<hbm>>
        %dma_start3A_285 = arith.constant 0 : i32
        %dma_start3A_286 = tpu.memref_slice %arg4[%add3A_276, %dma_start3A_285] : memref<262144x64xf32, #tpu.memory_space<hbm>> -> memref<128x64xf32, #tpu.memory_space<hbm>>
        %dma_start3A_287 = arith.constant 0 : i32
        %dma_start3A_288 = arith.constant 0 : i32
        %dma_start3A_289 = tpu.memref_slice %arg6[%run_scoped3A_277, %dma_start3A_287, %dma_start3A_288] : memref<8x128x64xf32, #tpu.memory_space<vmem>> -> memref<1x128x64xf32, #tpu.memory_space<vmem>>
        %dma_start3A_290 = tpu.memref_squeeze %dma_start3A_289 : memref<1x128x64xf32, #tpu.memory_space<vmem>> -> memref<128x64xf32, #tpu.memory_space<vmem>>
        tpu.enqueue_dma source(%dma_start3A_290 : memref<128x64xf32, #tpu.memory_space<vmem>>) target(%dma_start3A_286 : memref<128x64xf32, #tpu.memory_space<hbm>>) target_semaphore(%run_scoped3A_278 : memref<!tpu.dma_semaphore, #tpu.memory_space<semaphore_mem>>)
        %dma_wait3A_291 = arith.constant 0 : i32
        %dma_wait3A_292 = arith.constant 0 : i32
        %dma_wait3A_293 = tpu.memref_slice %arg6[%run_scoped3A_277, %dma_wait3A_291, %dma_wait3A_292] : memref<8x128x64xf32, #tpu.memory_space<vmem>> -> memref<1x128x64xf32, #tpu.memory_space<vmem>>
        %dma_wait3A_294 = tpu.memref_squeeze %dma_wait3A_293 : memref<1x128x64xf32, #tpu.memory_space<vmem>> -> memref<128x64xf32, #tpu.memory_space<vmem>>
        %dma_wait3A_295 = arith.constant 0 : i32
        %dma_wait3A_296 = tpu.memref_slice %arg4[%add3A_276, %dma_wait3A_295] : memref<262144x64xf32, #tpu.memory_space<hbm>> -> memref<128x64xf32, #tpu.memory_space<hbm>>
        %dma_wait3A_297 = arith.constant 0 : i32
        %dma_wait3A_298 = tpu.memref_slice %arg4[%add3A_276, %dma_wait3A_297] : memref<262144x64xf32, #tpu.memory_space<hbm>> -> memref<128x64xf32, #tpu.memory_space<hbm>>
        %dma_wait3A_299 = arith.constant 0 : i32
        %dma_wait3A_300 = arith.constant 0 : i32
        %dma_wait3A_301 = tpu.memref_slice %arg6[%run_scoped3A_277, %dma_wait3A_299, %dma_wait3A_300] : memref<8x128x64xf32, #tpu.memory_space<vmem>> -> memref<1x128x64xf32, #tpu.memory_space<vmem>>
        %dma_wait3A_302 = tpu.memref_squeeze %dma_wait3A_301 : memref<1x128x64xf32, #tpu.memory_space<vmem>> -> memref<128x64xf32, #tpu.memory_space<vmem>>
        tpu.wait_dma2 semaphore(%run_scoped3A_278 : memref<!tpu.dma_semaphore, #tpu.memory_space<semaphore_mem>>) src(%dma_wait3A_302 : memref<128x64xf32, #tpu.memory_space<vmem>>) dst(%dma_wait3A_298 : memref<128x64xf32, #tpu.memory_space<hbm>>)
        tpu.yield
      }) : () -> ()
    }
    %scan3A_7 = arith.constant 8 : i32
    return
  }
}

module attributes {stable_mosaic.version = 14 : i64} {
  func.func @_fps_body(%arg0: memref<8x64x128xf32, #tpu.memory_space<vmem>>, %arg1: memref<8x64x128xf32, #tpu.memory_space<vmem>>, %arg2: memref<8x64x128xf32, #tpu.memory_space<vmem>>, %arg3: memref<8x8x128xi32, #tpu.memory_space<vmem>>, %arg4: memref<8x8x128xf32, #tpu.memory_space<vmem>>, %arg5: memref<8x8x128xf32, #tpu.memory_space<vmem>>, %arg6: memref<8x8x128xf32, #tpu.memory_space<vmem>>) attributes {dimension_semantics = [], scalar_prefetch = 0 : i64, scratch_operands = 0 : i64, tpu.core_type = #tpu.core_type<tc>} {
    %iota3A = tpu.iota {dimensions = array<i32: 0>} : vector<64x128xi32>
    %mul3A = arith.constant 128 : i32
    %mul3A_0 = vector.broadcast %mul3A : i32 to vector<64x128xi32>
    %mul3A_1 = arith.muli %iota3A, %mul3A_0 : vector<64x128xi32>
    %iota3A_2 = tpu.iota {dimensions = array<i32: 1>} : vector<64x128xi32>
    %add3A = arith.addi %mul3A_1, %iota3A_2 : vector<64x128xi32>
    %convert_element_type3A = arith.sitofp %add3A : vector<64x128xi32> to vector<64x128xf32>
    %iota3A_3 = tpu.iota {dimensions = array<i32: 0>} : vector<8x128xi32>
    %mul3A_4 = arith.constant 128 : i32
    %mul3A_5 = vector.broadcast %mul3A_4 : i32 to vector<8x128xi32>
    %mul3A_6 = arith.muli %iota3A_3, %mul3A_5 : vector<8x128xi32>
    %iota3A_7 = tpu.iota {dimensions = array<i32: 1>} : vector<8x128xi32>
    %add3A_8 = arith.addi %mul3A_6, %iota3A_7 : vector<8x128xi32>
    %get3A = arith.constant 0 : index
    %get3A_9 = arith.constant 0 : index
    %get3A_10 = arith.constant 0 : index
    %get3A_11 = vector.load %arg0[%get3A, %get3A_9, %get3A_10] : memref<8x64x128xf32, #tpu.memory_space<vmem>>, vector<1x64x128xf32>
    %get3A_12 = vector.shape_cast %get3A_11 : vector<1x64x128xf32> to vector<64x128xf32>
    %mul3A_13 = arith.constant 0.000000e+00 : f32
    %mul3A_14 = vector.broadcast %mul3A_13 : f32 to vector<64x128xf32>
    %mul3A_15 = arith.mulf %get3A_12, %mul3A_14 : vector<64x128xf32>
    %add3A_16 = arith.constant 1.000000e+10 : f32
    %add3A_17 = vector.broadcast %add3A_16 : f32 to vector<64x128xf32>
    %add3A_18 = arith.addf %mul3A_15, %add3A_17 : vector<64x128xf32>
    %get3A_19 = arith.constant 0 : index
    %get3A_20 = arith.constant 0 : index
    %get3A_21 = arith.constant 0 : index
    %get3A_22 = vector.load %arg0[%get3A_19, %get3A_20, %get3A_21] : memref<8x64x128xf32, #tpu.memory_space<vmem>>, vector<1x64x128xf32>
    %get3A_23 = vector.shape_cast %get3A_22 : vector<1x64x128xf32> to vector<64x128xf32>
    %reduce_min3A = arith.constant dense<0x7F800000> : vector<128xf32>
    %reduce_min3A_24 = vector.multi_reduction <minimumf>, %get3A_23, %reduce_min3A [0] : vector<64x128xf32> to vector<128xf32>
    %broadcast_in_dim3A = vector.shape_cast %reduce_min3A_24 : vector<128xf32> to vector<1x128xf32>
    %reduce_min3A_25 = arith.constant dense<0x7F800000> : vector<1xf32>
    %reduce_min3A_26 = vector.multi_reduction <minimumf>, %broadcast_in_dim3A, %reduce_min3A_25 [1] : vector<1x128xf32> to vector<1xf32>
    %broadcast_in_dim3A_27 = vector.shape_cast %reduce_min3A_26 : vector<1xf32> to vector<1x1xf32>
    %mul3A_28 = arith.constant 0.000000e+00 : f32
    %mul3A_29 = vector.broadcast %mul3A_28 : f32 to vector<1x1xf32>
    %mul3A_30 = arith.mulf %broadcast_in_dim3A_27, %mul3A_29 : vector<1x1xf32>
    %convert_element_type3A_31 = arith.sitofp %add3A_8 : vector<8x128xi32> to vector<8x128xf32>
    %mul3A_32 = arith.constant 0.000000e+00 : f32
    %mul3A_33 = vector.broadcast %mul3A_32 : f32 to vector<8x128xf32>
    %mul3A_34 = arith.mulf %convert_element_type3A_31, %mul3A_33 : vector<8x128xf32>
    %get3A_35 = arith.constant 1 : index
    %get3A_36 = arith.constant 0 : index
    %get3A_37 = arith.constant 0 : index
    %get3A_38 = vector.load %arg0[%get3A_35, %get3A_36, %get3A_37] : memref<8x64x128xf32, #tpu.memory_space<vmem>>, vector<1x64x128xf32>
    %get3A_39 = vector.shape_cast %get3A_38 : vector<1x64x128xf32> to vector<64x128xf32>
    %mul3A_40 = arith.constant 0.000000e+00 : f32
    %mul3A_41 = vector.broadcast %mul3A_40 : f32 to vector<64x128xf32>
    %mul3A_42 = arith.mulf %get3A_39, %mul3A_41 : vector<64x128xf32>
    %add3A_43 = arith.constant 1.000000e+10 : f32
    %add3A_44 = vector.broadcast %add3A_43 : f32 to vector<64x128xf32>
    %add3A_45 = arith.addf %mul3A_42, %add3A_44 : vector<64x128xf32>
    %get3A_46 = arith.constant 1 : index
    %get3A_47 = arith.constant 0 : index
    %get3A_48 = arith.constant 0 : index
    %get3A_49 = vector.load %arg0[%get3A_46, %get3A_47, %get3A_48] : memref<8x64x128xf32, #tpu.memory_space<vmem>>, vector<1x64x128xf32>
    %get3A_50 = vector.shape_cast %get3A_49 : vector<1x64x128xf32> to vector<64x128xf32>
    %reduce_min3A_51 = arith.constant dense<0x7F800000> : vector<128xf32>
    %reduce_min3A_52 = vector.multi_reduction <minimumf>, %get3A_50, %reduce_min3A_51 [0] : vector<64x128xf32> to vector<128xf32>
    %broadcast_in_dim3A_53 = vector.shape_cast %reduce_min3A_52 : vector<128xf32> to vector<1x128xf32>
    %reduce_min3A_54 = arith.constant dense<0x7F800000> : vector<1xf32>
    %reduce_min3A_55 = vector.multi_reduction <minimumf>, %broadcast_in_dim3A_53, %reduce_min3A_54 [1] : vector<1x128xf32> to vector<1xf32>
    %broadcast_in_dim3A_56 = vector.shape_cast %reduce_min3A_55 : vector<1xf32> to vector<1x1xf32>
    %mul3A_57 = arith.constant 0.000000e+00 : f32
    %mul3A_58 = vector.broadcast %mul3A_57 : f32 to vector<1x1xf32>
    %mul3A_59 = arith.mulf %broadcast_in_dim3A_56, %mul3A_58 : vector<1x1xf32>
    %convert_element_type3A_60 = arith.sitofp %add3A_8 : vector<8x128xi32> to vector<8x128xf32>
    %mul3A_61 = arith.constant 0.000000e+00 : f32
    %mul3A_62 = vector.broadcast %mul3A_61 : f32 to vector<8x128xf32>
    %mul3A_63 = arith.mulf %convert_element_type3A_60, %mul3A_62 : vector<8x128xf32>
    %get3A_64 = arith.constant 2 : index
    %get3A_65 = arith.constant 0 : index
    %get3A_66 = arith.constant 0 : index
    %get3A_67 = vector.load %arg0[%get3A_64, %get3A_65, %get3A_66] : memref<8x64x128xf32, #tpu.memory_space<vmem>>, vector<1x64x128xf32>
    %get3A_68 = vector.shape_cast %get3A_67 : vector<1x64x128xf32> to vector<64x128xf32>
    %mul3A_69 = arith.constant 0.000000e+00 : f32
    %mul3A_70 = vector.broadcast %mul3A_69 : f32 to vector<64x128xf32>
    %mul3A_71 = arith.mulf %get3A_68, %mul3A_70 : vector<64x128xf32>
    %add3A_72 = arith.constant 1.000000e+10 : f32
    %add3A_73 = vector.broadcast %add3A_72 : f32 to vector<64x128xf32>
    %add3A_74 = arith.addf %mul3A_71, %add3A_73 : vector<64x128xf32>
    %get3A_75 = arith.constant 2 : index
    %get3A_76 = arith.constant 0 : index
    %get3A_77 = arith.constant 0 : index
    %get3A_78 = vector.load %arg0[%get3A_75, %get3A_76, %get3A_77] : memref<8x64x128xf32, #tpu.memory_space<vmem>>, vector<1x64x128xf32>
    %get3A_79 = vector.shape_cast %get3A_78 : vector<1x64x128xf32> to vector<64x128xf32>
    %reduce_min3A_80 = arith.constant dense<0x7F800000> : vector<128xf32>
    %reduce_min3A_81 = vector.multi_reduction <minimumf>, %get3A_79, %reduce_min3A_80 [0] : vector<64x128xf32> to vector<128xf32>
    %broadcast_in_dim3A_82 = vector.shape_cast %reduce_min3A_81 : vector<128xf32> to vector<1x128xf32>
    %reduce_min3A_83 = arith.constant dense<0x7F800000> : vector<1xf32>
    %reduce_min3A_84 = vector.multi_reduction <minimumf>, %broadcast_in_dim3A_82, %reduce_min3A_83 [1] : vector<1x128xf32> to vector<1xf32>
    %broadcast_in_dim3A_85 = vector.shape_cast %reduce_min3A_84 : vector<1xf32> to vector<1x1xf32>
    %mul3A_86 = arith.constant 0.000000e+00 : f32
    %mul3A_87 = vector.broadcast %mul3A_86 : f32 to vector<1x1xf32>
    %mul3A_88 = arith.mulf %broadcast_in_dim3A_85, %mul3A_87 : vector<1x1xf32>
    %convert_element_type3A_89 = arith.sitofp %add3A_8 : vector<8x128xi32> to vector<8x128xf32>
    %mul3A_90 = arith.constant 0.000000e+00 : f32
    %mul3A_91 = vector.broadcast %mul3A_90 : f32 to vector<8x128xf32>
    %mul3A_92 = arith.mulf %convert_element_type3A_89, %mul3A_91 : vector<8x128xf32>
    %get3A_93 = arith.constant 3 : index
    %get3A_94 = arith.constant 0 : index
    %get3A_95 = arith.constant 0 : index
    %get3A_96 = vector.load %arg0[%get3A_93, %get3A_94, %get3A_95] : memref<8x64x128xf32, #tpu.memory_space<vmem>>, vector<1x64x128xf32>
    %get3A_97 = vector.shape_cast %get3A_96 : vector<1x64x128xf32> to vector<64x128xf32>
    %mul3A_98 = arith.constant 0.000000e+00 : f32
    %mul3A_99 = vector.broadcast %mul3A_98 : f32 to vector<64x128xf32>
    %mul3A_100 = arith.mulf %get3A_97, %mul3A_99 : vector<64x128xf32>
    %add3A_101 = arith.constant 1.000000e+10 : f32
    %add3A_102 = vector.broadcast %add3A_101 : f32 to vector<64x128xf32>
    %add3A_103 = arith.addf %mul3A_100, %add3A_102 : vector<64x128xf32>
    %get3A_104 = arith.constant 3 : index
    %get3A_105 = arith.constant 0 : index
    %get3A_106 = arith.constant 0 : index
    %get3A_107 = vector.load %arg0[%get3A_104, %get3A_105, %get3A_106] : memref<8x64x128xf32, #tpu.memory_space<vmem>>, vector<1x64x128xf32>
    %get3A_108 = vector.shape_cast %get3A_107 : vector<1x64x128xf32> to vector<64x128xf32>
    %reduce_min3A_109 = arith.constant dense<0x7F800000> : vector<128xf32>
    %reduce_min3A_110 = vector.multi_reduction <minimumf>, %get3A_108, %reduce_min3A_109 [0] : vector<64x128xf32> to vector<128xf32>
    %broadcast_in_dim3A_111 = vector.shape_cast %reduce_min3A_110 : vector<128xf32> to vector<1x128xf32>
    %reduce_min3A_112 = arith.constant dense<0x7F800000> : vector<1xf32>
    %reduce_min3A_113 = vector.multi_reduction <minimumf>, %broadcast_in_dim3A_111, %reduce_min3A_112 [1] : vector<1x128xf32> to vector<1xf32>
    %broadcast_in_dim3A_114 = vector.shape_cast %reduce_min3A_113 : vector<1xf32> to vector<1x1xf32>
    %mul3A_115 = arith.constant 0.000000e+00 : f32
    %mul3A_116 = vector.broadcast %mul3A_115 : f32 to vector<1x1xf32>
    %mul3A_117 = arith.mulf %broadcast_in_dim3A_114, %mul3A_116 : vector<1x1xf32>
    %convert_element_type3A_118 = arith.sitofp %add3A_8 : vector<8x128xi32> to vector<8x128xf32>
    %mul3A_119 = arith.constant 0.000000e+00 : f32
    %mul3A_120 = vector.broadcast %mul3A_119 : f32 to vector<8x128xf32>
    %mul3A_121 = arith.mulf %convert_element_type3A_118, %mul3A_120 : vector<8x128xf32>
    %get3A_122 = arith.constant 4 : index
    %get3A_123 = arith.constant 0 : index
    %get3A_124 = arith.constant 0 : index
    %get3A_125 = vector.load %arg0[%get3A_122, %get3A_123, %get3A_124] : memref<8x64x128xf32, #tpu.memory_space<vmem>>, vector<1x64x128xf32>
    %get3A_126 = vector.shape_cast %get3A_125 : vector<1x64x128xf32> to vector<64x128xf32>
    %mul3A_127 = arith.constant 0.000000e+00 : f32
    %mul3A_128 = vector.broadcast %mul3A_127 : f32 to vector<64x128xf32>
    %mul3A_129 = arith.mulf %get3A_126, %mul3A_128 : vector<64x128xf32>
    %add3A_130 = arith.constant 1.000000e+10 : f32
    %add3A_131 = vector.broadcast %add3A_130 : f32 to vector<64x128xf32>
    %add3A_132 = arith.addf %mul3A_129, %add3A_131 : vector<64x128xf32>
    %get3A_133 = arith.constant 4 : index
    %get3A_134 = arith.constant 0 : index
    %get3A_135 = arith.constant 0 : index
    %get3A_136 = vector.load %arg0[%get3A_133, %get3A_134, %get3A_135] : memref<8x64x128xf32, #tpu.memory_space<vmem>>, vector<1x64x128xf32>
    %get3A_137 = vector.shape_cast %get3A_136 : vector<1x64x128xf32> to vector<64x128xf32>
    %reduce_min3A_138 = arith.constant dense<0x7F800000> : vector<128xf32>
    %reduce_min3A_139 = vector.multi_reduction <minimumf>, %get3A_137, %reduce_min3A_138 [0] : vector<64x128xf32> to vector<128xf32>
    %broadcast_in_dim3A_140 = vector.shape_cast %reduce_min3A_139 : vector<128xf32> to vector<1x128xf32>
    %reduce_min3A_141 = arith.constant dense<0x7F800000> : vector<1xf32>
    %reduce_min3A_142 = vector.multi_reduction <minimumf>, %broadcast_in_dim3A_140, %reduce_min3A_141 [1] : vector<1x128xf32> to vector<1xf32>
    %broadcast_in_dim3A_143 = vector.shape_cast %reduce_min3A_142 : vector<1xf32> to vector<1x1xf32>
    %mul3A_144 = arith.constant 0.000000e+00 : f32
    %mul3A_145 = vector.broadcast %mul3A_144 : f32 to vector<1x1xf32>
    %mul3A_146 = arith.mulf %broadcast_in_dim3A_143, %mul3A_145 : vector<1x1xf32>
    %convert_element_type3A_147 = arith.sitofp %add3A_8 : vector<8x128xi32> to vector<8x128xf32>
    %mul3A_148 = arith.constant 0.000000e+00 : f32
    %mul3A_149 = vector.broadcast %mul3A_148 : f32 to vector<8x128xf32>
    %mul3A_150 = arith.mulf %convert_element_type3A_147, %mul3A_149 : vector<8x128xf32>
    %get3A_151 = arith.constant 5 : index
    %get3A_152 = arith.constant 0 : index
    %get3A_153 = arith.constant 0 : index
    %get3A_154 = vector.load %arg0[%get3A_151, %get3A_152, %get3A_153] : memref<8x64x128xf32, #tpu.memory_space<vmem>>, vector<1x64x128xf32>
    %get3A_155 = vector.shape_cast %get3A_154 : vector<1x64x128xf32> to vector<64x128xf32>
    %mul3A_156 = arith.constant 0.000000e+00 : f32
    %mul3A_157 = vector.broadcast %mul3A_156 : f32 to vector<64x128xf32>
    %mul3A_158 = arith.mulf %get3A_155, %mul3A_157 : vector<64x128xf32>
    %add3A_159 = arith.constant 1.000000e+10 : f32
    %add3A_160 = vector.broadcast %add3A_159 : f32 to vector<64x128xf32>
    %add3A_161 = arith.addf %mul3A_158, %add3A_160 : vector<64x128xf32>
    %get3A_162 = arith.constant 5 : index
    %get3A_163 = arith.constant 0 : index
    %get3A_164 = arith.constant 0 : index
    %get3A_165 = vector.load %arg0[%get3A_162, %get3A_163, %get3A_164] : memref<8x64x128xf32, #tpu.memory_space<vmem>>, vector<1x64x128xf32>
    %get3A_166 = vector.shape_cast %get3A_165 : vector<1x64x128xf32> to vector<64x128xf32>
    %reduce_min3A_167 = arith.constant dense<0x7F800000> : vector<128xf32>
    %reduce_min3A_168 = vector.multi_reduction <minimumf>, %get3A_166, %reduce_min3A_167 [0] : vector<64x128xf32> to vector<128xf32>
    %broadcast_in_dim3A_169 = vector.shape_cast %reduce_min3A_168 : vector<128xf32> to vector<1x128xf32>
    %reduce_min3A_170 = arith.constant dense<0x7F800000> : vector<1xf32>
    %reduce_min3A_171 = vector.multi_reduction <minimumf>, %broadcast_in_dim3A_169, %reduce_min3A_170 [1] : vector<1x128xf32> to vector<1xf32>
    %broadcast_in_dim3A_172 = vector.shape_cast %reduce_min3A_171 : vector<1xf32> to vector<1x1xf32>
    %mul3A_173 = arith.constant 0.000000e+00 : f32
    %mul3A_174 = vector.broadcast %mul3A_173 : f32 to vector<1x1xf32>
    %mul3A_175 = arith.mulf %broadcast_in_dim3A_172, %mul3A_174 : vector<1x1xf32>
    %convert_element_type3A_176 = arith.sitofp %add3A_8 : vector<8x128xi32> to vector<8x128xf32>
    %mul3A_177 = arith.constant 0.000000e+00 : f32
    %mul3A_178 = vector.broadcast %mul3A_177 : f32 to vector<8x128xf32>
    %mul3A_179 = arith.mulf %convert_element_type3A_176, %mul3A_178 : vector<8x128xf32>
    %get3A_180 = arith.constant 6 : index
    %get3A_181 = arith.constant 0 : index
    %get3A_182 = arith.constant 0 : index
    %get3A_183 = vector.load %arg0[%get3A_180, %get3A_181, %get3A_182] : memref<8x64x128xf32, #tpu.memory_space<vmem>>, vector<1x64x128xf32>
    %get3A_184 = vector.shape_cast %get3A_183 : vector<1x64x128xf32> to vector<64x128xf32>
    %mul3A_185 = arith.constant 0.000000e+00 : f32
    %mul3A_186 = vector.broadcast %mul3A_185 : f32 to vector<64x128xf32>
    %mul3A_187 = arith.mulf %get3A_184, %mul3A_186 : vector<64x128xf32>
    %add3A_188 = arith.constant 1.000000e+10 : f32
    %add3A_189 = vector.broadcast %add3A_188 : f32 to vector<64x128xf32>
    %add3A_190 = arith.addf %mul3A_187, %add3A_189 : vector<64x128xf32>
    %get3A_191 = arith.constant 6 : index
    %get3A_192 = arith.constant 0 : index
    %get3A_193 = arith.constant 0 : index
    %get3A_194 = vector.load %arg0[%get3A_191, %get3A_192, %get3A_193] : memref<8x64x128xf32, #tpu.memory_space<vmem>>, vector<1x64x128xf32>
    %get3A_195 = vector.shape_cast %get3A_194 : vector<1x64x128xf32> to vector<64x128xf32>
    %reduce_min3A_196 = arith.constant dense<0x7F800000> : vector<128xf32>
    %reduce_min3A_197 = vector.multi_reduction <minimumf>, %get3A_195, %reduce_min3A_196 [0] : vector<64x128xf32> to vector<128xf32>
    %broadcast_in_dim3A_198 = vector.shape_cast %reduce_min3A_197 : vector<128xf32> to vector<1x128xf32>
    %reduce_min3A_199 = arith.constant dense<0x7F800000> : vector<1xf32>
    %reduce_min3A_200 = vector.multi_reduction <minimumf>, %broadcast_in_dim3A_198, %reduce_min3A_199 [1] : vector<1x128xf32> to vector<1xf32>
    %broadcast_in_dim3A_201 = vector.shape_cast %reduce_min3A_200 : vector<1xf32> to vector<1x1xf32>
    %mul3A_202 = arith.constant 0.000000e+00 : f32
    %mul3A_203 = vector.broadcast %mul3A_202 : f32 to vector<1x1xf32>
    %mul3A_204 = arith.mulf %broadcast_in_dim3A_201, %mul3A_203 : vector<1x1xf32>
    %convert_element_type3A_205 = arith.sitofp %add3A_8 : vector<8x128xi32> to vector<8x128xf32>
    %mul3A_206 = arith.constant 0.000000e+00 : f32
    %mul3A_207 = vector.broadcast %mul3A_206 : f32 to vector<8x128xf32>
    %mul3A_208 = arith.mulf %convert_element_type3A_205, %mul3A_207 : vector<8x128xf32>
    %get3A_209 = arith.constant 7 : index
    %get3A_210 = arith.constant 0 : index
    %get3A_211 = arith.constant 0 : index
    %get3A_212 = vector.load %arg0[%get3A_209, %get3A_210, %get3A_211] : memref<8x64x128xf32, #tpu.memory_space<vmem>>, vector<1x64x128xf32>
    %get3A_213 = vector.shape_cast %get3A_212 : vector<1x64x128xf32> to vector<64x128xf32>
    %mul3A_214 = arith.constant 0.000000e+00 : f32
    %mul3A_215 = vector.broadcast %mul3A_214 : f32 to vector<64x128xf32>
    %mul3A_216 = arith.mulf %get3A_213, %mul3A_215 : vector<64x128xf32>
    %add3A_217 = arith.constant 1.000000e+10 : f32
    %add3A_218 = vector.broadcast %add3A_217 : f32 to vector<64x128xf32>
    %add3A_219 = arith.addf %mul3A_216, %add3A_218 : vector<64x128xf32>
    %get3A_220 = arith.constant 7 : index
    %get3A_221 = arith.constant 0 : index
    %get3A_222 = arith.constant 0 : index
    %get3A_223 = vector.load %arg0[%get3A_220, %get3A_221, %get3A_222] : memref<8x64x128xf32, #tpu.memory_space<vmem>>, vector<1x64x128xf32>
    %get3A_224 = vector.shape_cast %get3A_223 : vector<1x64x128xf32> to vector<64x128xf32>
    %reduce_min3A_225 = arith.constant dense<0x7F800000> : vector<128xf32>
    %reduce_min3A_226 = vector.multi_reduction <minimumf>, %get3A_224, %reduce_min3A_225 [0] : vector<64x128xf32> to vector<128xf32>
    %broadcast_in_dim3A_227 = vector.shape_cast %reduce_min3A_226 : vector<128xf32> to vector<1x128xf32>
    %reduce_min3A_228 = arith.constant dense<0x7F800000> : vector<1xf32>
    %reduce_min3A_229 = vector.multi_reduction <minimumf>, %broadcast_in_dim3A_227, %reduce_min3A_228 [1] : vector<1x128xf32> to vector<1xf32>
    %broadcast_in_dim3A_230 = vector.shape_cast %reduce_min3A_229 : vector<1xf32> to vector<1x1xf32>
    %mul3A_231 = arith.constant 0.000000e+00 : f32
    %mul3A_232 = vector.broadcast %mul3A_231 : f32 to vector<1x1xf32>
    %mul3A_233 = arith.mulf %broadcast_in_dim3A_230, %mul3A_232 : vector<1x1xf32>
    %convert_element_type3A_234 = arith.sitofp %add3A_8 : vector<8x128xi32> to vector<8x128xf32>
    %mul3A_235 = arith.constant 0.000000e+00 : f32
    %mul3A_236 = vector.broadcast %mul3A_235 : f32 to vector<8x128xf32>
    %mul3A_237 = arith.mulf %convert_element_type3A_234, %mul3A_236 : vector<8x128xf32>
    %scan3A = arith.constant 0 : i32
    %scan3A_238 = arith.constant 1024 : i32
    %scan3A_239 = arith.addi %scan3A, %scan3A_238 : i32
    %scan3A_240 = arith.constant 1 : i32
    %scan3A_241:48 = scf.for %scan3A_442 = %scan3A to %scan3A_239 step %scan3A_240 iter_args(%scan3A_443 = %add3A_18, %scan3A_444 = %mul3A_30, %scan3A_445 = %mul3A_34, %scan3A_446 = %mul3A_34, %scan3A_447 = %mul3A_34, %scan3A_448 = %mul3A_34, %scan3A_449 = %add3A_45, %scan3A_450 = %mul3A_59, %scan3A_451 = %mul3A_63, %scan3A_452 = %mul3A_63, %scan3A_453 = %mul3A_63, %scan3A_454 = %mul3A_63, %scan3A_455 = %add3A_74, %scan3A_456 = %mul3A_88, %scan3A_457 = %mul3A_92, %scan3A_458 = %mul3A_92, %scan3A_459 = %mul3A_92, %scan3A_460 = %mul3A_92, %scan3A_461 = %add3A_103, %scan3A_462 = %mul3A_117, %scan3A_463 = %mul3A_121, %scan3A_464 = %mul3A_121, %scan3A_465 = %mul3A_121, %scan3A_466 = %mul3A_121, %scan3A_467 = %add3A_132, %scan3A_468 = %mul3A_146, %scan3A_469 = %mul3A_150, %scan3A_470 = %mul3A_150, %scan3A_471 = %mul3A_150, %scan3A_472 = %mul3A_150, %scan3A_473 = %add3A_161, %scan3A_474 = %mul3A_175, %scan3A_475 = %mul3A_179, %scan3A_476 = %mul3A_179, %scan3A_477 = %mul3A_179, %scan3A_478 = %mul3A_179, %scan3A_479 = %add3A_190, %scan3A_480 = %mul3A_204, %scan3A_481 = %mul3A_208, %scan3A_482 = %mul3A_208, %scan3A_483 = %mul3A_208, %scan3A_484 = %mul3A_208, %scan3A_485 = %add3A_219, %scan3A_486 = %mul3A_233, %scan3A_487 = %mul3A_237, %scan3A_488 = %mul3A_237, %scan3A_489 = %mul3A_237, %scan3A_490 = %mul3A_237) -> (vector<64x128xf32>, vector<1x1xf32>, vector<8x128xf32>, vector<8x128xf32>, vector<8x128xf32>, vector<8x128xf32>, vector<64x128xf32>, vector<1x1xf32>, vector<8x128xf32>, vector<8x128xf32>, vector<8x128xf32>, vector<8x128xf32>, vector<64x128xf32>, vector<1x1xf32>, vector<8x128xf32>, vector<8x128xf32>, vector<8x128xf32>, vector<8x128xf32>, vector<64x128xf32>, vector<1x1xf32>, vector<8x128xf32>, vector<8x128xf32>, vector<8x128xf32>, vector<8x128xf32>, vector<64x128xf32>, vector<1x1xf32>, vector<8x128xf32>, vector<8x128xf32>, vector<8x128xf32>, vector<8x128xf32>, vector<64x128xf32>, vector<1x1xf32>, vector<8x128xf32>, vector<8x128xf32>, vector<8x128xf32>, vector<8x128xf32>, vector<64x128xf32>, vector<1x1xf32>, vector<8x128xf32>, vector<8x128xf32>, vector<8x128xf32>, vector<8x128xf32>, vector<64x128xf32>, vector<1x1xf32>, vector<8x128xf32>, vector<8x128xf32>, vector<8x128xf32>, vector<8x128xf32>)  : i32 {
      %eq3A = vector.broadcast %scan3A_442 : i32 to vector<8x128xi32>
      %eq3A_491 = arith.cmpi eq, %add3A_8, %eq3A : vector<8x128xi32>
      %eq3A_492 = vector.broadcast %scan3A_444 : vector<1x1xf32> to vector<64x128xf32>
      %eq3A_493 = arith.cmpf oeq, %convert_element_type3A, %eq3A_492 : vector<64x128xf32>
      %get3A_494 = arith.constant 0 : index
      %get3A_495 = arith.constant 0 : index
      %get3A_496 = arith.constant 0 : index
      %get3A_497 = vector.load %arg0[%get3A_494, %get3A_495, %get3A_496] : memref<8x64x128xf32, #tpu.memory_space<vmem>>, vector<1x64x128xf32>
      %get3A_498 = vector.shape_cast %get3A_497 : vector<1x64x128xf32> to vector<64x128xf32>
      %jit3A = arith.constant 0.000000e+00 : f32
      %broadcast_in_dim3A_499 = vector.broadcast %jit3A : f32 to vector<64x128xf32>
      %select_n3A = arith.select %eq3A_493, %get3A_498, %broadcast_in_dim3A_499 : vector<64x128xi1>, vector<64x128xf32>
      %reduce_sum3A = arith.constant dense<0.000000e+00> : vector<128xf32>
      %reduce_sum3A_500 = vector.multi_reduction <add>, %select_n3A, %reduce_sum3A [0] : vector<64x128xf32> to vector<128xf32>
      %broadcast_in_dim3A_501 = vector.shape_cast %reduce_sum3A_500 : vector<128xf32> to vector<1x128xf32>
      %reduce_sum3A_502 = arith.constant dense<0.000000e+00> : vector<1xf32>
      %reduce_sum3A_503 = vector.multi_reduction <add>, %broadcast_in_dim3A_501, %reduce_sum3A_502 [1] : vector<1x128xf32> to vector<1xf32>
      %broadcast_in_dim3A_504 = vector.shape_cast %reduce_sum3A_503 : vector<1xf32> to vector<1x1xf32>
      %get3A_505 = arith.constant 0 : index
      %get3A_506 = arith.constant 0 : index
      %get3A_507 = arith.constant 0 : index
      %get3A_508 = vector.load %arg1[%get3A_505, %get3A_506, %get3A_507] : memref<8x64x128xf32, #tpu.memory_space<vmem>>, vector<1x64x128xf32>
      %get3A_509 = vector.shape_cast %get3A_508 : vector<1x64x128xf32> to vector<64x128xf32>
      %jit3A_510 = arith.constant 0.000000e+00 : f32
      %broadcast_in_dim3A_511 = vector.broadcast %jit3A_510 : f32 to vector<64x128xf32>
      %select_n3A_512 = arith.select %eq3A_493, %get3A_509, %broadcast_in_dim3A_511 : vector<64x128xi1>, vector<64x128xf32>
      %reduce_sum3A_513 = arith.constant dense<0.000000e+00> : vector<128xf32>
      %reduce_sum3A_514 = vector.multi_reduction <add>, %select_n3A_512, %reduce_sum3A_513 [0] : vector<64x128xf32> to vector<128xf32>
      %broadcast_in_dim3A_515 = vector.shape_cast %reduce_sum3A_514 : vector<128xf32> to vector<1x128xf32>
      %reduce_sum3A_516 = arith.constant dense<0.000000e+00> : vector<1xf32>
      %reduce_sum3A_517 = vector.multi_reduction <add>, %broadcast_in_dim3A_515, %reduce_sum3A_516 [1] : vector<1x128xf32> to vector<1xf32>
      %broadcast_in_dim3A_518 = vector.shape_cast %reduce_sum3A_517 : vector<1xf32> to vector<1x1xf32>
      %get3A_519 = arith.constant 0 : index
      %get3A_520 = arith.constant 0 : index
      %get3A_521 = arith.constant 0 : index
      %get3A_522 = vector.load %arg2[%get3A_519, %get3A_520, %get3A_521] : memref<8x64x128xf32, #tpu.memory_space<vmem>>, vector<1x64x128xf32>
      %get3A_523 = vector.shape_cast %get3A_522 : vector<1x64x128xf32> to vector<64x128xf32>
      %jit3A_524 = arith.constant 0.000000e+00 : f32
      %broadcast_in_dim3A_525 = vector.broadcast %jit3A_524 : f32 to vector<64x128xf32>
      %select_n3A_526 = arith.select %eq3A_493, %get3A_523, %broadcast_in_dim3A_525 : vector<64x128xi1>, vector<64x128xf32>
      %reduce_sum3A_527 = arith.constant dense<0.000000e+00> : vector<128xf32>
      %reduce_sum3A_528 = vector.multi_reduction <add>, %select_n3A_526, %reduce_sum3A_527 [0] : vector<64x128xf32> to vector<128xf32>
      %broadcast_in_dim3A_529 = vector.shape_cast %reduce_sum3A_528 : vector<128xf32> to vector<1x128xf32>
      %reduce_sum3A_530 = arith.constant dense<0.000000e+00> : vector<1xf32>
      %reduce_sum3A_531 = vector.multi_reduction <add>, %broadcast_in_dim3A_529, %reduce_sum3A_530 [1] : vector<1x128xf32> to vector<1xf32>
      %broadcast_in_dim3A_532 = vector.shape_cast %reduce_sum3A_531 : vector<1xf32> to vector<1x1xf32>
      %broadcast_in_dim3A_533 = vector.shape_cast %scan3A_444 : vector<1x1xf32> to vector<1x1xf32>
      %broadcast_in_dim3A_534 = vector.broadcast %broadcast_in_dim3A_533 : vector<1x1xf32> to vector<8x128xf32>
      %select_n3A_535 = arith.select %eq3A_491, %broadcast_in_dim3A_534, %scan3A_445 : vector<8x128xi1>, vector<8x128xf32>
      %broadcast_in_dim3A_536 = vector.shape_cast %broadcast_in_dim3A_504 : vector<1x1xf32> to vector<1x1xf32>
      %broadcast_in_dim3A_537 = vector.broadcast %broadcast_in_dim3A_536 : vector<1x1xf32> to vector<8x128xf32>
      %select_n3A_538 = arith.select %eq3A_491, %broadcast_in_dim3A_537, %scan3A_446 : vector<8x128xi1>, vector<8x128xf32>
      %broadcast_in_dim3A_539 = vector.shape_cast %broadcast_in_dim3A_518 : vector<1x1xf32> to vector<1x1xf32>
      %broadcast_in_dim3A_540 = vector.broadcast %broadcast_in_dim3A_539 : vector<1x1xf32> to vector<8x128xf32>
      %select_n3A_541 = arith.select %eq3A_491, %broadcast_in_dim3A_540, %scan3A_447 : vector<8x128xi1>, vector<8x128xf32>
      %broadcast_in_dim3A_542 = vector.shape_cast %broadcast_in_dim3A_532 : vector<1x1xf32> to vector<1x1xf32>
      %broadcast_in_dim3A_543 = vector.broadcast %broadcast_in_dim3A_542 : vector<1x1xf32> to vector<8x128xf32>
      %select_n3A_544 = arith.select %eq3A_491, %broadcast_in_dim3A_543, %scan3A_448 : vector<8x128xi1>, vector<8x128xf32>
      %get3A_545 = arith.constant 0 : index
      %get3A_546 = arith.constant 0 : index
      %get3A_547 = arith.constant 0 : index
      %get3A_548 = vector.load %arg0[%get3A_545, %get3A_546, %get3A_547] : memref<8x64x128xf32, #tpu.memory_space<vmem>>, vector<1x64x128xf32>
      %get3A_549 = vector.shape_cast %get3A_548 : vector<1x64x128xf32> to vector<64x128xf32>
      %sub3A = vector.broadcast %broadcast_in_dim3A_504 : vector<1x1xf32> to vector<64x128xf32>
      %sub3A_550 = arith.subf %get3A_549, %sub3A : vector<64x128xf32>
      %get3A_551 = arith.constant 0 : index
      %get3A_552 = arith.constant 0 : index
      %get3A_553 = arith.constant 0 : index
      %get3A_554 = vector.load %arg1[%get3A_551, %get3A_552, %get3A_553] : memref<8x64x128xf32, #tpu.memory_space<vmem>>, vector<1x64x128xf32>
      %get3A_555 = vector.shape_cast %get3A_554 : vector<1x64x128xf32> to vector<64x128xf32>
      %sub3A_556 = vector.broadcast %broadcast_in_dim3A_518 : vector<1x1xf32> to vector<64x128xf32>
      %sub3A_557 = arith.subf %get3A_555, %sub3A_556 : vector<64x128xf32>
      %get3A_558 = arith.constant 0 : index
      %get3A_559 = arith.constant 0 : index
      %get3A_560 = arith.constant 0 : index
      %get3A_561 = vector.load %arg2[%get3A_558, %get3A_559, %get3A_560] : memref<8x64x128xf32, #tpu.memory_space<vmem>>, vector<1x64x128xf32>
      %get3A_562 = vector.shape_cast %get3A_561 : vector<1x64x128xf32> to vector<64x128xf32>
      %sub3A_563 = vector.broadcast %broadcast_in_dim3A_532 : vector<1x1xf32> to vector<64x128xf32>
      %sub3A_564 = arith.subf %get3A_562, %sub3A_563 : vector<64x128xf32>
      %mul3A_565 = arith.mulf %sub3A_550, %sub3A_550 : vector<64x128xf32>
      %mul3A_566 = arith.mulf %sub3A_564, %sub3A_564 : vector<64x128xf32>
      %add3A_567 = arith.addf %mul3A_565, %mul3A_566 : vector<64x128xf32>
      %mul3A_568 = arith.mulf %sub3A_557, %sub3A_557 : vector<64x128xf32>
      %add3A_569 = arith.addf %add3A_567, %mul3A_568 : vector<64x128xf32>
      %min3A = arith.minimumf %scan3A_443, %add3A_569 : vector<64x128xf32>
      %reduce_max3A = arith.constant dense<0xFF800000> : vector<128xf32>
      %reduce_max3A_570 = vector.multi_reduction <maximumf>, %min3A, %reduce_max3A [0] : vector<64x128xf32> to vector<128xf32>
      %broadcast_in_dim3A_571 = vector.shape_cast %reduce_max3A_570 : vector<128xf32> to vector<1x128xf32>
      %reduce_max3A_572 = arith.constant dense<0xFF800000> : vector<1xf32>
      %reduce_max3A_573 = vector.multi_reduction <maximumf>, %broadcast_in_dim3A_571, %reduce_max3A_572 [1] : vector<1x128xf32> to vector<1xf32>
      %broadcast_in_dim3A_574 = vector.shape_cast %reduce_max3A_573 : vector<1xf32> to vector<1x1xf32>
      %eq3A_575 = vector.broadcast %broadcast_in_dim3A_574 : vector<1x1xf32> to vector<64x128xf32>
      %eq3A_576 = arith.cmpf oeq, %min3A, %eq3A_575 : vector<64x128xf32>
      %jit3A_577 = arith.constant 8.192000e+03 : f32
      %broadcast_in_dim3A_578 = vector.broadcast %jit3A_577 : f32 to vector<64x128xf32>
      %select_n3A_579 = arith.select %eq3A_576, %convert_element_type3A, %broadcast_in_dim3A_578 : vector<64x128xi1>, vector<64x128xf32>
      %reduce_min3A_580 = arith.constant dense<0x7F800000> : vector<128xf32>
      %reduce_min3A_581 = vector.multi_reduction <minimumf>, %select_n3A_579, %reduce_min3A_580 [0] : vector<64x128xf32> to vector<128xf32>
      %broadcast_in_dim3A_582 = vector.shape_cast %reduce_min3A_581 : vector<128xf32> to vector<1x128xf32>
      %reduce_min3A_583 = arith.constant dense<0x7F800000> : vector<1xf32>
      %reduce_min3A_584 = vector.multi_reduction <minimumf>, %broadcast_in_dim3A_582, %reduce_min3A_583 [1] : vector<1x128xf32> to vector<1xf32>
      %broadcast_in_dim3A_585 = vector.shape_cast %reduce_min3A_584 : vector<1xf32> to vector<1x1xf32>
      %eq3A_586 = vector.broadcast %scan3A_450 : vector<1x1xf32> to vector<64x128xf32>
      %eq3A_587 = arith.cmpf oeq, %convert_element_type3A, %eq3A_586 : vector<64x128xf32>
      %get3A_588 = arith.constant 1 : index
      %get3A_589 = arith.constant 0 : index
      %get3A_590 = arith.constant 0 : index
      %get3A_591 = vector.load %arg0[%get3A_588, %get3A_589, %get3A_590] : memref<8x64x128xf32, #tpu.memory_space<vmem>>, vector<1x64x128xf32>
      %get3A_592 = vector.shape_cast %get3A_591 : vector<1x64x128xf32> to vector<64x128xf32>
      %jit3A_593 = arith.constant 0.000000e+00 : f32
      %broadcast_in_dim3A_594 = vector.broadcast %jit3A_593 : f32 to vector<64x128xf32>
      %select_n3A_595 = arith.select %eq3A_587, %get3A_592, %broadcast_in_dim3A_594 : vector<64x128xi1>, vector<64x128xf32>
      %reduce_sum3A_596 = arith.constant dense<0.000000e+00> : vector<128xf32>
      %reduce_sum3A_597 = vector.multi_reduction <add>, %select_n3A_595, %reduce_sum3A_596 [0] : vector<64x128xf32> to vector<128xf32>
      %broadcast_in_dim3A_598 = vector.shape_cast %reduce_sum3A_597 : vector<128xf32> to vector<1x128xf32>
      %reduce_sum3A_599 = arith.constant dense<0.000000e+00> : vector<1xf32>
      %reduce_sum3A_600 = vector.multi_reduction <add>, %broadcast_in_dim3A_598, %reduce_sum3A_599 [1] : vector<1x128xf32> to vector<1xf32>
      %broadcast_in_dim3A_601 = vector.shape_cast %reduce_sum3A_600 : vector<1xf32> to vector<1x1xf32>
      %get3A_602 = arith.constant 1 : index
      %get3A_603 = arith.constant 0 : index
      %get3A_604 = arith.constant 0 : index
      %get3A_605 = vector.load %arg1[%get3A_602, %get3A_603, %get3A_604] : memref<8x64x128xf32, #tpu.memory_space<vmem>>, vector<1x64x128xf32>
      %get3A_606 = vector.shape_cast %get3A_605 : vector<1x64x128xf32> to vector<64x128xf32>
      %jit3A_607 = arith.constant 0.000000e+00 : f32
      %broadcast_in_dim3A_608 = vector.broadcast %jit3A_607 : f32 to vector<64x128xf32>
      %select_n3A_609 = arith.select %eq3A_587, %get3A_606, %broadcast_in_dim3A_608 : vector<64x128xi1>, vector<64x128xf32>
      %reduce_sum3A_610 = arith.constant dense<0.000000e+00> : vector<128xf32>
      %reduce_sum3A_611 = vector.multi_reduction <add>, %select_n3A_609, %reduce_sum3A_610 [0] : vector<64x128xf32> to vector<128xf32>
      %broadcast_in_dim3A_612 = vector.shape_cast %reduce_sum3A_611 : vector<128xf32> to vector<1x128xf32>
      %reduce_sum3A_613 = arith.constant dense<0.000000e+00> : vector<1xf32>
      %reduce_sum3A_614 = vector.multi_reduction <add>, %broadcast_in_dim3A_612, %reduce_sum3A_613 [1] : vector<1x128xf32> to vector<1xf32>
      %broadcast_in_dim3A_615 = vector.shape_cast %reduce_sum3A_614 : vector<1xf32> to vector<1x1xf32>
      %get3A_616 = arith.constant 1 : index
      %get3A_617 = arith.constant 0 : index
      %get3A_618 = arith.constant 0 : index
      %get3A_619 = vector.load %arg2[%get3A_616, %get3A_617, %get3A_618] : memref<8x64x128xf32, #tpu.memory_space<vmem>>, vector<1x64x128xf32>
      %get3A_620 = vector.shape_cast %get3A_619 : vector<1x64x128xf32> to vector<64x128xf32>
      %jit3A_621 = arith.constant 0.000000e+00 : f32
      %broadcast_in_dim3A_622 = vector.broadcast %jit3A_621 : f32 to vector<64x128xf32>
      %select_n3A_623 = arith.select %eq3A_587, %get3A_620, %broadcast_in_dim3A_622 : vector<64x128xi1>, vector<64x128xf32>
      %reduce_sum3A_624 = arith.constant dense<0.000000e+00> : vector<128xf32>
      %reduce_sum3A_625 = vector.multi_reduction <add>, %select_n3A_623, %reduce_sum3A_624 [0] : vector<64x128xf32> to vector<128xf32>
      %broadcast_in_dim3A_626 = vector.shape_cast %reduce_sum3A_625 : vector<128xf32> to vector<1x128xf32>
      %reduce_sum3A_627 = arith.constant dense<0.000000e+00> : vector<1xf32>
      %reduce_sum3A_628 = vector.multi_reduction <add>, %broadcast_in_dim3A_626, %reduce_sum3A_627 [1] : vector<1x128xf32> to vector<1xf32>
      %broadcast_in_dim3A_629 = vector.shape_cast %reduce_sum3A_628 : vector<1xf32> to vector<1x1xf32>
      %broadcast_in_dim3A_630 = vector.shape_cast %scan3A_450 : vector<1x1xf32> to vector<1x1xf32>
      %broadcast_in_dim3A_631 = vector.broadcast %broadcast_in_dim3A_630 : vector<1x1xf32> to vector<8x128xf32>
      %select_n3A_632 = arith.select %eq3A_491, %broadcast_in_dim3A_631, %scan3A_451 : vector<8x128xi1>, vector<8x128xf32>
      %broadcast_in_dim3A_633 = vector.shape_cast %broadcast_in_dim3A_601 : vector<1x1xf32> to vector<1x1xf32>
      %broadcast_in_dim3A_634 = vector.broadcast %broadcast_in_dim3A_633 : vector<1x1xf32> to vector<8x128xf32>
      %select_n3A_635 = arith.select %eq3A_491, %broadcast_in_dim3A_634, %scan3A_452 : vector<8x128xi1>, vector<8x128xf32>
      %broadcast_in_dim3A_636 = vector.shape_cast %broadcast_in_dim3A_615 : vector<1x1xf32> to vector<1x1xf32>
      %broadcast_in_dim3A_637 = vector.broadcast %broadcast_in_dim3A_636 : vector<1x1xf32> to vector<8x128xf32>
      %select_n3A_638 = arith.select %eq3A_491, %broadcast_in_dim3A_637, %scan3A_453 : vector<8x128xi1>, vector<8x128xf32>
      %broadcast_in_dim3A_639 = vector.shape_cast %broadcast_in_dim3A_629 : vector<1x1xf32> to vector<1x1xf32>
      %broadcast_in_dim3A_640 = vector.broadcast %broadcast_in_dim3A_639 : vector<1x1xf32> to vector<8x128xf32>
      %select_n3A_641 = arith.select %eq3A_491, %broadcast_in_dim3A_640, %scan3A_454 : vector<8x128xi1>, vector<8x128xf32>
      %get3A_642 = arith.constant 1 : index
      %get3A_643 = arith.constant 0 : index
      %get3A_644 = arith.constant 0 : index
      %get3A_645 = vector.load %arg0[%get3A_642, %get3A_643, %get3A_644] : memref<8x64x128xf32, #tpu.memory_space<vmem>>, vector<1x64x128xf32>
      %get3A_646 = vector.shape_cast %get3A_645 : vector<1x64x128xf32> to vector<64x128xf32>
      %sub3A_647 = vector.broadcast %broadcast_in_dim3A_601 : vector<1x1xf32> to vector<64x128xf32>
      %sub3A_648 = arith.subf %get3A_646, %sub3A_647 : vector<64x128xf32>
      %get3A_649 = arith.constant 1 : index
      %get3A_650 = arith.constant 0 : index
      %get3A_651 = arith.constant 0 : index
      %get3A_652 = vector.load %arg1[%get3A_649, %get3A_650, %get3A_651] : memref<8x64x128xf32, #tpu.memory_space<vmem>>, vector<1x64x128xf32>
      %get3A_653 = vector.shape_cast %get3A_652 : vector<1x64x128xf32> to vector<64x128xf32>
      %sub3A_654 = vector.broadcast %broadcast_in_dim3A_615 : vector<1x1xf32> to vector<64x128xf32>
      %sub3A_655 = arith.subf %get3A_653, %sub3A_654 : vector<64x128xf32>
      %get3A_656 = arith.constant 1 : index
      %get3A_657 = arith.constant 0 : index
      %get3A_658 = arith.constant 0 : index
      %get3A_659 = vector.load %arg2[%get3A_656, %get3A_657, %get3A_658] : memref<8x64x128xf32, #tpu.memory_space<vmem>>, vector<1x64x128xf32>
      %get3A_660 = vector.shape_cast %get3A_659 : vector<1x64x128xf32> to vector<64x128xf32>
      %sub3A_661 = vector.broadcast %broadcast_in_dim3A_629 : vector<1x1xf32> to vector<64x128xf32>
      %sub3A_662 = arith.subf %get3A_660, %sub3A_661 : vector<64x128xf32>
      %mul3A_663 = arith.mulf %sub3A_648, %sub3A_648 : vector<64x128xf32>
      %mul3A_664 = arith.mulf %sub3A_662, %sub3A_662 : vector<64x128xf32>
      %add3A_665 = arith.addf %mul3A_663, %mul3A_664 : vector<64x128xf32>
      %mul3A_666 = arith.mulf %sub3A_655, %sub3A_655 : vector<64x128xf32>
      %add3A_667 = arith.addf %add3A_665, %mul3A_666 : vector<64x128xf32>
      %min3A_668 = arith.minimumf %scan3A_449, %add3A_667 : vector<64x128xf32>
      %reduce_max3A_669 = arith.constant dense<0xFF800000> : vector<128xf32>
      %reduce_max3A_670 = vector.multi_reduction <maximumf>, %min3A_668, %reduce_max3A_669 [0] : vector<64x128xf32> to vector<128xf32>
      %broadcast_in_dim3A_671 = vector.shape_cast %reduce_max3A_670 : vector<128xf32> to vector<1x128xf32>
      %reduce_max3A_672 = arith.constant dense<0xFF800000> : vector<1xf32>
      %reduce_max3A_673 = vector.multi_reduction <maximumf>, %broadcast_in_dim3A_671, %reduce_max3A_672 [1] : vector<1x128xf32> to vector<1xf32>
      %broadcast_in_dim3A_674 = vector.shape_cast %reduce_max3A_673 : vector<1xf32> to vector<1x1xf32>
      %eq3A_675 = vector.broadcast %broadcast_in_dim3A_674 : vector<1x1xf32> to vector<64x128xf32>
      %eq3A_676 = arith.cmpf oeq, %min3A_668, %eq3A_675 : vector<64x128xf32>
      %jit3A_677 = arith.constant 8.192000e+03 : f32
      %broadcast_in_dim3A_678 = vector.broadcast %jit3A_677 : f32 to vector<64x128xf32>
      %select_n3A_679 = arith.select %eq3A_676, %convert_element_type3A, %broadcast_in_dim3A_678 : vector<64x128xi1>, vector<64x128xf32>
      %reduce_min3A_680 = arith.constant dense<0x7F800000> : vector<128xf32>
      %reduce_min3A_681 = vector.multi_reduction <minimumf>, %select_n3A_679, %reduce_min3A_680 [0] : vector<64x128xf32> to vector<128xf32>
      %broadcast_in_dim3A_682 = vector.shape_cast %reduce_min3A_681 : vector<128xf32> to vector<1x128xf32>
      %reduce_min3A_683 = arith.constant dense<0x7F800000> : vector<1xf32>
      %reduce_min3A_684 = vector.multi_reduction <minimumf>, %broadcast_in_dim3A_682, %reduce_min3A_683 [1] : vector<1x128xf32> to vector<1xf32>
      %broadcast_in_dim3A_685 = vector.shape_cast %reduce_min3A_684 : vector<1xf32> to vector<1x1xf32>
      %eq3A_686 = vector.broadcast %scan3A_456 : vector<1x1xf32> to vector<64x128xf32>
      %eq3A_687 = arith.cmpf oeq, %convert_element_type3A, %eq3A_686 : vector<64x128xf32>
      %get3A_688 = arith.constant 2 : index
      %get3A_689 = arith.constant 0 : index
      %get3A_690 = arith.constant 0 : index
      %get3A_691 = vector.load %arg0[%get3A_688, %get3A_689, %get3A_690] : memref<8x64x128xf32, #tpu.memory_space<vmem>>, vector<1x64x128xf32>
      %get3A_692 = vector.shape_cast %get3A_691 : vector<1x64x128xf32> to vector<64x128xf32>
      %jit3A_693 = arith.constant 0.000000e+00 : f32
      %broadcast_in_dim3A_694 = vector.broadcast %jit3A_693 : f32 to vector<64x128xf32>
      %select_n3A_695 = arith.select %eq3A_687, %get3A_692, %broadcast_in_dim3A_694 : vector<64x128xi1>, vector<64x128xf32>
      %reduce_sum3A_696 = arith.constant dense<0.000000e+00> : vector<128xf32>
      %reduce_sum3A_697 = vector.multi_reduction <add>, %select_n3A_695, %reduce_sum3A_696 [0] : vector<64x128xf32> to vector<128xf32>
      %broadcast_in_dim3A_698 = vector.shape_cast %reduce_sum3A_697 : vector<128xf32> to vector<1x128xf32>
      %reduce_sum3A_699 = arith.constant dense<0.000000e+00> : vector<1xf32>
      %reduce_sum3A_700 = vector.multi_reduction <add>, %broadcast_in_dim3A_698, %reduce_sum3A_699 [1] : vector<1x128xf32> to vector<1xf32>
      %broadcast_in_dim3A_701 = vector.shape_cast %reduce_sum3A_700 : vector<1xf32> to vector<1x1xf32>
      %get3A_702 = arith.constant 2 : index
      %get3A_703 = arith.constant 0 : index
      %get3A_704 = arith.constant 0 : index
      %get3A_705 = vector.load %arg1[%get3A_702, %get3A_703, %get3A_704] : memref<8x64x128xf32, #tpu.memory_space<vmem>>, vector<1x64x128xf32>
      %get3A_706 = vector.shape_cast %get3A_705 : vector<1x64x128xf32> to vector<64x128xf32>
      %jit3A_707 = arith.constant 0.000000e+00 : f32
      %broadcast_in_dim3A_708 = vector.broadcast %jit3A_707 : f32 to vector<64x128xf32>
      %select_n3A_709 = arith.select %eq3A_687, %get3A_706, %broadcast_in_dim3A_708 : vector<64x128xi1>, vector<64x128xf32>
      %reduce_sum3A_710 = arith.constant dense<0.000000e+00> : vector<128xf32>
      %reduce_sum3A_711 = vector.multi_reduction <add>, %select_n3A_709, %reduce_sum3A_710 [0] : vector<64x128xf32> to vector<128xf32>
      %broadcast_in_dim3A_712 = vector.shape_cast %reduce_sum3A_711 : vector<128xf32> to vector<1x128xf32>
      %reduce_sum3A_713 = arith.constant dense<0.000000e+00> : vector<1xf32>
      %reduce_sum3A_714 = vector.multi_reduction <add>, %broadcast_in_dim3A_712, %reduce_sum3A_713 [1] : vector<1x128xf32> to vector<1xf32>
      %broadcast_in_dim3A_715 = vector.shape_cast %reduce_sum3A_714 : vector<1xf32> to vector<1x1xf32>
      %get3A_716 = arith.constant 2 : index
      %get3A_717 = arith.constant 0 : index
      %get3A_718 = arith.constant 0 : index
      %get3A_719 = vector.load %arg2[%get3A_716, %get3A_717, %get3A_718] : memref<8x64x128xf32, #tpu.memory_space<vmem>>, vector<1x64x128xf32>
      %get3A_720 = vector.shape_cast %get3A_719 : vector<1x64x128xf32> to vector<64x128xf32>
      %jit3A_721 = arith.constant 0.000000e+00 : f32
      %broadcast_in_dim3A_722 = vector.broadcast %jit3A_721 : f32 to vector<64x128xf32>
      %select_n3A_723 = arith.select %eq3A_687, %get3A_720, %broadcast_in_dim3A_722 : vector<64x128xi1>, vector<64x128xf32>
      %reduce_sum3A_724 = arith.constant dense<0.000000e+00> : vector<128xf32>
      %reduce_sum3A_725 = vector.multi_reduction <add>, %select_n3A_723, %reduce_sum3A_724 [0] : vector<64x128xf32> to vector<128xf32>
      %broadcast_in_dim3A_726 = vector.shape_cast %reduce_sum3A_725 : vector<128xf32> to vector<1x128xf32>
      %reduce_sum3A_727 = arith.constant dense<0.000000e+00> : vector<1xf32>
      %reduce_sum3A_728 = vector.multi_reduction <add>, %broadcast_in_dim3A_726, %reduce_sum3A_727 [1] : vector<1x128xf32> to vector<1xf32>
      %broadcast_in_dim3A_729 = vector.shape_cast %reduce_sum3A_728 : vector<1xf32> to vector<1x1xf32>
      %broadcast_in_dim3A_730 = vector.shape_cast %scan3A_456 : vector<1x1xf32> to vector<1x1xf32>
      %broadcast_in_dim3A_731 = vector.broadcast %broadcast_in_dim3A_730 : vector<1x1xf32> to vector<8x128xf32>
      %select_n3A_732 = arith.select %eq3A_491, %broadcast_in_dim3A_731, %scan3A_457 : vector<8x128xi1>, vector<8x128xf32>
      %broadcast_in_dim3A_733 = vector.shape_cast %broadcast_in_dim3A_701 : vector<1x1xf32> to vector<1x1xf32>
      %broadcast_in_dim3A_734 = vector.broadcast %broadcast_in_dim3A_733 : vector<1x1xf32> to vector<8x128xf32>
      %select_n3A_735 = arith.select %eq3A_491, %broadcast_in_dim3A_734, %scan3A_458 : vector<8x128xi1>, vector<8x128xf32>
      %broadcast_in_dim3A_736 = vector.shape_cast %broadcast_in_dim3A_715 : vector<1x1xf32> to vector<1x1xf32>
      %broadcast_in_dim3A_737 = vector.broadcast %broadcast_in_dim3A_736 : vector<1x1xf32> to vector<8x128xf32>
      %select_n3A_738 = arith.select %eq3A_491, %broadcast_in_dim3A_737, %scan3A_459 : vector<8x128xi1>, vector<8x128xf32>
      %broadcast_in_dim3A_739 = vector.shape_cast %broadcast_in_dim3A_729 : vector<1x1xf32> to vector<1x1xf32>
      %broadcast_in_dim3A_740 = vector.broadcast %broadcast_in_dim3A_739 : vector<1x1xf32> to vector<8x128xf32>
      %select_n3A_741 = arith.select %eq3A_491, %broadcast_in_dim3A_740, %scan3A_460 : vector<8x128xi1>, vector<8x128xf32>
      %get3A_742 = arith.constant 2 : index
      %get3A_743 = arith.constant 0 : index
      %get3A_744 = arith.constant 0 : index
      %get3A_745 = vector.load %arg0[%get3A_742, %get3A_743, %get3A_744] : memref<8x64x128xf32, #tpu.memory_space<vmem>>, vector<1x64x128xf32>
      %get3A_746 = vector.shape_cast %get3A_745 : vector<1x64x128xf32> to vector<64x128xf32>
      %sub3A_747 = vector.broadcast %broadcast_in_dim3A_701 : vector<1x1xf32> to vector<64x128xf32>
      %sub3A_748 = arith.subf %get3A_746, %sub3A_747 : vector<64x128xf32>
      %get3A_749 = arith.constant 2 : index
      %get3A_750 = arith.constant 0 : index
      %get3A_751 = arith.constant 0 : index
      %get3A_752 = vector.load %arg1[%get3A_749, %get3A_750, %get3A_751] : memref<8x64x128xf32, #tpu.memory_space<vmem>>, vector<1x64x128xf32>
      %get3A_753 = vector.shape_cast %get3A_752 : vector<1x64x128xf32> to vector<64x128xf32>
      %sub3A_754 = vector.broadcast %broadcast_in_dim3A_715 : vector<1x1xf32> to vector<64x128xf32>
      %sub3A_755 = arith.subf %get3A_753, %sub3A_754 : vector<64x128xf32>
      %get3A_756 = arith.constant 2 : index
      %get3A_757 = arith.constant 0 : index
      %get3A_758 = arith.constant 0 : index
      %get3A_759 = vector.load %arg2[%get3A_756, %get3A_757, %get3A_758] : memref<8x64x128xf32, #tpu.memory_space<vmem>>, vector<1x64x128xf32>
      %get3A_760 = vector.shape_cast %get3A_759 : vector<1x64x128xf32> to vector<64x128xf32>
      %sub3A_761 = vector.broadcast %broadcast_in_dim3A_729 : vector<1x1xf32> to vector<64x128xf32>
      %sub3A_762 = arith.subf %get3A_760, %sub3A_761 : vector<64x128xf32>
      %mul3A_763 = arith.mulf %sub3A_748, %sub3A_748 : vector<64x128xf32>
      %mul3A_764 = arith.mulf %sub3A_762, %sub3A_762 : vector<64x128xf32>
      %add3A_765 = arith.addf %mul3A_763, %mul3A_764 : vector<64x128xf32>
      %mul3A_766 = arith.mulf %sub3A_755, %sub3A_755 : vector<64x128xf32>
      %add3A_767 = arith.addf %add3A_765, %mul3A_766 : vector<64x128xf32>
      %min3A_768 = arith.minimumf %scan3A_455, %add3A_767 : vector<64x128xf32>
      %reduce_max3A_769 = arith.constant dense<0xFF800000> : vector<128xf32>
      %reduce_max3A_770 = vector.multi_reduction <maximumf>, %min3A_768, %reduce_max3A_769 [0] : vector<64x128xf32> to vector<128xf32>
      %broadcast_in_dim3A_771 = vector.shape_cast %reduce_max3A_770 : vector<128xf32> to vector<1x128xf32>
      %reduce_max3A_772 = arith.constant dense<0xFF800000> : vector<1xf32>
      %reduce_max3A_773 = vector.multi_reduction <maximumf>, %broadcast_in_dim3A_771, %reduce_max3A_772 [1] : vector<1x128xf32> to vector<1xf32>
      %broadcast_in_dim3A_774 = vector.shape_cast %reduce_max3A_773 : vector<1xf32> to vector<1x1xf32>
      %eq3A_775 = vector.broadcast %broadcast_in_dim3A_774 : vector<1x1xf32> to vector<64x128xf32>
      %eq3A_776 = arith.cmpf oeq, %min3A_768, %eq3A_775 : vector<64x128xf32>
      %jit3A_777 = arith.constant 8.192000e+03 : f32
      %broadcast_in_dim3A_778 = vector.broadcast %jit3A_777 : f32 to vector<64x128xf32>
      %select_n3A_779 = arith.select %eq3A_776, %convert_element_type3A, %broadcast_in_dim3A_778 : vector<64x128xi1>, vector<64x128xf32>
      %reduce_min3A_780 = arith.constant dense<0x7F800000> : vector<128xf32>
      %reduce_min3A_781 = vector.multi_reduction <minimumf>, %select_n3A_779, %reduce_min3A_780 [0] : vector<64x128xf32> to vector<128xf32>
      %broadcast_in_dim3A_782 = vector.shape_cast %reduce_min3A_781 : vector<128xf32> to vector<1x128xf32>
      %reduce_min3A_783 = arith.constant dense<0x7F800000> : vector<1xf32>
      %reduce_min3A_784 = vector.multi_reduction <minimumf>, %broadcast_in_dim3A_782, %reduce_min3A_783 [1] : vector<1x128xf32> to vector<1xf32>
      %broadcast_in_dim3A_785 = vector.shape_cast %reduce_min3A_784 : vector<1xf32> to vector<1x1xf32>
      %eq3A_786 = vector.broadcast %scan3A_462 : vector<1x1xf32> to vector<64x128xf32>
      %eq3A_787 = arith.cmpf oeq, %convert_element_type3A, %eq3A_786 : vector<64x128xf32>
      %get3A_788 = arith.constant 3 : index
      %get3A_789 = arith.constant 0 : index
      %get3A_790 = arith.constant 0 : index
      %get3A_791 = vector.load %arg0[%get3A_788, %get3A_789, %get3A_790] : memref<8x64x128xf32, #tpu.memory_space<vmem>>, vector<1x64x128xf32>
      %get3A_792 = vector.shape_cast %get3A_791 : vector<1x64x128xf32> to vector<64x128xf32>
      %jit3A_793 = arith.constant 0.000000e+00 : f32
      %broadcast_in_dim3A_794 = vector.broadcast %jit3A_793 : f32 to vector<64x128xf32>
      %select_n3A_795 = arith.select %eq3A_787, %get3A_792, %broadcast_in_dim3A_794 : vector<64x128xi1>, vector<64x128xf32>
      %reduce_sum3A_796 = arith.constant dense<0.000000e+00> : vector<128xf32>
      %reduce_sum3A_797 = vector.multi_reduction <add>, %select_n3A_795, %reduce_sum3A_796 [0] : vector<64x128xf32> to vector<128xf32>
      %broadcast_in_dim3A_798 = vector.shape_cast %reduce_sum3A_797 : vector<128xf32> to vector<1x128xf32>
      %reduce_sum3A_799 = arith.constant dense<0.000000e+00> : vector<1xf32>
      %reduce_sum3A_800 = vector.multi_reduction <add>, %broadcast_in_dim3A_798, %reduce_sum3A_799 [1] : vector<1x128xf32> to vector<1xf32>
      %broadcast_in_dim3A_801 = vector.shape_cast %reduce_sum3A_800 : vector<1xf32> to vector<1x1xf32>
      %get3A_802 = arith.constant 3 : index
      %get3A_803 = arith.constant 0 : index
      %get3A_804 = arith.constant 0 : index
      %get3A_805 = vector.load %arg1[%get3A_802, %get3A_803, %get3A_804] : memref<8x64x128xf32, #tpu.memory_space<vmem>>, vector<1x64x128xf32>
      %get3A_806 = vector.shape_cast %get3A_805 : vector<1x64x128xf32> to vector<64x128xf32>
      %jit3A_807 = arith.constant 0.000000e+00 : f32
      %broadcast_in_dim3A_808 = vector.broadcast %jit3A_807 : f32 to vector<64x128xf32>
      %select_n3A_809 = arith.select %eq3A_787, %get3A_806, %broadcast_in_dim3A_808 : vector<64x128xi1>, vector<64x128xf32>
      %reduce_sum3A_810 = arith.constant dense<0.000000e+00> : vector<128xf32>
      %reduce_sum3A_811 = vector.multi_reduction <add>, %select_n3A_809, %reduce_sum3A_810 [0] : vector<64x128xf32> to vector<128xf32>
      %broadcast_in_dim3A_812 = vector.shape_cast %reduce_sum3A_811 : vector<128xf32> to vector<1x128xf32>
      %reduce_sum3A_813 = arith.constant dense<0.000000e+00> : vector<1xf32>
      %reduce_sum3A_814 = vector.multi_reduction <add>, %broadcast_in_dim3A_812, %reduce_sum3A_813 [1] : vector<1x128xf32> to vector<1xf32>
      %broadcast_in_dim3A_815 = vector.shape_cast %reduce_sum3A_814 : vector<1xf32> to vector<1x1xf32>
      %get3A_816 = arith.constant 3 : index
      %get3A_817 = arith.constant 0 : index
      %get3A_818 = arith.constant 0 : index
      %get3A_819 = vector.load %arg2[%get3A_816, %get3A_817, %get3A_818] : memref<8x64x128xf32, #tpu.memory_space<vmem>>, vector<1x64x128xf32>
      %get3A_820 = vector.shape_cast %get3A_819 : vector<1x64x128xf32> to vector<64x128xf32>
      %jit3A_821 = arith.constant 0.000000e+00 : f32
      %broadcast_in_dim3A_822 = vector.broadcast %jit3A_821 : f32 to vector<64x128xf32>
      %select_n3A_823 = arith.select %eq3A_787, %get3A_820, %broadcast_in_dim3A_822 : vector<64x128xi1>, vector<64x128xf32>
      %reduce_sum3A_824 = arith.constant dense<0.000000e+00> : vector<128xf32>
      %reduce_sum3A_825 = vector.multi_reduction <add>, %select_n3A_823, %reduce_sum3A_824 [0] : vector<64x128xf32> to vector<128xf32>
      %broadcast_in_dim3A_826 = vector.shape_cast %reduce_sum3A_825 : vector<128xf32> to vector<1x128xf32>
      %reduce_sum3A_827 = arith.constant dense<0.000000e+00> : vector<1xf32>
      %reduce_sum3A_828 = vector.multi_reduction <add>, %broadcast_in_dim3A_826, %reduce_sum3A_827 [1] : vector<1x128xf32> to vector<1xf32>
      %broadcast_in_dim3A_829 = vector.shape_cast %reduce_sum3A_828 : vector<1xf32> to vector<1x1xf32>
      %broadcast_in_dim3A_830 = vector.shape_cast %scan3A_462 : vector<1x1xf32> to vector<1x1xf32>
      %broadcast_in_dim3A_831 = vector.broadcast %broadcast_in_dim3A_830 : vector<1x1xf32> to vector<8x128xf32>
      %select_n3A_832 = arith.select %eq3A_491, %broadcast_in_dim3A_831, %scan3A_463 : vector<8x128xi1>, vector<8x128xf32>
      %broadcast_in_dim3A_833 = vector.shape_cast %broadcast_in_dim3A_801 : vector<1x1xf32> to vector<1x1xf32>
      %broadcast_in_dim3A_834 = vector.broadcast %broadcast_in_dim3A_833 : vector<1x1xf32> to vector<8x128xf32>
      %select_n3A_835 = arith.select %eq3A_491, %broadcast_in_dim3A_834, %scan3A_464 : vector<8x128xi1>, vector<8x128xf32>
      %broadcast_in_dim3A_836 = vector.shape_cast %broadcast_in_dim3A_815 : vector<1x1xf32> to vector<1x1xf32>
      %broadcast_in_dim3A_837 = vector.broadcast %broadcast_in_dim3A_836 : vector<1x1xf32> to vector<8x128xf32>
      %select_n3A_838 = arith.select %eq3A_491, %broadcast_in_dim3A_837, %scan3A_465 : vector<8x128xi1>, vector<8x128xf32>
      %broadcast_in_dim3A_839 = vector.shape_cast %broadcast_in_dim3A_829 : vector<1x1xf32> to vector<1x1xf32>
      %broadcast_in_dim3A_840 = vector.broadcast %broadcast_in_dim3A_839 : vector<1x1xf32> to vector<8x128xf32>
      %select_n3A_841 = arith.select %eq3A_491, %broadcast_in_dim3A_840, %scan3A_466 : vector<8x128xi1>, vector<8x128xf32>
      %get3A_842 = arith.constant 3 : index
      %get3A_843 = arith.constant 0 : index
      %get3A_844 = arith.constant 0 : index
      %get3A_845 = vector.load %arg0[%get3A_842, %get3A_843, %get3A_844] : memref<8x64x128xf32, #tpu.memory_space<vmem>>, vector<1x64x128xf32>
      %get3A_846 = vector.shape_cast %get3A_845 : vector<1x64x128xf32> to vector<64x128xf32>
      %sub3A_847 = vector.broadcast %broadcast_in_dim3A_801 : vector<1x1xf32> to vector<64x128xf32>
      %sub3A_848 = arith.subf %get3A_846, %sub3A_847 : vector<64x128xf32>
      %get3A_849 = arith.constant 3 : index
      %get3A_850 = arith.constant 0 : index
      %get3A_851 = arith.constant 0 : index
      %get3A_852 = vector.load %arg1[%get3A_849, %get3A_850, %get3A_851] : memref<8x64x128xf32, #tpu.memory_space<vmem>>, vector<1x64x128xf32>
      %get3A_853 = vector.shape_cast %get3A_852 : vector<1x64x128xf32> to vector<64x128xf32>
      %sub3A_854 = vector.broadcast %broadcast_in_dim3A_815 : vector<1x1xf32> to vector<64x128xf32>
      %sub3A_855 = arith.subf %get3A_853, %sub3A_854 : vector<64x128xf32>
      %get3A_856 = arith.constant 3 : index
      %get3A_857 = arith.constant 0 : index
      %get3A_858 = arith.constant 0 : index
      %get3A_859 = vector.load %arg2[%get3A_856, %get3A_857, %get3A_858] : memref<8x64x128xf32, #tpu.memory_space<vmem>>, vector<1x64x128xf32>
      %get3A_860 = vector.shape_cast %get3A_859 : vector<1x64x128xf32> to vector<64x128xf32>
      %sub3A_861 = vector.broadcast %broadcast_in_dim3A_829 : vector<1x1xf32> to vector<64x128xf32>
      %sub3A_862 = arith.subf %get3A_860, %sub3A_861 : vector<64x128xf32>
      %mul3A_863 = arith.mulf %sub3A_848, %sub3A_848 : vector<64x128xf32>
      %mul3A_864 = arith.mulf %sub3A_862, %sub3A_862 : vector<64x128xf32>
      %add3A_865 = arith.addf %mul3A_863, %mul3A_864 : vector<64x128xf32>
      %mul3A_866 = arith.mulf %sub3A_855, %sub3A_855 : vector<64x128xf32>
      %add3A_867 = arith.addf %add3A_865, %mul3A_866 : vector<64x128xf32>
      %min3A_868 = arith.minimumf %scan3A_461, %add3A_867 : vector<64x128xf32>
      %reduce_max3A_869 = arith.constant dense<0xFF800000> : vector<128xf32>
      %reduce_max3A_870 = vector.multi_reduction <maximumf>, %min3A_868, %reduce_max3A_869 [0] : vector<64x128xf32> to vector<128xf32>
      %broadcast_in_dim3A_871 = vector.shape_cast %reduce_max3A_870 : vector<128xf32> to vector<1x128xf32>
      %reduce_max3A_872 = arith.constant dense<0xFF800000> : vector<1xf32>
      %reduce_max3A_873 = vector.multi_reduction <maximumf>, %broadcast_in_dim3A_871, %reduce_max3A_872 [1] : vector<1x128xf32> to vector<1xf32>
      %broadcast_in_dim3A_874 = vector.shape_cast %reduce_max3A_873 : vector<1xf32> to vector<1x1xf32>
      %eq3A_875 = vector.broadcast %broadcast_in_dim3A_874 : vector<1x1xf32> to vector<64x128xf32>
      %eq3A_876 = arith.cmpf oeq, %min3A_868, %eq3A_875 : vector<64x128xf32>
      %jit3A_877 = arith.constant 8.192000e+03 : f32
      %broadcast_in_dim3A_878 = vector.broadcast %jit3A_877 : f32 to vector<64x128xf32>
      %select_n3A_879 = arith.select %eq3A_876, %convert_element_type3A, %broadcast_in_dim3A_878 : vector<64x128xi1>, vector<64x128xf32>
      %reduce_min3A_880 = arith.constant dense<0x7F800000> : vector<128xf32>
      %reduce_min3A_881 = vector.multi_reduction <minimumf>, %select_n3A_879, %reduce_min3A_880 [0] : vector<64x128xf32> to vector<128xf32>
      %broadcast_in_dim3A_882 = vector.shape_cast %reduce_min3A_881 : vector<128xf32> to vector<1x128xf32>
      %reduce_min3A_883 = arith.constant dense<0x7F800000> : vector<1xf32>
      %reduce_min3A_884 = vector.multi_reduction <minimumf>, %broadcast_in_dim3A_882, %reduce_min3A_883 [1] : vector<1x128xf32> to vector<1xf32>
      %broadcast_in_dim3A_885 = vector.shape_cast %reduce_min3A_884 : vector<1xf32> to vector<1x1xf32>
      %eq3A_886 = vector.broadcast %scan3A_468 : vector<1x1xf32> to vector<64x128xf32>
      %eq3A_887 = arith.cmpf oeq, %convert_element_type3A, %eq3A_886 : vector<64x128xf32>
      %get3A_888 = arith.constant 4 : index
      %get3A_889 = arith.constant 0 : index
      %get3A_890 = arith.constant 0 : index
      %get3A_891 = vector.load %arg0[%get3A_888, %get3A_889, %get3A_890] : memref<8x64x128xf32, #tpu.memory_space<vmem>>, vector<1x64x128xf32>
      %get3A_892 = vector.shape_cast %get3A_891 : vector<1x64x128xf32> to vector<64x128xf32>
      %jit3A_893 = arith.constant 0.000000e+00 : f32
      %broadcast_in_dim3A_894 = vector.broadcast %jit3A_893 : f32 to vector<64x128xf32>
      %select_n3A_895 = arith.select %eq3A_887, %get3A_892, %broadcast_in_dim3A_894 : vector<64x128xi1>, vector<64x128xf32>
      %reduce_sum3A_896 = arith.constant dense<0.000000e+00> : vector<128xf32>
      %reduce_sum3A_897 = vector.multi_reduction <add>, %select_n3A_895, %reduce_sum3A_896 [0] : vector<64x128xf32> to vector<128xf32>
      %broadcast_in_dim3A_898 = vector.shape_cast %reduce_sum3A_897 : vector<128xf32> to vector<1x128xf32>
      %reduce_sum3A_899 = arith.constant dense<0.000000e+00> : vector<1xf32>
      %reduce_sum3A_900 = vector.multi_reduction <add>, %broadcast_in_dim3A_898, %reduce_sum3A_899 [1] : vector<1x128xf32> to vector<1xf32>
      %broadcast_in_dim3A_901 = vector.shape_cast %reduce_sum3A_900 : vector<1xf32> to vector<1x1xf32>
      %get3A_902 = arith.constant 4 : index
      %get3A_903 = arith.constant 0 : index
      %get3A_904 = arith.constant 0 : index
      %get3A_905 = vector.load %arg1[%get3A_902, %get3A_903, %get3A_904] : memref<8x64x128xf32, #tpu.memory_space<vmem>>, vector<1x64x128xf32>
      %get3A_906 = vector.shape_cast %get3A_905 : vector<1x64x128xf32> to vector<64x128xf32>
      %jit3A_907 = arith.constant 0.000000e+00 : f32
      %broadcast_in_dim3A_908 = vector.broadcast %jit3A_907 : f32 to vector<64x128xf32>
      %select_n3A_909 = arith.select %eq3A_887, %get3A_906, %broadcast_in_dim3A_908 : vector<64x128xi1>, vector<64x128xf32>
      %reduce_sum3A_910 = arith.constant dense<0.000000e+00> : vector<128xf32>
      %reduce_sum3A_911 = vector.multi_reduction <add>, %select_n3A_909, %reduce_sum3A_910 [0] : vector<64x128xf32> to vector<128xf32>
      %broadcast_in_dim3A_912 = vector.shape_cast %reduce_sum3A_911 : vector<128xf32> to vector<1x128xf32>
      %reduce_sum3A_913 = arith.constant dense<0.000000e+00> : vector<1xf32>
      %reduce_sum3A_914 = vector.multi_reduction <add>, %broadcast_in_dim3A_912, %reduce_sum3A_913 [1] : vector<1x128xf32> to vector<1xf32>
      %broadcast_in_dim3A_915 = vector.shape_cast %reduce_sum3A_914 : vector<1xf32> to vector<1x1xf32>
      %get3A_916 = arith.constant 4 : index
      %get3A_917 = arith.constant 0 : index
      %get3A_918 = arith.constant 0 : index
      %get3A_919 = vector.load %arg2[%get3A_916, %get3A_917, %get3A_918] : memref<8x64x128xf32, #tpu.memory_space<vmem>>, vector<1x64x128xf32>
      %get3A_920 = vector.shape_cast %get3A_919 : vector<1x64x128xf32> to vector<64x128xf32>
      %jit3A_921 = arith.constant 0.000000e+00 : f32
      %broadcast_in_dim3A_922 = vector.broadcast %jit3A_921 : f32 to vector<64x128xf32>
      %select_n3A_923 = arith.select %eq3A_887, %get3A_920, %broadcast_in_dim3A_922 : vector<64x128xi1>, vector<64x128xf32>
      %reduce_sum3A_924 = arith.constant dense<0.000000e+00> : vector<128xf32>
      %reduce_sum3A_925 = vector.multi_reduction <add>, %select_n3A_923, %reduce_sum3A_924 [0] : vector<64x128xf32> to vector<128xf32>
      %broadcast_in_dim3A_926 = vector.shape_cast %reduce_sum3A_925 : vector<128xf32> to vector<1x128xf32>
      %reduce_sum3A_927 = arith.constant dense<0.000000e+00> : vector<1xf32>
      %reduce_sum3A_928 = vector.multi_reduction <add>, %broadcast_in_dim3A_926, %reduce_sum3A_927 [1] : vector<1x128xf32> to vector<1xf32>
      %broadcast_in_dim3A_929 = vector.shape_cast %reduce_sum3A_928 : vector<1xf32> to vector<1x1xf32>
      %broadcast_in_dim3A_930 = vector.shape_cast %scan3A_468 : vector<1x1xf32> to vector<1x1xf32>
      %broadcast_in_dim3A_931 = vector.broadcast %broadcast_in_dim3A_930 : vector<1x1xf32> to vector<8x128xf32>
      %select_n3A_932 = arith.select %eq3A_491, %broadcast_in_dim3A_931, %scan3A_469 : vector<8x128xi1>, vector<8x128xf32>
      %broadcast_in_dim3A_933 = vector.shape_cast %broadcast_in_dim3A_901 : vector<1x1xf32> to vector<1x1xf32>
      %broadcast_in_dim3A_934 = vector.broadcast %broadcast_in_dim3A_933 : vector<1x1xf32> to vector<8x128xf32>
      %select_n3A_935 = arith.select %eq3A_491, %broadcast_in_dim3A_934, %scan3A_470 : vector<8x128xi1>, vector<8x128xf32>
      %broadcast_in_dim3A_936 = vector.shape_cast %broadcast_in_dim3A_915 : vector<1x1xf32> to vector<1x1xf32>
      %broadcast_in_dim3A_937 = vector.broadcast %broadcast_in_dim3A_936 : vector<1x1xf32> to vector<8x128xf32>
      %select_n3A_938 = arith.select %eq3A_491, %broadcast_in_dim3A_937, %scan3A_471 : vector<8x128xi1>, vector<8x128xf32>
      %broadcast_in_dim3A_939 = vector.shape_cast %broadcast_in_dim3A_929 : vector<1x1xf32> to vector<1x1xf32>
      %broadcast_in_dim3A_940 = vector.broadcast %broadcast_in_dim3A_939 : vector<1x1xf32> to vector<8x128xf32>
      %select_n3A_941 = arith.select %eq3A_491, %broadcast_in_dim3A_940, %scan3A_472 : vector<8x128xi1>, vector<8x128xf32>
      %get3A_942 = arith.constant 4 : index
      %get3A_943 = arith.constant 0 : index
      %get3A_944 = arith.constant 0 : index
      %get3A_945 = vector.load %arg0[%get3A_942, %get3A_943, %get3A_944] : memref<8x64x128xf32, #tpu.memory_space<vmem>>, vector<1x64x128xf32>
      %get3A_946 = vector.shape_cast %get3A_945 : vector<1x64x128xf32> to vector<64x128xf32>
      %sub3A_947 = vector.broadcast %broadcast_in_dim3A_901 : vector<1x1xf32> to vector<64x128xf32>
      %sub3A_948 = arith.subf %get3A_946, %sub3A_947 : vector<64x128xf32>
      %get3A_949 = arith.constant 4 : index
      %get3A_950 = arith.constant 0 : index
      %get3A_951 = arith.constant 0 : index
      %get3A_952 = vector.load %arg1[%get3A_949, %get3A_950, %get3A_951] : memref<8x64x128xf32, #tpu.memory_space<vmem>>, vector<1x64x128xf32>
      %get3A_953 = vector.shape_cast %get3A_952 : vector<1x64x128xf32> to vector<64x128xf32>
      %sub3A_954 = vector.broadcast %broadcast_in_dim3A_915 : vector<1x1xf32> to vector<64x128xf32>
      %sub3A_955 = arith.subf %get3A_953, %sub3A_954 : vector<64x128xf32>
      %get3A_956 = arith.constant 4 : index
      %get3A_957 = arith.constant 0 : index
      %get3A_958 = arith.constant 0 : index
      %get3A_959 = vector.load %arg2[%get3A_956, %get3A_957, %get3A_958] : memref<8x64x128xf32, #tpu.memory_space<vmem>>, vector<1x64x128xf32>
      %get3A_960 = vector.shape_cast %get3A_959 : vector<1x64x128xf32> to vector<64x128xf32>
      %sub3A_961 = vector.broadcast %broadcast_in_dim3A_929 : vector<1x1xf32> to vector<64x128xf32>
      %sub3A_962 = arith.subf %get3A_960, %sub3A_961 : vector<64x128xf32>
      %mul3A_963 = arith.mulf %sub3A_948, %sub3A_948 : vector<64x128xf32>
      %mul3A_964 = arith.mulf %sub3A_962, %sub3A_962 : vector<64x128xf32>
      %add3A_965 = arith.addf %mul3A_963, %mul3A_964 : vector<64x128xf32>
      %mul3A_966 = arith.mulf %sub3A_955, %sub3A_955 : vector<64x128xf32>
      %add3A_967 = arith.addf %add3A_965, %mul3A_966 : vector<64x128xf32>
      %min3A_968 = arith.minimumf %scan3A_467, %add3A_967 : vector<64x128xf32>
      %reduce_max3A_969 = arith.constant dense<0xFF800000> : vector<128xf32>
      %reduce_max3A_970 = vector.multi_reduction <maximumf>, %min3A_968, %reduce_max3A_969 [0] : vector<64x128xf32> to vector<128xf32>
      %broadcast_in_dim3A_971 = vector.shape_cast %reduce_max3A_970 : vector<128xf32> to vector<1x128xf32>
      %reduce_max3A_972 = arith.constant dense<0xFF800000> : vector<1xf32>
      %reduce_max3A_973 = vector.multi_reduction <maximumf>, %broadcast_in_dim3A_971, %reduce_max3A_972 [1] : vector<1x128xf32> to vector<1xf32>
      %broadcast_in_dim3A_974 = vector.shape_cast %reduce_max3A_973 : vector<1xf32> to vector<1x1xf32>
      %eq3A_975 = vector.broadcast %broadcast_in_dim3A_974 : vector<1x1xf32> to vector<64x128xf32>
      %eq3A_976 = arith.cmpf oeq, %min3A_968, %eq3A_975 : vector<64x128xf32>
      %jit3A_977 = arith.constant 8.192000e+03 : f32
      %broadcast_in_dim3A_978 = vector.broadcast %jit3A_977 : f32 to vector<64x128xf32>
      %select_n3A_979 = arith.select %eq3A_976, %convert_element_type3A, %broadcast_in_dim3A_978 : vector<64x128xi1>, vector<64x128xf32>
      %reduce_min3A_980 = arith.constant dense<0x7F800000> : vector<128xf32>
      %reduce_min3A_981 = vector.multi_reduction <minimumf>, %select_n3A_979, %reduce_min3A_980 [0] : vector<64x128xf32> to vector<128xf32>
      %broadcast_in_dim3A_982 = vector.shape_cast %reduce_min3A_981 : vector<128xf32> to vector<1x128xf32>
      %reduce_min3A_983 = arith.constant dense<0x7F800000> : vector<1xf32>
      %reduce_min3A_984 = vector.multi_reduction <minimumf>, %broadcast_in_dim3A_982, %reduce_min3A_983 [1] : vector<1x128xf32> to vector<1xf32>
      %broadcast_in_dim3A_985 = vector.shape_cast %reduce_min3A_984 : vector<1xf32> to vector<1x1xf32>
      %eq3A_986 = vector.broadcast %scan3A_474 : vector<1x1xf32> to vector<64x128xf32>
      %eq3A_987 = arith.cmpf oeq, %convert_element_type3A, %eq3A_986 : vector<64x128xf32>
      %get3A_988 = arith.constant 5 : index
      %get3A_989 = arith.constant 0 : index
      %get3A_990 = arith.constant 0 : index
      %get3A_991 = vector.load %arg0[%get3A_988, %get3A_989, %get3A_990] : memref<8x64x128xf32, #tpu.memory_space<vmem>>, vector<1x64x128xf32>
      %get3A_992 = vector.shape_cast %get3A_991 : vector<1x64x128xf32> to vector<64x128xf32>
      %jit3A_993 = arith.constant 0.000000e+00 : f32
      %broadcast_in_dim3A_994 = vector.broadcast %jit3A_993 : f32 to vector<64x128xf32>
      %select_n3A_995 = arith.select %eq3A_987, %get3A_992, %broadcast_in_dim3A_994 : vector<64x128xi1>, vector<64x128xf32>
      %reduce_sum3A_996 = arith.constant dense<0.000000e+00> : vector<128xf32>
      %reduce_sum3A_997 = vector.multi_reduction <add>, %select_n3A_995, %reduce_sum3A_996 [0] : vector<64x128xf32> to vector<128xf32>
      %broadcast_in_dim3A_998 = vector.shape_cast %reduce_sum3A_997 : vector<128xf32> to vector<1x128xf32>
      %reduce_sum3A_999 = arith.constant dense<0.000000e+00> : vector<1xf32>
      %reduce_sum3A_1000 = vector.multi_reduction <add>, %broadcast_in_dim3A_998, %reduce_sum3A_999 [1] : vector<1x128xf32> to vector<1xf32>
      %broadcast_in_dim3A_1001 = vector.shape_cast %reduce_sum3A_1000 : vector<1xf32> to vector<1x1xf32>
      %get3A_1002 = arith.constant 5 : index
      %get3A_1003 = arith.constant 0 : index
      %get3A_1004 = arith.constant 0 : index
      %get3A_1005 = vector.load %arg1[%get3A_1002, %get3A_1003, %get3A_1004] : memref<8x64x128xf32, #tpu.memory_space<vmem>>, vector<1x64x128xf32>
      %get3A_1006 = vector.shape_cast %get3A_1005 : vector<1x64x128xf32> to vector<64x128xf32>
      %jit3A_1007 = arith.constant 0.000000e+00 : f32
      %broadcast_in_dim3A_1008 = vector.broadcast %jit3A_1007 : f32 to vector<64x128xf32>
      %select_n3A_1009 = arith.select %eq3A_987, %get3A_1006, %broadcast_in_dim3A_1008 : vector<64x128xi1>, vector<64x128xf32>
      %reduce_sum3A_1010 = arith.constant dense<0.000000e+00> : vector<128xf32>
      %reduce_sum3A_1011 = vector.multi_reduction <add>, %select_n3A_1009, %reduce_sum3A_1010 [0] : vector<64x128xf32> to vector<128xf32>
      %broadcast_in_dim3A_1012 = vector.shape_cast %reduce_sum3A_1011 : vector<128xf32> to vector<1x128xf32>
      %reduce_sum3A_1013 = arith.constant dense<0.000000e+00> : vector<1xf32>
      %reduce_sum3A_1014 = vector.multi_reduction <add>, %broadcast_in_dim3A_1012, %reduce_sum3A_1013 [1] : vector<1x128xf32> to vector<1xf32>
      %broadcast_in_dim3A_1015 = vector.shape_cast %reduce_sum3A_1014 : vector<1xf32> to vector<1x1xf32>
      %get3A_1016 = arith.constant 5 : index
      %get3A_1017 = arith.constant 0 : index
      %get3A_1018 = arith.constant 0 : index
      %get3A_1019 = vector.load %arg2[%get3A_1016, %get3A_1017, %get3A_1018] : memref<8x64x128xf32, #tpu.memory_space<vmem>>, vector<1x64x128xf32>
      %get3A_1020 = vector.shape_cast %get3A_1019 : vector<1x64x128xf32> to vector<64x128xf32>
      %jit3A_1021 = arith.constant 0.000000e+00 : f32
      %broadcast_in_dim3A_1022 = vector.broadcast %jit3A_1021 : f32 to vector<64x128xf32>
      %select_n3A_1023 = arith.select %eq3A_987, %get3A_1020, %broadcast_in_dim3A_1022 : vector<64x128xi1>, vector<64x128xf32>
      %reduce_sum3A_1024 = arith.constant dense<0.000000e+00> : vector<128xf32>
      %reduce_sum3A_1025 = vector.multi_reduction <add>, %select_n3A_1023, %reduce_sum3A_1024 [0] : vector<64x128xf32> to vector<128xf32>
      %broadcast_in_dim3A_1026 = vector.shape_cast %reduce_sum3A_1025 : vector<128xf32> to vector<1x128xf32>
      %reduce_sum3A_1027 = arith.constant dense<0.000000e+00> : vector<1xf32>
      %reduce_sum3A_1028 = vector.multi_reduction <add>, %broadcast_in_dim3A_1026, %reduce_sum3A_1027 [1] : vector<1x128xf32> to vector<1xf32>
      %broadcast_in_dim3A_1029 = vector.shape_cast %reduce_sum3A_1028 : vector<1xf32> to vector<1x1xf32>
      %broadcast_in_dim3A_1030 = vector.shape_cast %scan3A_474 : vector<1x1xf32> to vector<1x1xf32>
      %broadcast_in_dim3A_1031 = vector.broadcast %broadcast_in_dim3A_1030 : vector<1x1xf32> to vector<8x128xf32>
      %select_n3A_1032 = arith.select %eq3A_491, %broadcast_in_dim3A_1031, %scan3A_475 : vector<8x128xi1>, vector<8x128xf32>
      %broadcast_in_dim3A_1033 = vector.shape_cast %broadcast_in_dim3A_1001 : vector<1x1xf32> to vector<1x1xf32>
      %broadcast_in_dim3A_1034 = vector.broadcast %broadcast_in_dim3A_1033 : vector<1x1xf32> to vector<8x128xf32>
      %select_n3A_1035 = arith.select %eq3A_491, %broadcast_in_dim3A_1034, %scan3A_476 : vector<8x128xi1>, vector<8x128xf32>
      %broadcast_in_dim3A_1036 = vector.shape_cast %broadcast_in_dim3A_1015 : vector<1x1xf32> to vector<1x1xf32>
      %broadcast_in_dim3A_1037 = vector.broadcast %broadcast_in_dim3A_1036 : vector<1x1xf32> to vector<8x128xf32>
      %select_n3A_1038 = arith.select %eq3A_491, %broadcast_in_dim3A_1037, %scan3A_477 : vector<8x128xi1>, vector<8x128xf32>
      %broadcast_in_dim3A_1039 = vector.shape_cast %broadcast_in_dim3A_1029 : vector<1x1xf32> to vector<1x1xf32>
      %broadcast_in_dim3A_1040 = vector.broadcast %broadcast_in_dim3A_1039 : vector<1x1xf32> to vector<8x128xf32>
      %select_n3A_1041 = arith.select %eq3A_491, %broadcast_in_dim3A_1040, %scan3A_478 : vector<8x128xi1>, vector<8x128xf32>
      %get3A_1042 = arith.constant 5 : index
      %get3A_1043 = arith.constant 0 : index
      %get3A_1044 = arith.constant 0 : index
      %get3A_1045 = vector.load %arg0[%get3A_1042, %get3A_1043, %get3A_1044] : memref<8x64x128xf32, #tpu.memory_space<vmem>>, vector<1x64x128xf32>
      %get3A_1046 = vector.shape_cast %get3A_1045 : vector<1x64x128xf32> to vector<64x128xf32>
      %sub3A_1047 = vector.broadcast %broadcast_in_dim3A_1001 : vector<1x1xf32> to vector<64x128xf32>
      %sub3A_1048 = arith.subf %get3A_1046, %sub3A_1047 : vector<64x128xf32>
      %get3A_1049 = arith.constant 5 : index
      %get3A_1050 = arith.constant 0 : index
      %get3A_1051 = arith.constant 0 : index
      %get3A_1052 = vector.load %arg1[%get3A_1049, %get3A_1050, %get3A_1051] : memref<8x64x128xf32, #tpu.memory_space<vmem>>, vector<1x64x128xf32>
      %get3A_1053 = vector.shape_cast %get3A_1052 : vector<1x64x128xf32> to vector<64x128xf32>
      %sub3A_1054 = vector.broadcast %broadcast_in_dim3A_1015 : vector<1x1xf32> to vector<64x128xf32>
      %sub3A_1055 = arith.subf %get3A_1053, %sub3A_1054 : vector<64x128xf32>
      %get3A_1056 = arith.constant 5 : index
      %get3A_1057 = arith.constant 0 : index
      %get3A_1058 = arith.constant 0 : index
      %get3A_1059 = vector.load %arg2[%get3A_1056, %get3A_1057, %get3A_1058] : memref<8x64x128xf32, #tpu.memory_space<vmem>>, vector<1x64x128xf32>
      %get3A_1060 = vector.shape_cast %get3A_1059 : vector<1x64x128xf32> to vector<64x128xf32>
      %sub3A_1061 = vector.broadcast %broadcast_in_dim3A_1029 : vector<1x1xf32> to vector<64x128xf32>
      %sub3A_1062 = arith.subf %get3A_1060, %sub3A_1061 : vector<64x128xf32>
      %mul3A_1063 = arith.mulf %sub3A_1048, %sub3A_1048 : vector<64x128xf32>
      %mul3A_1064 = arith.mulf %sub3A_1062, %sub3A_1062 : vector<64x128xf32>
      %add3A_1065 = arith.addf %mul3A_1063, %mul3A_1064 : vector<64x128xf32>
      %mul3A_1066 = arith.mulf %sub3A_1055, %sub3A_1055 : vector<64x128xf32>
      %add3A_1067 = arith.addf %add3A_1065, %mul3A_1066 : vector<64x128xf32>
      %min3A_1068 = arith.minimumf %scan3A_473, %add3A_1067 : vector<64x128xf32>
      %reduce_max3A_1069 = arith.constant dense<0xFF800000> : vector<128xf32>
      %reduce_max3A_1070 = vector.multi_reduction <maximumf>, %min3A_1068, %reduce_max3A_1069 [0] : vector<64x128xf32> to vector<128xf32>
      %broadcast_in_dim3A_1071 = vector.shape_cast %reduce_max3A_1070 : vector<128xf32> to vector<1x128xf32>
      %reduce_max3A_1072 = arith.constant dense<0xFF800000> : vector<1xf32>
      %reduce_max3A_1073 = vector.multi_reduction <maximumf>, %broadcast_in_dim3A_1071, %reduce_max3A_1072 [1] : vector<1x128xf32> to vector<1xf32>
      %broadcast_in_dim3A_1074 = vector.shape_cast %reduce_max3A_1073 : vector<1xf32> to vector<1x1xf32>
      %eq3A_1075 = vector.broadcast %broadcast_in_dim3A_1074 : vector<1x1xf32> to vector<64x128xf32>
      %eq3A_1076 = arith.cmpf oeq, %min3A_1068, %eq3A_1075 : vector<64x128xf32>
      %jit3A_1077 = arith.constant 8.192000e+03 : f32
      %broadcast_in_dim3A_1078 = vector.broadcast %jit3A_1077 : f32 to vector<64x128xf32>
      %select_n3A_1079 = arith.select %eq3A_1076, %convert_element_type3A, %broadcast_in_dim3A_1078 : vector<64x128xi1>, vector<64x128xf32>
      %reduce_min3A_1080 = arith.constant dense<0x7F800000> : vector<128xf32>
      %reduce_min3A_1081 = vector.multi_reduction <minimumf>, %select_n3A_1079, %reduce_min3A_1080 [0] : vector<64x128xf32> to vector<128xf32>
      %broadcast_in_dim3A_1082 = vector.shape_cast %reduce_min3A_1081 : vector<128xf32> to vector<1x128xf32>
      %reduce_min3A_1083 = arith.constant dense<0x7F800000> : vector<1xf32>
      %reduce_min3A_1084 = vector.multi_reduction <minimumf>, %broadcast_in_dim3A_1082, %reduce_min3A_1083 [1] : vector<1x128xf32> to vector<1xf32>
      %broadcast_in_dim3A_1085 = vector.shape_cast %reduce_min3A_1084 : vector<1xf32> to vector<1x1xf32>
      %eq3A_1086 = vector.broadcast %scan3A_480 : vector<1x1xf32> to vector<64x128xf32>
      %eq3A_1087 = arith.cmpf oeq, %convert_element_type3A, %eq3A_1086 : vector<64x128xf32>
      %get3A_1088 = arith.constant 6 : index
      %get3A_1089 = arith.constant 0 : index
      %get3A_1090 = arith.constant 0 : index
      %get3A_1091 = vector.load %arg0[%get3A_1088, %get3A_1089, %get3A_1090] : memref<8x64x128xf32, #tpu.memory_space<vmem>>, vector<1x64x128xf32>
      %get3A_1092 = vector.shape_cast %get3A_1091 : vector<1x64x128xf32> to vector<64x128xf32>
      %jit3A_1093 = arith.constant 0.000000e+00 : f32
      %broadcast_in_dim3A_1094 = vector.broadcast %jit3A_1093 : f32 to vector<64x128xf32>
      %select_n3A_1095 = arith.select %eq3A_1087, %get3A_1092, %broadcast_in_dim3A_1094 : vector<64x128xi1>, vector<64x128xf32>
      %reduce_sum3A_1096 = arith.constant dense<0.000000e+00> : vector<128xf32>
      %reduce_sum3A_1097 = vector.multi_reduction <add>, %select_n3A_1095, %reduce_sum3A_1096 [0] : vector<64x128xf32> to vector<128xf32>
      %broadcast_in_dim3A_1098 = vector.shape_cast %reduce_sum3A_1097 : vector<128xf32> to vector<1x128xf32>
      %reduce_sum3A_1099 = arith.constant dense<0.000000e+00> : vector<1xf32>
      %reduce_sum3A_1100 = vector.multi_reduction <add>, %broadcast_in_dim3A_1098, %reduce_sum3A_1099 [1] : vector<1x128xf32> to vector<1xf32>
      %broadcast_in_dim3A_1101 = vector.shape_cast %reduce_sum3A_1100 : vector<1xf32> to vector<1x1xf32>
      %get3A_1102 = arith.constant 6 : index
      %get3A_1103 = arith.constant 0 : index
      %get3A_1104 = arith.constant 0 : index
      %get3A_1105 = vector.load %arg1[%get3A_1102, %get3A_1103, %get3A_1104] : memref<8x64x128xf32, #tpu.memory_space<vmem>>, vector<1x64x128xf32>
      %get3A_1106 = vector.shape_cast %get3A_1105 : vector<1x64x128xf32> to vector<64x128xf32>
      %jit3A_1107 = arith.constant 0.000000e+00 : f32
      %broadcast_in_dim3A_1108 = vector.broadcast %jit3A_1107 : f32 to vector<64x128xf32>
      %select_n3A_1109 = arith.select %eq3A_1087, %get3A_1106, %broadcast_in_dim3A_1108 : vector<64x128xi1>, vector<64x128xf32>
      %reduce_sum3A_1110 = arith.constant dense<0.000000e+00> : vector<128xf32>
      %reduce_sum3A_1111 = vector.multi_reduction <add>, %select_n3A_1109, %reduce_sum3A_1110 [0] : vector<64x128xf32> to vector<128xf32>
      %broadcast_in_dim3A_1112 = vector.shape_cast %reduce_sum3A_1111 : vector<128xf32> to vector<1x128xf32>
      %reduce_sum3A_1113 = arith.constant dense<0.000000e+00> : vector<1xf32>
      %reduce_sum3A_1114 = vector.multi_reduction <add>, %broadcast_in_dim3A_1112, %reduce_sum3A_1113 [1] : vector<1x128xf32> to vector<1xf32>
      %broadcast_in_dim3A_1115 = vector.shape_cast %reduce_sum3A_1114 : vector<1xf32> to vector<1x1xf32>
      %get3A_1116 = arith.constant 6 : index
      %get3A_1117 = arith.constant 0 : index
      %get3A_1118 = arith.constant 0 : index
      %get3A_1119 = vector.load %arg2[%get3A_1116, %get3A_1117, %get3A_1118] : memref<8x64x128xf32, #tpu.memory_space<vmem>>, vector<1x64x128xf32>
      %get3A_1120 = vector.shape_cast %get3A_1119 : vector<1x64x128xf32> to vector<64x128xf32>
      %jit3A_1121 = arith.constant 0.000000e+00 : f32
      %broadcast_in_dim3A_1122 = vector.broadcast %jit3A_1121 : f32 to vector<64x128xf32>
      %select_n3A_1123 = arith.select %eq3A_1087, %get3A_1120, %broadcast_in_dim3A_1122 : vector<64x128xi1>, vector<64x128xf32>
      %reduce_sum3A_1124 = arith.constant dense<0.000000e+00> : vector<128xf32>
      %reduce_sum3A_1125 = vector.multi_reduction <add>, %select_n3A_1123, %reduce_sum3A_1124 [0] : vector<64x128xf32> to vector<128xf32>
      %broadcast_in_dim3A_1126 = vector.shape_cast %reduce_sum3A_1125 : vector<128xf32> to vector<1x128xf32>
      %reduce_sum3A_1127 = arith.constant dense<0.000000e+00> : vector<1xf32>
      %reduce_sum3A_1128 = vector.multi_reduction <add>, %broadcast_in_dim3A_1126, %reduce_sum3A_1127 [1] : vector<1x128xf32> to vector<1xf32>
      %broadcast_in_dim3A_1129 = vector.shape_cast %reduce_sum3A_1128 : vector<1xf32> to vector<1x1xf32>
      %broadcast_in_dim3A_1130 = vector.shape_cast %scan3A_480 : vector<1x1xf32> to vector<1x1xf32>
      %broadcast_in_dim3A_1131 = vector.broadcast %broadcast_in_dim3A_1130 : vector<1x1xf32> to vector<8x128xf32>
      %select_n3A_1132 = arith.select %eq3A_491, %broadcast_in_dim3A_1131, %scan3A_481 : vector<8x128xi1>, vector<8x128xf32>
      %broadcast_in_dim3A_1133 = vector.shape_cast %broadcast_in_dim3A_1101 : vector<1x1xf32> to vector<1x1xf32>
      %broadcast_in_dim3A_1134 = vector.broadcast %broadcast_in_dim3A_1133 : vector<1x1xf32> to vector<8x128xf32>
      %select_n3A_1135 = arith.select %eq3A_491, %broadcast_in_dim3A_1134, %scan3A_482 : vector<8x128xi1>, vector<8x128xf32>
      %broadcast_in_dim3A_1136 = vector.shape_cast %broadcast_in_dim3A_1115 : vector<1x1xf32> to vector<1x1xf32>
      %broadcast_in_dim3A_1137 = vector.broadcast %broadcast_in_dim3A_1136 : vector<1x1xf32> to vector<8x128xf32>
      %select_n3A_1138 = arith.select %eq3A_491, %broadcast_in_dim3A_1137, %scan3A_483 : vector<8x128xi1>, vector<8x128xf32>
      %broadcast_in_dim3A_1139 = vector.shape_cast %broadcast_in_dim3A_1129 : vector<1x1xf32> to vector<1x1xf32>
      %broadcast_in_dim3A_1140 = vector.broadcast %broadcast_in_dim3A_1139 : vector<1x1xf32> to vector<8x128xf32>
      %select_n3A_1141 = arith.select %eq3A_491, %broadcast_in_dim3A_1140, %scan3A_484 : vector<8x128xi1>, vector<8x128xf32>
      %get3A_1142 = arith.constant 6 : index
      %get3A_1143 = arith.constant 0 : index
      %get3A_1144 = arith.constant 0 : index
      %get3A_1145 = vector.load %arg0[%get3A_1142, %get3A_1143, %get3A_1144] : memref<8x64x128xf32, #tpu.memory_space<vmem>>, vector<1x64x128xf32>
      %get3A_1146 = vector.shape_cast %get3A_1145 : vector<1x64x128xf32> to vector<64x128xf32>
      %sub3A_1147 = vector.broadcast %broadcast_in_dim3A_1101 : vector<1x1xf32> to vector<64x128xf32>
      %sub3A_1148 = arith.subf %get3A_1146, %sub3A_1147 : vector<64x128xf32>
      %get3A_1149 = arith.constant 6 : index
      %get3A_1150 = arith.constant 0 : index
      %get3A_1151 = arith.constant 0 : index
      %get3A_1152 = vector.load %arg1[%get3A_1149, %get3A_1150, %get3A_1151] : memref<8x64x128xf32, #tpu.memory_space<vmem>>, vector<1x64x128xf32>
      %get3A_1153 = vector.shape_cast %get3A_1152 : vector<1x64x128xf32> to vector<64x128xf32>
      %sub3A_1154 = vector.broadcast %broadcast_in_dim3A_1115 : vector<1x1xf32> to vector<64x128xf32>
      %sub3A_1155 = arith.subf %get3A_1153, %sub3A_1154 : vector<64x128xf32>
      %get3A_1156 = arith.constant 6 : index
      %get3A_1157 = arith.constant 0 : index
      %get3A_1158 = arith.constant 0 : index
      %get3A_1159 = vector.load %arg2[%get3A_1156, %get3A_1157, %get3A_1158] : memref<8x64x128xf32, #tpu.memory_space<vmem>>, vector<1x64x128xf32>
      %get3A_1160 = vector.shape_cast %get3A_1159 : vector<1x64x128xf32> to vector<64x128xf32>
      %sub3A_1161 = vector.broadcast %broadcast_in_dim3A_1129 : vector<1x1xf32> to vector<64x128xf32>
      %sub3A_1162 = arith.subf %get3A_1160, %sub3A_1161 : vector<64x128xf32>
      %mul3A_1163 = arith.mulf %sub3A_1148, %sub3A_1148 : vector<64x128xf32>
      %mul3A_1164 = arith.mulf %sub3A_1162, %sub3A_1162 : vector<64x128xf32>
      %add3A_1165 = arith.addf %mul3A_1163, %mul3A_1164 : vector<64x128xf32>
      %mul3A_1166 = arith.mulf %sub3A_1155, %sub3A_1155 : vector<64x128xf32>
      %add3A_1167 = arith.addf %add3A_1165, %mul3A_1166 : vector<64x128xf32>
      %min3A_1168 = arith.minimumf %scan3A_479, %add3A_1167 : vector<64x128xf32>
      %reduce_max3A_1169 = arith.constant dense<0xFF800000> : vector<128xf32>
      %reduce_max3A_1170 = vector.multi_reduction <maximumf>, %min3A_1168, %reduce_max3A_1169 [0] : vector<64x128xf32> to vector<128xf32>
      %broadcast_in_dim3A_1171 = vector.shape_cast %reduce_max3A_1170 : vector<128xf32> to vector<1x128xf32>
      %reduce_max3A_1172 = arith.constant dense<0xFF800000> : vector<1xf32>
      %reduce_max3A_1173 = vector.multi_reduction <maximumf>, %broadcast_in_dim3A_1171, %reduce_max3A_1172 [1] : vector<1x128xf32> to vector<1xf32>
      %broadcast_in_dim3A_1174 = vector.shape_cast %reduce_max3A_1173 : vector<1xf32> to vector<1x1xf32>
      %eq3A_1175 = vector.broadcast %broadcast_in_dim3A_1174 : vector<1x1xf32> to vector<64x128xf32>
      %eq3A_1176 = arith.cmpf oeq, %min3A_1168, %eq3A_1175 : vector<64x128xf32>
      %jit3A_1177 = arith.constant 8.192000e+03 : f32
      %broadcast_in_dim3A_1178 = vector.broadcast %jit3A_1177 : f32 to vector<64x128xf32>
      %select_n3A_1179 = arith.select %eq3A_1176, %convert_element_type3A, %broadcast_in_dim3A_1178 : vector<64x128xi1>, vector<64x128xf32>
      %reduce_min3A_1180 = arith.constant dense<0x7F800000> : vector<128xf32>
      %reduce_min3A_1181 = vector.multi_reduction <minimumf>, %select_n3A_1179, %reduce_min3A_1180 [0] : vector<64x128xf32> to vector<128xf32>
      %broadcast_in_dim3A_1182 = vector.shape_cast %reduce_min3A_1181 : vector<128xf32> to vector<1x128xf32>
      %reduce_min3A_1183 = arith.constant dense<0x7F800000> : vector<1xf32>
      %reduce_min3A_1184 = vector.multi_reduction <minimumf>, %broadcast_in_dim3A_1182, %reduce_min3A_1183 [1] : vector<1x128xf32> to vector<1xf32>
      %broadcast_in_dim3A_1185 = vector.shape_cast %reduce_min3A_1184 : vector<1xf32> to vector<1x1xf32>
      %eq3A_1186 = vector.broadcast %scan3A_486 : vector<1x1xf32> to vector<64x128xf32>
      %eq3A_1187 = arith.cmpf oeq, %convert_element_type3A, %eq3A_1186 : vector<64x128xf32>
      %get3A_1188 = arith.constant 7 : index
      %get3A_1189 = arith.constant 0 : index
      %get3A_1190 = arith.constant 0 : index
      %get3A_1191 = vector.load %arg0[%get3A_1188, %get3A_1189, %get3A_1190] : memref<8x64x128xf32, #tpu.memory_space<vmem>>, vector<1x64x128xf32>
      %get3A_1192 = vector.shape_cast %get3A_1191 : vector<1x64x128xf32> to vector<64x128xf32>
      %jit3A_1193 = arith.constant 0.000000e+00 : f32
      %broadcast_in_dim3A_1194 = vector.broadcast %jit3A_1193 : f32 to vector<64x128xf32>
      %select_n3A_1195 = arith.select %eq3A_1187, %get3A_1192, %broadcast_in_dim3A_1194 : vector<64x128xi1>, vector<64x128xf32>
      %reduce_sum3A_1196 = arith.constant dense<0.000000e+00> : vector<128xf32>
      %reduce_sum3A_1197 = vector.multi_reduction <add>, %select_n3A_1195, %reduce_sum3A_1196 [0] : vector<64x128xf32> to vector<128xf32>
      %broadcast_in_dim3A_1198 = vector.shape_cast %reduce_sum3A_1197 : vector<128xf32> to vector<1x128xf32>
      %reduce_sum3A_1199 = arith.constant dense<0.000000e+00> : vector<1xf32>
      %reduce_sum3A_1200 = vector.multi_reduction <add>, %broadcast_in_dim3A_1198, %reduce_sum3A_1199 [1] : vector<1x128xf32> to vector<1xf32>
      %broadcast_in_dim3A_1201 = vector.shape_cast %reduce_sum3A_1200 : vector<1xf32> to vector<1x1xf32>
      %get3A_1202 = arith.constant 7 : index
      %get3A_1203 = arith.constant 0 : index
      %get3A_1204 = arith.constant 0 : index
      %get3A_1205 = vector.load %arg1[%get3A_1202, %get3A_1203, %get3A_1204] : memref<8x64x128xf32, #tpu.memory_space<vmem>>, vector<1x64x128xf32>
      %get3A_1206 = vector.shape_cast %get3A_1205 : vector<1x64x128xf32> to vector<64x128xf32>
      %jit3A_1207 = arith.constant 0.000000e+00 : f32
      %broadcast_in_dim3A_1208 = vector.broadcast %jit3A_1207 : f32 to vector<64x128xf32>
      %select_n3A_1209 = arith.select %eq3A_1187, %get3A_1206, %broadcast_in_dim3A_1208 : vector<64x128xi1>, vector<64x128xf32>
      %reduce_sum3A_1210 = arith.constant dense<0.000000e+00> : vector<128xf32>
      %reduce_sum3A_1211 = vector.multi_reduction <add>, %select_n3A_1209, %reduce_sum3A_1210 [0] : vector<64x128xf32> to vector<128xf32>
      %broadcast_in_dim3A_1212 = vector.shape_cast %reduce_sum3A_1211 : vector<128xf32> to vector<1x128xf32>
      %reduce_sum3A_1213 = arith.constant dense<0.000000e+00> : vector<1xf32>
      %reduce_sum3A_1214 = vector.multi_reduction <add>, %broadcast_in_dim3A_1212, %reduce_sum3A_1213 [1] : vector<1x128xf32> to vector<1xf32>
      %broadcast_in_dim3A_1215 = vector.shape_cast %reduce_sum3A_1214 : vector<1xf32> to vector<1x1xf32>
      %get3A_1216 = arith.constant 7 : index
      %get3A_1217 = arith.constant 0 : index
      %get3A_1218 = arith.constant 0 : index
      %get3A_1219 = vector.load %arg2[%get3A_1216, %get3A_1217, %get3A_1218] : memref<8x64x128xf32, #tpu.memory_space<vmem>>, vector<1x64x128xf32>
      %get3A_1220 = vector.shape_cast %get3A_1219 : vector<1x64x128xf32> to vector<64x128xf32>
      %jit3A_1221 = arith.constant 0.000000e+00 : f32
      %broadcast_in_dim3A_1222 = vector.broadcast %jit3A_1221 : f32 to vector<64x128xf32>
      %select_n3A_1223 = arith.select %eq3A_1187, %get3A_1220, %broadcast_in_dim3A_1222 : vector<64x128xi1>, vector<64x128xf32>
      %reduce_sum3A_1224 = arith.constant dense<0.000000e+00> : vector<128xf32>
      %reduce_sum3A_1225 = vector.multi_reduction <add>, %select_n3A_1223, %reduce_sum3A_1224 [0] : vector<64x128xf32> to vector<128xf32>
      %broadcast_in_dim3A_1226 = vector.shape_cast %reduce_sum3A_1225 : vector<128xf32> to vector<1x128xf32>
      %reduce_sum3A_1227 = arith.constant dense<0.000000e+00> : vector<1xf32>
      %reduce_sum3A_1228 = vector.multi_reduction <add>, %broadcast_in_dim3A_1226, %reduce_sum3A_1227 [1] : vector<1x128xf32> to vector<1xf32>
      %broadcast_in_dim3A_1229 = vector.shape_cast %reduce_sum3A_1228 : vector<1xf32> to vector<1x1xf32>
      %broadcast_in_dim3A_1230 = vector.shape_cast %scan3A_486 : vector<1x1xf32> to vector<1x1xf32>
      %broadcast_in_dim3A_1231 = vector.broadcast %broadcast_in_dim3A_1230 : vector<1x1xf32> to vector<8x128xf32>
      %select_n3A_1232 = arith.select %eq3A_491, %broadcast_in_dim3A_1231, %scan3A_487 : vector<8x128xi1>, vector<8x128xf32>
      %broadcast_in_dim3A_1233 = vector.shape_cast %broadcast_in_dim3A_1201 : vector<1x1xf32> to vector<1x1xf32>
      %broadcast_in_dim3A_1234 = vector.broadcast %broadcast_in_dim3A_1233 : vector<1x1xf32> to vector<8x128xf32>
      %select_n3A_1235 = arith.select %eq3A_491, %broadcast_in_dim3A_1234, %scan3A_488 : vector<8x128xi1>, vector<8x128xf32>
      %broadcast_in_dim3A_1236 = vector.shape_cast %broadcast_in_dim3A_1215 : vector<1x1xf32> to vector<1x1xf32>
      %broadcast_in_dim3A_1237 = vector.broadcast %broadcast_in_dim3A_1236 : vector<1x1xf32> to vector<8x128xf32>
      %select_n3A_1238 = arith.select %eq3A_491, %broadcast_in_dim3A_1237, %scan3A_489 : vector<8x128xi1>, vector<8x128xf32>
      %broadcast_in_dim3A_1239 = vector.shape_cast %broadcast_in_dim3A_1229 : vector<1x1xf32> to vector<1x1xf32>
      %broadcast_in_dim3A_1240 = vector.broadcast %broadcast_in_dim3A_1239 : vector<1x1xf32> to vector<8x128xf32>
      %select_n3A_1241 = arith.select %eq3A_491, %broadcast_in_dim3A_1240, %scan3A_490 : vector<8x128xi1>, vector<8x128xf32>
      %get3A_1242 = arith.constant 7 : index
      %get3A_1243 = arith.constant 0 : index
      %get3A_1244 = arith.constant 0 : index
      %get3A_1245 = vector.load %arg0[%get3A_1242, %get3A_1243, %get3A_1244] : memref<8x64x128xf32, #tpu.memory_space<vmem>>, vector<1x64x128xf32>
      %get3A_1246 = vector.shape_cast %get3A_1245 : vector<1x64x128xf32> to vector<64x128xf32>
      %sub3A_1247 = vector.broadcast %broadcast_in_dim3A_1201 : vector<1x1xf32> to vector<64x128xf32>
      %sub3A_1248 = arith.subf %get3A_1246, %sub3A_1247 : vector<64x128xf32>
      %get3A_1249 = arith.constant 7 : index
      %get3A_1250 = arith.constant 0 : index
      %get3A_1251 = arith.constant 0 : index
      %get3A_1252 = vector.load %arg1[%get3A_1249, %get3A_1250, %get3A_1251] : memref<8x64x128xf32, #tpu.memory_space<vmem>>, vector<1x64x128xf32>
      %get3A_1253 = vector.shape_cast %get3A_1252 : vector<1x64x128xf32> to vector<64x128xf32>
      %sub3A_1254 = vector.broadcast %broadcast_in_dim3A_1215 : vector<1x1xf32> to vector<64x128xf32>
      %sub3A_1255 = arith.subf %get3A_1253, %sub3A_1254 : vector<64x128xf32>
      %get3A_1256 = arith.constant 7 : index
      %get3A_1257 = arith.constant 0 : index
      %get3A_1258 = arith.constant 0 : index
      %get3A_1259 = vector.load %arg2[%get3A_1256, %get3A_1257, %get3A_1258] : memref<8x64x128xf32, #tpu.memory_space<vmem>>, vector<1x64x128xf32>
      %get3A_1260 = vector.shape_cast %get3A_1259 : vector<1x64x128xf32> to vector<64x128xf32>
      %sub3A_1261 = vector.broadcast %broadcast_in_dim3A_1229 : vector<1x1xf32> to vector<64x128xf32>
      %sub3A_1262 = arith.subf %get3A_1260, %sub3A_1261 : vector<64x128xf32>
      %mul3A_1263 = arith.mulf %sub3A_1248, %sub3A_1248 : vector<64x128xf32>
      %mul3A_1264 = arith.mulf %sub3A_1262, %sub3A_1262 : vector<64x128xf32>
      %add3A_1265 = arith.addf %mul3A_1263, %mul3A_1264 : vector<64x128xf32>
      %mul3A_1266 = arith.mulf %sub3A_1255, %sub3A_1255 : vector<64x128xf32>
      %add3A_1267 = arith.addf %add3A_1265, %mul3A_1266 : vector<64x128xf32>
      %min3A_1268 = arith.minimumf %scan3A_485, %add3A_1267 : vector<64x128xf32>
      %reduce_max3A_1269 = arith.constant dense<0xFF800000> : vector<128xf32>
      %reduce_max3A_1270 = vector.multi_reduction <maximumf>, %min3A_1268, %reduce_max3A_1269 [0] : vector<64x128xf32> to vector<128xf32>
      %broadcast_in_dim3A_1271 = vector.shape_cast %reduce_max3A_1270 : vector<128xf32> to vector<1x128xf32>
      %reduce_max3A_1272 = arith.constant dense<0xFF800000> : vector<1xf32>
      %reduce_max3A_1273 = vector.multi_reduction <maximumf>, %broadcast_in_dim3A_1271, %reduce_max3A_1272 [1] : vector<1x128xf32> to vector<1xf32>
      %broadcast_in_dim3A_1274 = vector.shape_cast %reduce_max3A_1273 : vector<1xf32> to vector<1x1xf32>
      %eq3A_1275 = vector.broadcast %broadcast_in_dim3A_1274 : vector<1x1xf32> to vector<64x128xf32>
      %eq3A_1276 = arith.cmpf oeq, %min3A_1268, %eq3A_1275 : vector<64x128xf32>
      %jit3A_1277 = arith.constant 8.192000e+03 : f32
      %broadcast_in_dim3A_1278 = vector.broadcast %jit3A_1277 : f32 to vector<64x128xf32>
      %select_n3A_1279 = arith.select %eq3A_1276, %convert_element_type3A, %broadcast_in_dim3A_1278 : vector<64x128xi1>, vector<64x128xf32>
      %reduce_min3A_1280 = arith.constant dense<0x7F800000> : vector<128xf32>
      %reduce_min3A_1281 = vector.multi_reduction <minimumf>, %select_n3A_1279, %reduce_min3A_1280 [0] : vector<64x128xf32> to vector<128xf32>
      %broadcast_in_dim3A_1282 = vector.shape_cast %reduce_min3A_1281 : vector<128xf32> to vector<1x128xf32>
      %reduce_min3A_1283 = arith.constant dense<0x7F800000> : vector<1xf32>
      %reduce_min3A_1284 = vector.multi_reduction <minimumf>, %broadcast_in_dim3A_1282, %reduce_min3A_1283 [1] : vector<1x128xf32> to vector<1xf32>
      %broadcast_in_dim3A_1285 = vector.shape_cast %reduce_min3A_1284 : vector<1xf32> to vector<1x1xf32>
      scf.yield %min3A, %broadcast_in_dim3A_585, %select_n3A_535, %select_n3A_538, %select_n3A_541, %select_n3A_544, %min3A_668, %broadcast_in_dim3A_685, %select_n3A_632, %select_n3A_635, %select_n3A_638, %select_n3A_641, %min3A_768, %broadcast_in_dim3A_785, %select_n3A_732, %select_n3A_735, %select_n3A_738, %select_n3A_741, %min3A_868, %broadcast_in_dim3A_885, %select_n3A_832, %select_n3A_835, %select_n3A_838, %select_n3A_841, %min3A_968, %broadcast_in_dim3A_985, %select_n3A_932, %select_n3A_935, %select_n3A_938, %select_n3A_941, %min3A_1068, %broadcast_in_dim3A_1085, %select_n3A_1032, %select_n3A_1035, %select_n3A_1038, %select_n3A_1041, %min3A_1168, %broadcast_in_dim3A_1185, %select_n3A_1132, %select_n3A_1135, %select_n3A_1138, %select_n3A_1141, %min3A_1268, %broadcast_in_dim3A_1285, %select_n3A_1232, %select_n3A_1235, %select_n3A_1238, %select_n3A_1241 : vector<64x128xf32>, vector<1x1xf32>, vector<8x128xf32>, vector<8x128xf32>, vector<8x128xf32>, vector<8x128xf32>, vector<64x128xf32>, vector<1x1xf32>, vector<8x128xf32>, vector<8x128xf32>, vector<8x128xf32>, vector<8x128xf32>, vector<64x128xf32>, vector<1x1xf32>, vector<8x128xf32>, vector<8x128xf32>, vector<8x128xf32>, vector<8x128xf32>, vector<64x128xf32>, vector<1x1xf32>, vector<8x128xf32>, vector<8x128xf32>, vector<8x128xf32>, vector<8x128xf32>, vector<64x128xf32>, vector<1x1xf32>, vector<8x128xf32>, vector<8x128xf32>, vector<8x128xf32>, vector<8x128xf32>, vector<64x128xf32>, vector<1x1xf32>, vector<8x128xf32>, vector<8x128xf32>, vector<8x128xf32>, vector<8x128xf32>, vector<64x128xf32>, vector<1x1xf32>, vector<8x128xf32>, vector<8x128xf32>, vector<8x128xf32>, vector<8x128xf32>, vector<64x128xf32>, vector<1x1xf32>, vector<8x128xf32>, vector<8x128xf32>, vector<8x128xf32>, vector<8x128xf32>
    }
    %scan3A_242 = arith.constant 1024 : i32
    %convert_element_type3A_243 = arith.fptosi %scan3A_241#2 : vector<8x128xf32> to vector<8x128xi32>
    %swap3A = arith.constant 0 : index
    %swap3A_244 = arith.constant 0 : index
    %swap3A_245 = arith.constant 0 : index
    %swap3A_246 = vector.load %arg3[%swap3A, %swap3A_244, %swap3A_245] : memref<8x8x128xi32, #tpu.memory_space<vmem>>, vector<1x8x128xi32>
    %swap3A_247 = vector.shape_cast %swap3A_246 : vector<1x8x128xi32> to vector<8x128xi32>
    %swap3A_248 = vector.shape_cast %convert_element_type3A_243 : vector<8x128xi32> to vector<1x8x128xi32>
    tpu.vector_store %arg3[%swap3A, %swap3A_244, %swap3A_245], %swap3A_248 {strides = array<i32>} : memref<8x8x128xi32, #tpu.memory_space<vmem>>, vector<1x8x128xi32>,
    %swap3A_249 = arith.constant 0 : index
    %swap3A_250 = arith.constant 0 : index
    %swap3A_251 = arith.constant 0 : index
    %swap3A_252 = vector.load %arg4[%swap3A_249, %swap3A_250, %swap3A_251] : memref<8x8x128xf32, #tpu.memory_space<vmem>>, vector<1x8x128xf32>
    %swap3A_253 = vector.shape_cast %swap3A_252 : vector<1x8x128xf32> to vector<8x128xf32>
    %swap3A_254 = vector.shape_cast %scan3A_241#3 : vector<8x128xf32> to vector<1x8x128xf32>
    tpu.vector_store %arg4[%swap3A_249, %swap3A_250, %swap3A_251], %swap3A_254 {strides = array<i32>} : memref<8x8x128xf32, #tpu.memory_space<vmem>>, vector<1x8x128xf32>,
    %swap3A_255 = arith.constant 0 : index
    %swap3A_256 = arith.constant 0 : index
    %swap3A_257 = arith.constant 0 : index
    %swap3A_258 = vector.load %arg5[%swap3A_255, %swap3A_256, %swap3A_257] : memref<8x8x128xf32, #tpu.memory_space<vmem>>, vector<1x8x128xf32>
    %swap3A_259 = vector.shape_cast %swap3A_258 : vector<1x8x128xf32> to vector<8x128xf32>
    %swap3A_260 = vector.shape_cast %scan3A_241#4 : vector<8x128xf32> to vector<1x8x128xf32>
    tpu.vector_store %arg5[%swap3A_255, %swap3A_256, %swap3A_257], %swap3A_260 {strides = array<i32>} : memref<8x8x128xf32, #tpu.memory_space<vmem>>, vector<1x8x128xf32>,
    %swap3A_261 = arith.constant 0 : index
    %swap3A_262 = arith.constant 0 : index
    %swap3A_263 = arith.constant 0 : index
    %swap3A_264 = vector.load %arg6[%swap3A_261, %swap3A_262, %swap3A_263] : memref<8x8x128xf32, #tpu.memory_space<vmem>>, vector<1x8x128xf32>
    %swap3A_265 = vector.shape_cast %swap3A_264 : vector<1x8x128xf32> to vector<8x128xf32>
    %swap3A_266 = vector.shape_cast %scan3A_241#5 : vector<8x128xf32> to vector<1x8x128xf32>
    tpu.vector_store %arg6[%swap3A_261, %swap3A_262, %swap3A_263], %swap3A_266 {strides = array<i32>} : memref<8x8x128xf32, #tpu.memory_space<vmem>>, vector<1x8x128xf32>,
    %convert_element_type3A_267 = arith.fptosi %scan3A_241#8 : vector<8x128xf32> to vector<8x128xi32>
    %swap3A_268 = arith.constant 1 : index
    %swap3A_269 = arith.constant 0 : index
    %swap3A_270 = arith.constant 0 : index
    %swap3A_271 = vector.load %arg3[%swap3A_268, %swap3A_269, %swap3A_270] : memref<8x8x128xi32, #tpu.memory_space<vmem>>, vector<1x8x128xi32>
    %swap3A_272 = vector.shape_cast %swap3A_271 : vector<1x8x128xi32> to vector<8x128xi32>
    %swap3A_273 = vector.shape_cast %convert_element_type3A_267 : vector<8x128xi32> to vector<1x8x128xi32>
    tpu.vector_store %arg3[%swap3A_268, %swap3A_269, %swap3A_270], %swap3A_273 {strides = array<i32>} : memref<8x8x128xi32, #tpu.memory_space<vmem>>, vector<1x8x128xi32>,
    %swap3A_274 = arith.constant 1 : index
    %swap3A_275 = arith.constant 0 : index
    %swap3A_276 = arith.constant 0 : index
    %swap3A_277 = vector.load %arg4[%swap3A_274, %swap3A_275, %swap3A_276] : memref<8x8x128xf32, #tpu.memory_space<vmem>>, vector<1x8x128xf32>
    %swap3A_278 = vector.shape_cast %swap3A_277 : vector<1x8x128xf32> to vector<8x128xf32>
    %swap3A_279 = vector.shape_cast %scan3A_241#9 : vector<8x128xf32> to vector<1x8x128xf32>
    tpu.vector_store %arg4[%swap3A_274, %swap3A_275, %swap3A_276], %swap3A_279 {strides = array<i32>} : memref<8x8x128xf32, #tpu.memory_space<vmem>>, vector<1x8x128xf32>,
    %swap3A_280 = arith.constant 1 : index
    %swap3A_281 = arith.constant 0 : index
    %swap3A_282 = arith.constant 0 : index
    %swap3A_283 = vector.load %arg5[%swap3A_280, %swap3A_281, %swap3A_282] : memref<8x8x128xf32, #tpu.memory_space<vmem>>, vector<1x8x128xf32>
    %swap3A_284 = vector.shape_cast %swap3A_283 : vector<1x8x128xf32> to vector<8x128xf32>
    %swap3A_285 = vector.shape_cast %scan3A_241#10 : vector<8x128xf32> to vector<1x8x128xf32>
    tpu.vector_store %arg5[%swap3A_280, %swap3A_281, %swap3A_282], %swap3A_285 {strides = array<i32>} : memref<8x8x128xf32, #tpu.memory_space<vmem>>, vector<1x8x128xf32>,
    %swap3A_286 = arith.constant 1 : index
    %swap3A_287 = arith.constant 0 : index
    %swap3A_288 = arith.constant 0 : index
    %swap3A_289 = vector.load %arg6[%swap3A_286, %swap3A_287, %swap3A_288] : memref<8x8x128xf32, #tpu.memory_space<vmem>>, vector<1x8x128xf32>
    %swap3A_290 = vector.shape_cast %swap3A_289 : vector<1x8x128xf32> to vector<8x128xf32>
    %swap3A_291 = vector.shape_cast %scan3A_241#11 : vector<8x128xf32> to vector<1x8x128xf32>
    tpu.vector_store %arg6[%swap3A_286, %swap3A_287, %swap3A_288], %swap3A_291 {strides = array<i32>} : memref<8x8x128xf32, #tpu.memory_space<vmem>>, vector<1x8x128xf32>,
    %convert_element_type3A_292 = arith.fptosi %scan3A_241#14 : vector<8x128xf32> to vector<8x128xi32>
    %swap3A_293 = arith.constant 2 : index
    %swap3A_294 = arith.constant 0 : index
    %swap3A_295 = arith.constant 0 : index
    %swap3A_296 = vector.load %arg3[%swap3A_293, %swap3A_294, %swap3A_295] : memref<8x8x128xi32, #tpu.memory_space<vmem>>, vector<1x8x128xi32>
    %swap3A_297 = vector.shape_cast %swap3A_296 : vector<1x8x128xi32> to vector<8x128xi32>
    %swap3A_298 = vector.shape_cast %convert_element_type3A_292 : vector<8x128xi32> to vector<1x8x128xi32>
    tpu.vector_store %arg3[%swap3A_293, %swap3A_294, %swap3A_295], %swap3A_298 {strides = array<i32>} : memref<8x8x128xi32, #tpu.memory_space<vmem>>, vector<1x8x128xi32>,
    %swap3A_299 = arith.constant 2 : index
    %swap3A_300 = arith.constant 0 : index
    %swap3A_301 = arith.constant 0 : index
    %swap3A_302 = vector.load %arg4[%swap3A_299, %swap3A_300, %swap3A_301] : memref<8x8x128xf32, #tpu.memory_space<vmem>>, vector<1x8x128xf32>
    %swap3A_303 = vector.shape_cast %swap3A_302 : vector<1x8x128xf32> to vector<8x128xf32>
    %swap3A_304 = vector.shape_cast %scan3A_241#15 : vector<8x128xf32> to vector<1x8x128xf32>
    tpu.vector_store %arg4[%swap3A_299, %swap3A_300, %swap3A_301], %swap3A_304 {strides = array<i32>} : memref<8x8x128xf32, #tpu.memory_space<vmem>>, vector<1x8x128xf32>,
    %swap3A_305 = arith.constant 2 : index
    %swap3A_306 = arith.constant 0 : index
    %swap3A_307 = arith.constant 0 : index
    %swap3A_308 = vector.load %arg5[%swap3A_305, %swap3A_306, %swap3A_307] : memref<8x8x128xf32, #tpu.memory_space<vmem>>, vector<1x8x128xf32>
    %swap3A_309 = vector.shape_cast %swap3A_308 : vector<1x8x128xf32> to vector<8x128xf32>
    %swap3A_310 = vector.shape_cast %scan3A_241#16 : vector<8x128xf32> to vector<1x8x128xf32>
    tpu.vector_store %arg5[%swap3A_305, %swap3A_306, %swap3A_307], %swap3A_310 {strides = array<i32>} : memref<8x8x128xf32, #tpu.memory_space<vmem>>, vector<1x8x128xf32>,
    %swap3A_311 = arith.constant 2 : index
    %swap3A_312 = arith.constant 0 : index
    %swap3A_313 = arith.constant 0 : index
    %swap3A_314 = vector.load %arg6[%swap3A_311, %swap3A_312, %swap3A_313] : memref<8x8x128xf32, #tpu.memory_space<vmem>>, vector<1x8x128xf32>
    %swap3A_315 = vector.shape_cast %swap3A_314 : vector<1x8x128xf32> to vector<8x128xf32>
    %swap3A_316 = vector.shape_cast %scan3A_241#17 : vector<8x128xf32> to vector<1x8x128xf32>
    tpu.vector_store %arg6[%swap3A_311, %swap3A_312, %swap3A_313], %swap3A_316 {strides = array<i32>} : memref<8x8x128xf32, #tpu.memory_space<vmem>>, vector<1x8x128xf32>,
    %convert_element_type3A_317 = arith.fptosi %scan3A_241#20 : vector<8x128xf32> to vector<8x128xi32>
    %swap3A_318 = arith.constant 3 : index
    %swap3A_319 = arith.constant 0 : index
    %swap3A_320 = arith.constant 0 : index
    %swap3A_321 = vector.load %arg3[%swap3A_318, %swap3A_319, %swap3A_320] : memref<8x8x128xi32, #tpu.memory_space<vmem>>, vector<1x8x128xi32>
    %swap3A_322 = vector.shape_cast %swap3A_321 : vector<1x8x128xi32> to vector<8x128xi32>
    %swap3A_323 = vector.shape_cast %convert_element_type3A_317 : vector<8x128xi32> to vector<1x8x128xi32>
    tpu.vector_store %arg3[%swap3A_318, %swap3A_319, %swap3A_320], %swap3A_323 {strides = array<i32>} : memref<8x8x128xi32, #tpu.memory_space<vmem>>, vector<1x8x128xi32>,
    %swap3A_324 = arith.constant 3 : index
    %swap3A_325 = arith.constant 0 : index
    %swap3A_326 = arith.constant 0 : index
    %swap3A_327 = vector.load %arg4[%swap3A_324, %swap3A_325, %swap3A_326] : memref<8x8x128xf32, #tpu.memory_space<vmem>>, vector<1x8x128xf32>
    %swap3A_328 = vector.shape_cast %swap3A_327 : vector<1x8x128xf32> to vector<8x128xf32>
    %swap3A_329 = vector.shape_cast %scan3A_241#21 : vector<8x128xf32> to vector<1x8x128xf32>
    tpu.vector_store %arg4[%swap3A_324, %swap3A_325, %swap3A_326], %swap3A_329 {strides = array<i32>} : memref<8x8x128xf32, #tpu.memory_space<vmem>>, vector<1x8x128xf32>,
    %swap3A_330 = arith.constant 3 : index
    %swap3A_331 = arith.constant 0 : index
    %swap3A_332 = arith.constant 0 : index
    %swap3A_333 = vector.load %arg5[%swap3A_330, %swap3A_331, %swap3A_332] : memref<8x8x128xf32, #tpu.memory_space<vmem>>, vector<1x8x128xf32>
    %swap3A_334 = vector.shape_cast %swap3A_333 : vector<1x8x128xf32> to vector<8x128xf32>
    %swap3A_335 = vector.shape_cast %scan3A_241#22 : vector<8x128xf32> to vector<1x8x128xf32>
    tpu.vector_store %arg5[%swap3A_330, %swap3A_331, %swap3A_332], %swap3A_335 {strides = array<i32>} : memref<8x8x128xf32, #tpu.memory_space<vmem>>, vector<1x8x128xf32>,
    %swap3A_336 = arith.constant 3 : index
    %swap3A_337 = arith.constant 0 : index
    %swap3A_338 = arith.constant 0 : index
    %swap3A_339 = vector.load %arg6[%swap3A_336, %swap3A_337, %swap3A_338] : memref<8x8x128xf32, #tpu.memory_space<vmem>>, vector<1x8x128xf32>
    %swap3A_340 = vector.shape_cast %swap3A_339 : vector<1x8x128xf32> to vector<8x128xf32>
    %swap3A_341 = vector.shape_cast %scan3A_241#23 : vector<8x128xf32> to vector<1x8x128xf32>
    tpu.vector_store %arg6[%swap3A_336, %swap3A_337, %swap3A_338], %swap3A_341 {strides = array<i32>} : memref<8x8x128xf32, #tpu.memory_space<vmem>>, vector<1x8x128xf32>,
    %convert_element_type3A_342 = arith.fptosi %scan3A_241#26 : vector<8x128xf32> to vector<8x128xi32>
    %swap3A_343 = arith.constant 4 : index
    %swap3A_344 = arith.constant 0 : index
    %swap3A_345 = arith.constant 0 : index
    %swap3A_346 = vector.load %arg3[%swap3A_343, %swap3A_344, %swap3A_345] : memref<8x8x128xi32, #tpu.memory_space<vmem>>, vector<1x8x128xi32>
    %swap3A_347 = vector.shape_cast %swap3A_346 : vector<1x8x128xi32> to vector<8x128xi32>
    %swap3A_348 = vector.shape_cast %convert_element_type3A_342 : vector<8x128xi32> to vector<1x8x128xi32>
    tpu.vector_store %arg3[%swap3A_343, %swap3A_344, %swap3A_345], %swap3A_348 {strides = array<i32>} : memref<8x8x128xi32, #tpu.memory_space<vmem>>, vector<1x8x128xi32>,
    %swap3A_349 = arith.constant 4 : index
    %swap3A_350 = arith.constant 0 : index
    %swap3A_351 = arith.constant 0 : index
    %swap3A_352 = vector.load %arg4[%swap3A_349, %swap3A_350, %swap3A_351] : memref<8x8x128xf32, #tpu.memory_space<vmem>>, vector<1x8x128xf32>
    %swap3A_353 = vector.shape_cast %swap3A_352 : vector<1x8x128xf32> to vector<8x128xf32>
    %swap3A_354 = vector.shape_cast %scan3A_241#27 : vector<8x128xf32> to vector<1x8x128xf32>
    tpu.vector_store %arg4[%swap3A_349, %swap3A_350, %swap3A_351], %swap3A_354 {strides = array<i32>} : memref<8x8x128xf32, #tpu.memory_space<vmem>>, vector<1x8x128xf32>,
    %swap3A_355 = arith.constant 4 : index
    %swap3A_356 = arith.constant 0 : index
    %swap3A_357 = arith.constant 0 : index
    %swap3A_358 = vector.load %arg5[%swap3A_355, %swap3A_356, %swap3A_357] : memref<8x8x128xf32, #tpu.memory_space<vmem>>, vector<1x8x128xf32>
    %swap3A_359 = vector.shape_cast %swap3A_358 : vector<1x8x128xf32> to vector<8x128xf32>
    %swap3A_360 = vector.shape_cast %scan3A_241#28 : vector<8x128xf32> to vector<1x8x128xf32>
    tpu.vector_store %arg5[%swap3A_355, %swap3A_356, %swap3A_357], %swap3A_360 {strides = array<i32>} : memref<8x8x128xf32, #tpu.memory_space<vmem>>, vector<1x8x128xf32>,
    %swap3A_361 = arith.constant 4 : index
    %swap3A_362 = arith.constant 0 : index
    %swap3A_363 = arith.constant 0 : index
    %swap3A_364 = vector.load %arg6[%swap3A_361, %swap3A_362, %swap3A_363] : memref<8x8x128xf32, #tpu.memory_space<vmem>>, vector<1x8x128xf32>
    %swap3A_365 = vector.shape_cast %swap3A_364 : vector<1x8x128xf32> to vector<8x128xf32>
    %swap3A_366 = vector.shape_cast %scan3A_241#29 : vector<8x128xf32> to vector<1x8x128xf32>
    tpu.vector_store %arg6[%swap3A_361, %swap3A_362, %swap3A_363], %swap3A_366 {strides = array<i32>} : memref<8x8x128xf32, #tpu.memory_space<vmem>>, vector<1x8x128xf32>,
    %convert_element_type3A_367 = arith.fptosi %scan3A_241#32 : vector<8x128xf32> to vector<8x128xi32>
    %swap3A_368 = arith.constant 5 : index
    %swap3A_369 = arith.constant 0 : index
    %swap3A_370 = arith.constant 0 : index
    %swap3A_371 = vector.load %arg3[%swap3A_368, %swap3A_369, %swap3A_370] : memref<8x8x128xi32, #tpu.memory_space<vmem>>, vector<1x8x128xi32>
    %swap3A_372 = vector.shape_cast %swap3A_371 : vector<1x8x128xi32> to vector<8x128xi32>
    %swap3A_373 = vector.shape_cast %convert_element_type3A_367 : vector<8x128xi32> to vector<1x8x128xi32>
    tpu.vector_store %arg3[%swap3A_368, %swap3A_369, %swap3A_370], %swap3A_373 {strides = array<i32>} : memref<8x8x128xi32, #tpu.memory_space<vmem>>, vector<1x8x128xi32>,
    %swap3A_374 = arith.constant 5 : index
    %swap3A_375 = arith.constant 0 : index
    %swap3A_376 = arith.constant 0 : index
    %swap3A_377 = vector.load %arg4[%swap3A_374, %swap3A_375, %swap3A_376] : memref<8x8x128xf32, #tpu.memory_space<vmem>>, vector<1x8x128xf32>
    %swap3A_378 = vector.shape_cast %swap3A_377 : vector<1x8x128xf32> to vector<8x128xf32>
    %swap3A_379 = vector.shape_cast %scan3A_241#33 : vector<8x128xf32> to vector<1x8x128xf32>
    tpu.vector_store %arg4[%swap3A_374, %swap3A_375, %swap3A_376], %swap3A_379 {strides = array<i32>} : memref<8x8x128xf32, #tpu.memory_space<vmem>>, vector<1x8x128xf32>,
    %swap3A_380 = arith.constant 5 : index
    %swap3A_381 = arith.constant 0 : index
    %swap3A_382 = arith.constant 0 : index
    %swap3A_383 = vector.load %arg5[%swap3A_380, %swap3A_381, %swap3A_382] : memref<8x8x128xf32, #tpu.memory_space<vmem>>, vector<1x8x128xf32>
    %swap3A_384 = vector.shape_cast %swap3A_383 : vector<1x8x128xf32> to vector<8x128xf32>
    %swap3A_385 = vector.shape_cast %scan3A_241#34 : vector<8x128xf32> to vector<1x8x128xf32>
    tpu.vector_store %arg5[%swap3A_380, %swap3A_381, %swap3A_382], %swap3A_385 {strides = array<i32>} : memref<8x8x128xf32, #tpu.memory_space<vmem>>, vector<1x8x128xf32>,
    %swap3A_386 = arith.constant 5 : index
    %swap3A_387 = arith.constant 0 : index
    %swap3A_388 = arith.constant 0 : index
    %swap3A_389 = vector.load %arg6[%swap3A_386, %swap3A_387, %swap3A_388] : memref<8x8x128xf32, #tpu.memory_space<vmem>>, vector<1x8x128xf32>
    %swap3A_390 = vector.shape_cast %swap3A_389 : vector<1x8x128xf32> to vector<8x128xf32>
    %swap3A_391 = vector.shape_cast %scan3A_241#35 : vector<8x128xf32> to vector<1x8x128xf32>
    tpu.vector_store %arg6[%swap3A_386, %swap3A_387, %swap3A_388], %swap3A_391 {strides = array<i32>} : memref<8x8x128xf32, #tpu.memory_space<vmem>>, vector<1x8x128xf32>,
    %convert_element_type3A_392 = arith.fptosi %scan3A_241#38 : vector<8x128xf32> to vector<8x128xi32>
    %swap3A_393 = arith.constant 6 : index
    %swap3A_394 = arith.constant 0 : index
    %swap3A_395 = arith.constant 0 : index
    %swap3A_396 = vector.load %arg3[%swap3A_393, %swap3A_394, %swap3A_395] : memref<8x8x128xi32, #tpu.memory_space<vmem>>, vector<1x8x128xi32>
    %swap3A_397 = vector.shape_cast %swap3A_396 : vector<1x8x128xi32> to vector<8x128xi32>
    %swap3A_398 = vector.shape_cast %convert_element_type3A_392 : vector<8x128xi32> to vector<1x8x128xi32>
    tpu.vector_store %arg3[%swap3A_393, %swap3A_394, %swap3A_395], %swap3A_398 {strides = array<i32>} : memref<8x8x128xi32, #tpu.memory_space<vmem>>, vector<1x8x128xi32>,
    %swap3A_399 = arith.constant 6 : index
    %swap3A_400 = arith.constant 0 : index
    %swap3A_401 = arith.constant 0 : index
    %swap3A_402 = vector.load %arg4[%swap3A_399, %swap3A_400, %swap3A_401] : memref<8x8x128xf32, #tpu.memory_space<vmem>>, vector<1x8x128xf32>
    %swap3A_403 = vector.shape_cast %swap3A_402 : vector<1x8x128xf32> to vector<8x128xf32>
    %swap3A_404 = vector.shape_cast %scan3A_241#39 : vector<8x128xf32> to vector<1x8x128xf32>
    tpu.vector_store %arg4[%swap3A_399, %swap3A_400, %swap3A_401], %swap3A_404 {strides = array<i32>} : memref<8x8x128xf32, #tpu.memory_space<vmem>>, vector<1x8x128xf32>,
    %swap3A_405 = arith.constant 6 : index
    %swap3A_406 = arith.constant 0 : index
    %swap3A_407 = arith.constant 0 : index
    %swap3A_408 = vector.load %arg5[%swap3A_405, %swap3A_406, %swap3A_407] : memref<8x8x128xf32, #tpu.memory_space<vmem>>, vector<1x8x128xf32>
    %swap3A_409 = vector.shape_cast %swap3A_408 : vector<1x8x128xf32> to vector<8x128xf32>
    %swap3A_410 = vector.shape_cast %scan3A_241#40 : vector<8x128xf32> to vector<1x8x128xf32>
    tpu.vector_store %arg5[%swap3A_405, %swap3A_406, %swap3A_407], %swap3A_410 {strides = array<i32>} : memref<8x8x128xf32, #tpu.memory_space<vmem>>, vector<1x8x128xf32>,
    %swap3A_411 = arith.constant 6 : index
    %swap3A_412 = arith.constant 0 : index
    %swap3A_413 = arith.constant 0 : index
    %swap3A_414 = vector.load %arg6[%swap3A_411, %swap3A_412, %swap3A_413] : memref<8x8x128xf32, #tpu.memory_space<vmem>>, vector<1x8x128xf32>
    %swap3A_415 = vector.shape_cast %swap3A_414 : vector<1x8x128xf32> to vector<8x128xf32>
    %swap3A_416 = vector.shape_cast %scan3A_241#41 : vector<8x128xf32> to vector<1x8x128xf32>
    tpu.vector_store %arg6[%swap3A_411, %swap3A_412, %swap3A_413], %swap3A_416 {strides = array<i32>} : memref<8x8x128xf32, #tpu.memory_space<vmem>>, vector<1x8x128xf32>,
    %convert_element_type3A_417 = arith.fptosi %scan3A_241#44 : vector<8x128xf32> to vector<8x128xi32>
    %swap3A_418 = arith.constant 7 : index
    %swap3A_419 = arith.constant 0 : index
    %swap3A_420 = arith.constant 0 : index
    %swap3A_421 = vector.load %arg3[%swap3A_418, %swap3A_419, %swap3A_420] : memref<8x8x128xi32, #tpu.memory_space<vmem>>, vector<1x8x128xi32>
    %swap3A_422 = vector.shape_cast %swap3A_421 : vector<1x8x128xi32> to vector<8x128xi32>
    %swap3A_423 = vector.shape_cast %convert_element_type3A_417 : vector<8x128xi32> to vector<1x8x128xi32>
    tpu.vector_store %arg3[%swap3A_418, %swap3A_419, %swap3A_420], %swap3A_423 {strides = array<i32>} : memref<8x8x128xi32, #tpu.memory_space<vmem>>, vector<1x8x128xi32>,
    %swap3A_424 = arith.constant 7 : index
    %swap3A_425 = arith.constant 0 : index
    %swap3A_426 = arith.constant 0 : index
    %swap3A_427 = vector.load %arg4[%swap3A_424, %swap3A_425, %swap3A_426] : memref<8x8x128xf32, #tpu.memory_space<vmem>>, vector<1x8x128xf32>
    %swap3A_428 = vector.shape_cast %swap3A_427 : vector<1x8x128xf32> to vector<8x128xf32>
    %swap3A_429 = vector.shape_cast %scan3A_241#45 : vector<8x128xf32> to vector<1x8x128xf32>
    tpu.vector_store %arg4[%swap3A_424, %swap3A_425, %swap3A_426], %swap3A_429 {strides = array<i32>} : memref<8x8x128xf32, #tpu.memory_space<vmem>>, vector<1x8x128xf32>,
    %swap3A_430 = arith.constant 7 : index
    %swap3A_431 = arith.constant 0 : index
    %swap3A_432 = arith.constant 0 : index
    %swap3A_433 = vector.load %arg5[%swap3A_430, %swap3A_431, %swap3A_432] : memref<8x8x128xf32, #tpu.memory_space<vmem>>, vector<1x8x128xf32>
    %swap3A_434 = vector.shape_cast %swap3A_433 : vector<1x8x128xf32> to vector<8x128xf32>
    %swap3A_435 = vector.shape_cast %scan3A_241#46 : vector<8x128xf32> to vector<1x8x128xf32>
    tpu.vector_store %arg5[%swap3A_430, %swap3A_431, %swap3A_432], %swap3A_435 {strides = array<i32>} : memref<8x8x128xf32, #tpu.memory_space<vmem>>, vector<1x8x128xf32>,
    %swap3A_436 = arith.constant 7 : index
    %swap3A_437 = arith.constant 0 : index
    %swap3A_438 = arith.constant 0 : index
    %swap3A_439 = vector.load %arg6[%swap3A_436, %swap3A_437, %swap3A_438] : memref<8x8x128xf32, #tpu.memory_space<vmem>>, vector<1x8x128xf32>
    %swap3A_440 = vector.shape_cast %swap3A_439 : vector<1x8x128xf32> to vector<8x128xf32>
    %swap3A_441 = vector.shape_cast %scan3A_241#47 : vector<8x128xf32> to vector<1x8x128xf32>
    tpu.vector_store %arg6[%swap3A_436, %swap3A_437, %swap3A_438], %swap3A_441 {strides = array<i32>} : memref<8x8x128xf32, #tpu.memory_space<vmem>>, vector<1x8x128xf32>,
    return
  }
}

module attributes {stable_mosaic.version = 14 : i64} {
  func.func @_ballq_body(%arg0: i32, %arg1: i32, %arg2: memref<1x8192x1xf32, #tpu.memory_space<vmem>>, %arg3: memref<1x8192x1xf32, #tpu.memory_space<vmem>>, %arg4: memref<1x8192x1xf32, #tpu.memory_space<vmem>>, %arg5: memref<1x1x256xf32, #tpu.memory_space<vmem>>, %arg6: memref<1x1x256xf32, #tpu.memory_space<vmem>>, %arg7: memref<1x1x256xf32, #tpu.memory_space<vmem>>, %arg8: memref<1x32x256xi32, #tpu.memory_space<vmem>>, %arg9: memref<32x256xf32, #tpu.memory_space<vmem>>) attributes {dimension_semantics = [#tpu.dimension_semantics<arbitrary>, #tpu.dimension_semantics<arbitrary>], iteration_bounds = array<i64: 8, 4>, scalar_prefetch = 0 : i64, scratch_operands = 1 : i64, tpu.core_type = #tpu.core_type<tc>, window_params = [{transform_indices = @transform_0, window_bounds = array<i64: 1, 8192, 1>}, {transform_indices = @transform_1, window_bounds = array<i64: 1, 8192, 1>}, {transform_indices = @transform_2, window_bounds = array<i64: 1, 8192, 1>}, {transform_indices = @transform_3, window_bounds = array<i64: 1, 1, 256>}, {transform_indices = @transform_4, window_bounds = array<i64: 1, 1, 256>}, {transform_indices = @transform_5, window_bounds = array<i64: 1, 1, 256>}, {transform_indices = @transform_6, window_bounds = array<i64: 1, 32, 256>}]} {
    %get3A = arith.constant 0 : index
    %get3A_0 = arith.constant 0 : index
    %get3A_1 = arith.constant 0 : index
    %get3A_2 = vector.load %arg5[%get3A, %get3A_0, %get3A_1] : memref<1x1x256xf32, #tpu.memory_space<vmem>>, vector<1x1x256xf32>
    %get3A_3 = vector.shape_cast %get3A_2 : vector<1x1x256xf32> to vector<1x256xf32>
    %get3A_4 = arith.constant 0 : index
    %get3A_5 = arith.constant 0 : index
    %get3A_6 = arith.constant 0 : index
    %get3A_7 = vector.load %arg6[%get3A_4, %get3A_5, %get3A_6] : memref<1x1x256xf32, #tpu.memory_space<vmem>>, vector<1x1x256xf32>
    %get3A_8 = vector.shape_cast %get3A_7 : vector<1x1x256xf32> to vector<1x256xf32>
    %get3A_9 = arith.constant 0 : index
    %get3A_10 = arith.constant 0 : index
    %get3A_11 = arith.constant 0 : index
    %get3A_12 = vector.load %arg7[%get3A_9, %get3A_10, %get3A_11] : memref<1x1x256xf32, #tpu.memory_space<vmem>>, vector<1x1x256xf32>
    %get3A_13 = vector.shape_cast %get3A_12 : vector<1x1x256xf32> to vector<1x256xf32>
    %iota3A = tpu.iota {dimensions = array<i32: 0>} : vector<512x512xi32>
    %iota3A_14 = tpu.iota {dimensions = array<i32: 1>} : vector<512x512xi32>
    %le3A = arith.cmpi sle, %iota3A_14, %iota3A : vector<512x512xi32>
    %jit3A = arith.constant 1.000000e+00 : f32
    %jit3A_15 = arith.constant 0.000000e+00 : f32
    %broadcast_in_dim3A = vector.broadcast %jit3A : f32 to vector<512x512xf32>
    %broadcast_in_dim3A_16 = vector.broadcast %jit3A_15 : f32 to vector<512x512xf32>
    %select_n3A = arith.select %le3A, %broadcast_in_dim3A, %broadcast_in_dim3A_16 : vector<512x512xi1>, vector<512x512xf32>
    %iota3A_17 = tpu.iota {dimensions = array<i32: 0>} : vector<512x256xi32>
    %convert_element_type3A = arith.sitofp %iota3A_17 : vector<512x256xi32> to vector<512x256xf32>
    %iota3A_18 = tpu.iota {dimensions = array<i32: 0>} : vector<32x256xi32>
    %convert_element_type3A_19 = arith.sitofp %iota3A_18 : vector<32x256xi32> to vector<32x256xf32>
    %mul3A = arith.constant 0.000000e+00 : f32
    %mul3A_20 = vector.broadcast %mul3A : f32 to vector<32x256xf32>
    %mul3A_21 = arith.mulf %convert_element_type3A_19, %mul3A_20 : vector<32x256xf32>
    %swap3A = arith.constant 0 : index
    %swap3A_22 = arith.constant 0 : index
    %swap3A_23 = vector.load %arg9[%swap3A, %swap3A_22] : memref<32x256xf32, #tpu.memory_space<vmem>>, vector<32x256xf32>
    tpu.vector_store %arg9[%swap3A, %swap3A_22], %mul3A_21 {strides = array<i32>} : memref<32x256xf32, #tpu.memory_space<vmem>>, vector<32x256xf32>,
    %broadcast_in_dim3A_24 = arith.constant 0.000000e+00 : f32
    %broadcast_in_dim3A_25 = vector.broadcast %broadcast_in_dim3A_24 : f32 to vector<1x256xf32>
    %while3A = arith.constant 0 : i32
    %while3A_26:2 = scf.while (%while3A_46 = %while3A, %while3A_47 = %broadcast_in_dim3A_25) : (i32, vector<1x256xf32>) -> (i32, vector<1x256xf32>) {
      %lt3A_48 = arith.constant 16 : i32
      %lt3A_49 = arith.cmpi slt, %while3A_46, %lt3A_48 : i32
      %reduce_min3A = vector.shape_cast %while3A_47 : vector<1x256xf32> to vector<1x1x256xf32>
      %reduce_min3A_50 = arith.constant dense<0x7F800000> : vector<1xf32>
      %reduce_min3A_51 = vector.multi_reduction <minimumf>, %reduce_min3A, %reduce_min3A_50 [1, 2] : vector<1x1x256xf32> to vector<1xf32>
      %reduce_min3A_52 = vector.shape_cast %reduce_min3A_51 : vector<1xf32> to vector<1x1x1xf32>
      %reduce_min3A_53 = vector.extract %reduce_min3A_52[0, 0, 0] : f32 from vector<1x1x1xf32>
      %lt3A_54 = arith.constant 3.200000e+01 : f32
      %lt3A_55 = arith.cmpf olt, %reduce_min3A_53, %lt3A_54 : f32
      %and3A = arith.andi %lt3A_49, %lt3A_55 : i1
      scf.condition(%and3A) %while3A_46, %while3A_47 : i32, vector<1x256xf32>
    } do {
    ^bb0(%while3A_46: i32, %while3A_47: vector<1x256xf32>):
      %mul3A_48 = arith.constant 512 : i32
      %mul3A_49 = arith.muli %while3A_46, %mul3A_48 : i32
      %multiple_of3A = tpu.assume_multiple %mul3A_49, 512 : i32
      %get3A_50 = arith.constant 0 : index
      %get3A_51 = arith.index_cast %multiple_of3A : i32 to index
      %get3A_52 = arith.constant 0 : index
      %get3A_53 = vector.load %arg2[%get3A_50, %get3A_51, %get3A_52] : memref<1x8192x1xf32, #tpu.memory_space<vmem>>, vector<1x512x1xf32>
      %get3A_54 = vector.shape_cast %get3A_53 : vector<1x512x1xf32> to vector<512x1xf32>
      %get3A_55 = arith.constant 0 : index
      %get3A_56 = arith.index_cast %multiple_of3A : i32 to index
      %get3A_57 = arith.constant 0 : index
      %get3A_58 = vector.load %arg3[%get3A_55, %get3A_56, %get3A_57] : memref<1x8192x1xf32, #tpu.memory_space<vmem>>, vector<1x512x1xf32>
      %get3A_59 = vector.shape_cast %get3A_58 : vector<1x512x1xf32> to vector<512x1xf32>
      %get3A_60 = arith.constant 0 : index
      %get3A_61 = arith.index_cast %multiple_of3A : i32 to index
      %get3A_62 = arith.constant 0 : index
      %get3A_63 = vector.load %arg4[%get3A_60, %get3A_61, %get3A_62] : memref<1x8192x1xf32, #tpu.memory_space<vmem>>, vector<1x512x1xf32>
      %get3A_64 = vector.shape_cast %get3A_63 : vector<1x512x1xf32> to vector<512x1xf32>
      %sub3A = vector.broadcast %get3A_3 : vector<1x256xf32> to vector<512x256xf32>
      %sub3A_65 = vector.broadcast %get3A_54 : vector<512x1xf32> to vector<512x256xf32>
      %sub3A_66 = arith.subf %sub3A, %sub3A_65 : vector<512x256xf32>
      %sub3A_67 = vector.broadcast %get3A_8 : vector<1x256xf32> to vector<512x256xf32>
      %sub3A_68 = vector.broadcast %get3A_59 : vector<512x1xf32> to vector<512x256xf32>
      %sub3A_69 = arith.subf %sub3A_67, %sub3A_68 : vector<512x256xf32>
      %sub3A_70 = vector.broadcast %get3A_13 : vector<1x256xf32> to vector<512x256xf32>
      %sub3A_71 = vector.broadcast %get3A_64 : vector<512x1xf32> to vector<512x256xf32>
      %sub3A_72 = arith.subf %sub3A_70, %sub3A_71 : vector<512x256xf32>
      %mul3A_73 = arith.mulf %sub3A_66, %sub3A_66 : vector<512x256xf32>
      %mul3A_74 = arith.mulf %sub3A_72, %sub3A_72 : vector<512x256xf32>
      %add3A_75 = arith.addf %mul3A_73, %mul3A_74 : vector<512x256xf32>
      %mul3A_76 = arith.mulf %sub3A_69, %sub3A_69 : vector<512x256xf32>
      %add3A_77 = arith.addf %add3A_75, %mul3A_76 : vector<512x256xf32>
      %le3A_78 = arith.constant 4.000000e-02 : f32
      %le3A_79 = vector.broadcast %le3A_78 : f32 to vector<512x256xf32>
      %le3A_80 = arith.cmpf ole, %add3A_77, %le3A_79 : vector<512x256xf32>
      %jit3A_81 = arith.constant 1.000000e+00 : f32
      %jit3A_82 = arith.constant 0.000000e+00 : f32
      %broadcast_in_dim3A_83 = vector.broadcast %jit3A_81 : f32 to vector<512x256xf32>
      %broadcast_in_dim3A_84 = vector.broadcast %jit3A_82 : f32 to vector<512x256xf32>
      %select_n3A_85 = arith.select %le3A_80, %broadcast_in_dim3A_83, %broadcast_in_dim3A_84 : vector<512x256xi1>, vector<512x256xf32>
      %dot_general3A = arith.constant dense<0.000000e+00> : vector<512x256xf32>
      %dot_general3A_86 = tpu.matmul %select_n3A, %select_n3A_85, %dot_general3A {dimension_numbers = #tpu.dot_dimension_numbers<[1], [0], [0], [1], [0, 0, 1, 1], [], []>, transpose_lhs_hint = false} : vector<512x512xf32>, vector<512x256xf32>, vector<512x256xf32> -> vector<512x256xf32>
      %add3A_87 = vector.broadcast %while3A_47 : vector<1x256xf32> to vector<512x256xf32>
      %add3A_88 = arith.addf %dot_general3A_86, %add3A_87 : vector<512x256xf32>
      %gt3A = arith.constant 0.000000e+00 : f32
      %gt3A_89 = vector.broadcast %gt3A : f32 to vector<512x256xf32>
      %gt3A_90 = arith.cmpf ogt, %select_n3A_85, %gt3A_89 : vector<512x256xf32>
      %le3A_91 = arith.constant 3.200000e+01 : f32
      %le3A_92 = vector.broadcast %le3A_91 : f32 to vector<512x256xf32>
      %le3A_93 = arith.cmpf ole, %add3A_88, %le3A_92 : vector<512x256xf32>
      %and3A = arith.andi %gt3A_90, %le3A_93 : vector<512x256xi1>
      %jit3A_94 = arith.constant 0.000000e+00 : f32
      %broadcast_in_dim3A_95 = vector.broadcast %jit3A_94 : f32 to vector<512x256xf32>
      %select_n3A_96 = arith.select %and3A, %add3A_88, %broadcast_in_dim3A_95 : vector<512x256xi1>, vector<512x256xf32>
      %mul3A_97 = arith.constant 512 : i32
      %mul3A_98 = arith.muli %while3A_46, %mul3A_97 : i32
      %convert_element_type3A_99 = arith.sitofp %mul3A_98 : i32 to f32
      %add3A_100 = vector.broadcast %convert_element_type3A_99 : f32 to vector<512x256xf32>
      %add3A_101 = arith.addf %convert_element_type3A, %add3A_100 : vector<512x256xf32>
      %eq3A = arith.constant 1.000000e+00 : f32
      %eq3A_102 = vector.broadcast %eq3A : f32 to vector<512x256xf32>
      %eq3A_103 = arith.cmpf oeq, %select_n3A_96, %eq3A_102 : vector<512x256xf32>
      %jit3A_104 = arith.constant 0.000000e+00 : f32
      %broadcast_in_dim3A_105 = vector.broadcast %jit3A_104 : f32 to vector<512x256xf32>
      %select_n3A_106 = arith.select %eq3A_103, %add3A_101, %broadcast_in_dim3A_105 : vector<512x256xi1>, vector<512x256xf32>
      %reduce_sum3A = arith.constant dense<0.000000e+00> : vector<256xf32>
      %reduce_sum3A_107 = vector.multi_reduction <add>, %select_n3A_106, %reduce_sum3A [0] : vector<512x256xf32> to vector<256xf32>
      %broadcast_in_dim3A_108 = vector.shape_cast %reduce_sum3A_107 : vector<256xf32> to vector<1x256xf32>
      %get3A_109 = arith.constant 0 : index
      %get3A_110 = arith.constant 0 : index
      %get3A_111 = vector.load %arg9[%get3A_109, %get3A_110] : memref<32x256xf32, #tpu.memory_space<vmem>>, vector<1x256xf32>
      %add3A_112 = arith.addf %get3A_111, %broadcast_in_dim3A_108 : vector<1x256xf32>
      %swap3A_113 = arith.constant 0 : index
      %swap3A_114 = arith.constant 0 : index
      %swap3A_115 = vector.load %arg9[%swap3A_113, %swap3A_114] : memref<32x256xf32, #tpu.memory_space<vmem>>, vector<1x256xf32>
      tpu.vector_store %arg9[%swap3A_113, %swap3A_114], %add3A_112 {strides = array<i32>} : memref<32x256xf32, #tpu.memory_space<vmem>>, vector<1x256xf32>,
      %eq3A_116 = arith.constant 2.000000e+00 : f32
      %eq3A_117 = vector.broadcast %eq3A_116 : f32 to vector<512x256xf32>
      %eq3A_118 = arith.cmpf oeq, %select_n3A_96, %eq3A_117 : vector<512x256xf32>
      %jit3A_119 = arith.constant 0.000000e+00 : f32
      %broadcast_in_dim3A_120 = vector.broadcast %jit3A_119 : f32 to vector<512x256xf32>
      %select_n3A_121 = arith.select %eq3A_118, %add3A_101, %broadcast_in_dim3A_120 : vector<512x256xi1>, vector<512x256xf32>
      %reduce_sum3A_122 = arith.constant dense<0.000000e+00> : vector<256xf32>
      %reduce_sum3A_123 = vector.multi_reduction <add>, %select_n3A_121, %reduce_sum3A_122 [0] : vector<512x256xf32> to vector<256xf32>
      %broadcast_in_dim3A_124 = vector.shape_cast %reduce_sum3A_123 : vector<256xf32> to vector<1x256xf32>
      %get3A_125 = arith.constant 1 : index
      %get3A_126 = arith.constant 0 : index
      %get3A_127 = vector.load %arg9[%get3A_125, %get3A_126] : memref<32x256xf32, #tpu.memory_space<vmem>>, vector<1x256xf32>
      %add3A_128 = arith.addf %get3A_127, %broadcast_in_dim3A_124 : vector<1x256xf32>
      %swap3A_129 = arith.constant 1 : index
      %swap3A_130 = arith.constant 0 : index
      %swap3A_131 = vector.load %arg9[%swap3A_129, %swap3A_130] : memref<32x256xf32, #tpu.memory_space<vmem>>, vector<1x256xf32>
      tpu.vector_store %arg9[%swap3A_129, %swap3A_130], %add3A_128 {strides = array<i32>} : memref<32x256xf32, #tpu.memory_space<vmem>>, vector<1x256xf32>,
      %eq3A_132 = arith.constant 3.000000e+00 : f32
      %eq3A_133 = vector.broadcast %eq3A_132 : f32 to vector<512x256xf32>
      %eq3A_134 = arith.cmpf oeq, %select_n3A_96, %eq3A_133 : vector<512x256xf32>
      %jit3A_135 = arith.constant 0.000000e+00 : f32
      %broadcast_in_dim3A_136 = vector.broadcast %jit3A_135 : f32 to vector<512x256xf32>
      %select_n3A_137 = arith.select %eq3A_134, %add3A_101, %broadcast_in_dim3A_136 : vector<512x256xi1>, vector<512x256xf32>
      %reduce_sum3A_138 = arith.constant dense<0.000000e+00> : vector<256xf32>
      %reduce_sum3A_139 = vector.multi_reduction <add>, %select_n3A_137, %reduce_sum3A_138 [0] : vector<512x256xf32> to vector<256xf32>
      %broadcast_in_dim3A_140 = vector.shape_cast %reduce_sum3A_139 : vector<256xf32> to vector<1x256xf32>
      %get3A_141 = arith.constant 2 : index
      %get3A_142 = arith.constant 0 : index
      %get3A_143 = vector.load %arg9[%get3A_141, %get3A_142] : memref<32x256xf32, #tpu.memory_space<vmem>>, vector<1x256xf32>
      %add3A_144 = arith.addf %get3A_143, %broadcast_in_dim3A_140 : vector<1x256xf32>
      %swap3A_145 = arith.constant 2 : index
      %swap3A_146 = arith.constant 0 : index
      %swap3A_147 = vector.load %arg9[%swap3A_145, %swap3A_146] : memref<32x256xf32, #tpu.memory_space<vmem>>, vector<1x256xf32>
      tpu.vector_store %arg9[%swap3A_145, %swap3A_146], %add3A_144 {strides = array<i32>} : memref<32x256xf32, #tpu.memory_space<vmem>>, vector<1x256xf32>,
      %eq3A_148 = arith.constant 4.000000e+00 : f32
      %eq3A_149 = vector.broadcast %eq3A_148 : f32 to vector<512x256xf32>
      %eq3A_150 = arith.cmpf oeq, %select_n3A_96, %eq3A_149 : vector<512x256xf32>
      %jit3A_151 = arith.constant 0.000000e+00 : f32
      %broadcast_in_dim3A_152 = vector.broadcast %jit3A_151 : f32 to vector<512x256xf32>
      %select_n3A_153 = arith.select %eq3A_150, %add3A_101, %broadcast_in_dim3A_152 : vector<512x256xi1>, vector<512x256xf32>
      %reduce_sum3A_154 = arith.constant dense<0.000000e+00> : vector<256xf32>
      %reduce_sum3A_155 = vector.multi_reduction <add>, %select_n3A_153, %reduce_sum3A_154 [0] : vector<512x256xf32> to vector<256xf32>
      %broadcast_in_dim3A_156 = vector.shape_cast %reduce_sum3A_155 : vector<256xf32> to vector<1x256xf32>
      %get3A_157 = arith.constant 3 : index
      %get3A_158 = arith.constant 0 : index
      %get3A_159 = vector.load %arg9[%get3A_157, %get3A_158] : memref<32x256xf32, #tpu.memory_space<vmem>>, vector<1x256xf32>
      %add3A_160 = arith.addf %get3A_159, %broadcast_in_dim3A_156 : vector<1x256xf32>
      %swap3A_161 = arith.constant 3 : index
      %swap3A_162 = arith.constant 0 : index
      %swap3A_163 = vector.load %arg9[%swap3A_161, %swap3A_162] : memref<32x256xf32, #tpu.memory_space<vmem>>, vector<1x256xf32>
      tpu.vector_store %arg9[%swap3A_161, %swap3A_162], %add3A_160 {strides = array<i32>} : memref<32x256xf32, #tpu.memory_space<vmem>>, vector<1x256xf32>,
      %eq3A_164 = arith.constant 5.000000e+00 : f32
      %eq3A_165 = vector.broadcast %eq3A_164 : f32 to vector<512x256xf32>
      %eq3A_166 = arith.cmpf oeq, %select_n3A_96, %eq3A_165 : vector<512x256xf32>
      %jit3A_167 = arith.constant 0.000000e+00 : f32
      %broadcast_in_dim3A_168 = vector.broadcast %jit3A_167 : f32 to vector<512x256xf32>
      %select_n3A_169 = arith.select %eq3A_166, %add3A_101, %broadcast_in_dim3A_168 : vector<512x256xi1>, vector<512x256xf32>
      %reduce_sum3A_170 = arith.constant dense<0.000000e+00> : vector<256xf32>
      %reduce_sum3A_171 = vector.multi_reduction <add>, %select_n3A_169, %reduce_sum3A_170 [0] : vector<512x256xf32> to vector<256xf32>
      %broadcast_in_dim3A_172 = vector.shape_cast %reduce_sum3A_171 : vector<256xf32> to vector<1x256xf32>
      %get3A_173 = arith.constant 4 : index
      %get3A_174 = arith.constant 0 : index
      %get3A_175 = vector.load %arg9[%get3A_173, %get3A_174] : memref<32x256xf32, #tpu.memory_space<vmem>>, vector<1x256xf32>
      %add3A_176 = arith.addf %get3A_175, %broadcast_in_dim3A_172 : vector<1x256xf32>
      %swap3A_177 = arith.constant 4 : index
      %swap3A_178 = arith.constant 0 : index
      %swap3A_179 = vector.load %arg9[%swap3A_177, %swap3A_178] : memref<32x256xf32, #tpu.memory_space<vmem>>, vector<1x256xf32>
      tpu.vector_store %arg9[%swap3A_177, %swap3A_178], %add3A_176 {strides = array<i32>} : memref<32x256xf32, #tpu.memory_space<vmem>>, vector<1x256xf32>,
      %eq3A_180 = arith.constant 6.000000e+00 : f32
      %eq3A_181 = vector.broadcast %eq3A_180 : f32 to vector<512x256xf32>
      %eq3A_182 = arith.cmpf oeq, %select_n3A_96, %eq3A_181 : vector<512x256xf32>
      %jit3A_183 = arith.constant 0.000000e+00 : f32
      %broadcast_in_dim3A_184 = vector.broadcast %jit3A_183 : f32 to vector<512x256xf32>
      %select_n3A_185 = arith.select %eq3A_182, %add3A_101, %broadcast_in_dim3A_184 : vector<512x256xi1>, vector<512x256xf32>
      %reduce_sum3A_186 = arith.constant dense<0.000000e+00> : vector<256xf32>
      %reduce_sum3A_187 = vector.multi_reduction <add>, %select_n3A_185, %reduce_sum3A_186 [0] : vector<512x256xf32> to vector<256xf32>
      %broadcast_in_dim3A_188 = vector.shape_cast %reduce_sum3A_187 : vector<256xf32> to vector<1x256xf32>
      %get3A_189 = arith.constant 5 : index
      %get3A_190 = arith.constant 0 : index
      %get3A_191 = vector.load %arg9[%get3A_189, %get3A_190] : memref<32x256xf32, #tpu.memory_space<vmem>>, vector<1x256xf32>
      %add3A_192 = arith.addf %get3A_191, %broadcast_in_dim3A_188 : vector<1x256xf32>
      %swap3A_193 = arith.constant 5 : index
      %swap3A_194 = arith.constant 0 : index
      %swap3A_195 = vector.load %arg9[%swap3A_193, %swap3A_194] : memref<32x256xf32, #tpu.memory_space<vmem>>, vector<1x256xf32>
      tpu.vector_store %arg9[%swap3A_193, %swap3A_194], %add3A_192 {strides = array<i32>} : memref<32x256xf32, #tpu.memory_space<vmem>>, vector<1x256xf32>,
      %eq3A_196 = arith.constant 7.000000e+00 : f32
      %eq3A_197 = vector.broadcast %eq3A_196 : f32 to vector<512x256xf32>
      %eq3A_198 = arith.cmpf oeq, %select_n3A_96, %eq3A_197 : vector<512x256xf32>
      %jit3A_199 = arith.constant 0.000000e+00 : f32
      %broadcast_in_dim3A_200 = vector.broadcast %jit3A_199 : f32 to vector<512x256xf32>
      %select_n3A_201 = arith.select %eq3A_198, %add3A_101, %broadcast_in_dim3A_200 : vector<512x256xi1>, vector<512x256xf32>
      %reduce_sum3A_202 = arith.constant dense<0.000000e+00> : vector<256xf32>
      %reduce_sum3A_203 = vector.multi_reduction <add>, %select_n3A_201, %reduce_sum3A_202 [0] : vector<512x256xf32> to vector<256xf32>
      %broadcast_in_dim3A_204 = vector.shape_cast %reduce_sum3A_203 : vector<256xf32> to vector<1x256xf32>
      %get3A_205 = arith.constant 6 : index
      %get3A_206 = arith.constant 0 : index
      %get3A_207 = vector.load %arg9[%get3A_205, %get3A_206] : memref<32x256xf32, #tpu.memory_space<vmem>>, vector<1x256xf32>
      %add3A_208 = arith.addf %get3A_207, %broadcast_in_dim3A_204 : vector<1x256xf32>
      %swap3A_209 = arith.constant 6 : index
      %swap3A_210 = arith.constant 0 : index
      %swap3A_211 = vector.load %arg9[%swap3A_209, %swap3A_210] : memref<32x256xf32, #tpu.memory_space<vmem>>, vector<1x256xf32>
      tpu.vector_store %arg9[%swap3A_209, %swap3A_210], %add3A_208 {strides = array<i32>} : memref<32x256xf32, #tpu.memory_space<vmem>>, vector<1x256xf32>,
      %eq3A_212 = arith.constant 8.000000e+00 : f32
      %eq3A_213 = vector.broadcast %eq3A_212 : f32 to vector<512x256xf32>
      %eq3A_214 = arith.cmpf oeq, %select_n3A_96, %eq3A_213 : vector<512x256xf32>
      %jit3A_215 = arith.constant 0.000000e+00 : f32
      %broadcast_in_dim3A_216 = vector.broadcast %jit3A_215 : f32 to vector<512x256xf32>
      %select_n3A_217 = arith.select %eq3A_214, %add3A_101, %broadcast_in_dim3A_216 : vector<512x256xi1>, vector<512x256xf32>
      %reduce_sum3A_218 = arith.constant dense<0.000000e+00> : vector<256xf32>
      %reduce_sum3A_219 = vector.multi_reduction <add>, %select_n3A_217, %reduce_sum3A_218 [0] : vector<512x256xf32> to vector<256xf32>
      %broadcast_in_dim3A_220 = vector.shape_cast %reduce_sum3A_219 : vector<256xf32> to vector<1x256xf32>
      %get3A_221 = arith.constant 7 : index
      %get3A_222 = arith.constant 0 : index
      %get3A_223 = vector.load %arg9[%get3A_221, %get3A_222] : memref<32x256xf32, #tpu.memory_space<vmem>>, vector<1x256xf32>
      %add3A_224 = arith.addf %get3A_223, %broadcast_in_dim3A_220 : vector<1x256xf32>
      %swap3A_225 = arith.constant 7 : index
      %swap3A_226 = arith.constant 0 : index
      %swap3A_227 = vector.load %arg9[%swap3A_225, %swap3A_226] : memref<32x256xf32, #tpu.memory_space<vmem>>, vector<1x256xf32>
      tpu.vector_store %arg9[%swap3A_225, %swap3A_226], %add3A_224 {strides = array<i32>} : memref<32x256xf32, #tpu.memory_space<vmem>>, vector<1x256xf32>,
      %eq3A_228 = arith.constant 9.000000e+00 : f32
      %eq3A_229 = vector.broadcast %eq3A_228 : f32 to vector<512x256xf32>
      %eq3A_230 = arith.cmpf oeq, %select_n3A_96, %eq3A_229 : vector<512x256xf32>
      %jit3A_231 = arith.constant 0.000000e+00 : f32
      %broadcast_in_dim3A_232 = vector.broadcast %jit3A_231 : f32 to vector<512x256xf32>
      %select_n3A_233 = arith.select %eq3A_230, %add3A_101, %broadcast_in_dim3A_232 : vector<512x256xi1>, vector<512x256xf32>
      %reduce_sum3A_234 = arith.constant dense<0.000000e+00> : vector<256xf32>
      %reduce_sum3A_235 = vector.multi_reduction <add>, %select_n3A_233, %reduce_sum3A_234 [0] : vector<512x256xf32> to vector<256xf32>
      %broadcast_in_dim3A_236 = vector.shape_cast %reduce_sum3A_235 : vector<256xf32> to vector<1x256xf32>
      %get3A_237 = arith.constant 8 : index
      %get3A_238 = arith.constant 0 : index
      %get3A_239 = vector.load %arg9[%get3A_237, %get3A_238] : memref<32x256xf32, #tpu.memory_space<vmem>>, vector<1x256xf32>
      %add3A_240 = arith.addf %get3A_239, %broadcast_in_dim3A_236 : vector<1x256xf32>
      %swap3A_241 = arith.constant 8 : index
      %swap3A_242 = arith.constant 0 : index
      %swap3A_243 = vector.load %arg9[%swap3A_241, %swap3A_242] : memref<32x256xf32, #tpu.memory_space<vmem>>, vector<1x256xf32>
      tpu.vector_store %arg9[%swap3A_241, %swap3A_242], %add3A_240 {strides = array<i32>} : memref<32x256xf32, #tpu.memory_space<vmem>>, vector<1x256xf32>,
      %eq3A_244 = arith.constant 1.000000e+01 : f32
      %eq3A_245 = vector.broadcast %eq3A_244 : f32 to vector<512x256xf32>
      %eq3A_246 = arith.cmpf oeq, %select_n3A_96, %eq3A_245 : vector<512x256xf32>
      %jit3A_247 = arith.constant 0.000000e+00 : f32
      %broadcast_in_dim3A_248 = vector.broadcast %jit3A_247 : f32 to vector<512x256xf32>
      %select_n3A_249 = arith.select %eq3A_246, %add3A_101, %broadcast_in_dim3A_248 : vector<512x256xi1>, vector<512x256xf32>
      %reduce_sum3A_250 = arith.constant dense<0.000000e+00> : vector<256xf32>
      %reduce_sum3A_251 = vector.multi_reduction <add>, %select_n3A_249, %reduce_sum3A_250 [0] : vector<512x256xf32> to vector<256xf32>
      %broadcast_in_dim3A_252 = vector.shape_cast %reduce_sum3A_251 : vector<256xf32> to vector<1x256xf32>
      %get3A_253 = arith.constant 9 : index
      %get3A_254 = arith.constant 0 : index
      %get3A_255 = vector.load %arg9[%get3A_253, %get3A_254] : memref<32x256xf32, #tpu.memory_space<vmem>>, vector<1x256xf32>
      %add3A_256 = arith.addf %get3A_255, %broadcast_in_dim3A_252 : vector<1x256xf32>
      %swap3A_257 = arith.constant 9 : index
      %swap3A_258 = arith.constant 0 : index
      %swap3A_259 = vector.load %arg9[%swap3A_257, %swap3A_258] : memref<32x256xf32, #tpu.memory_space<vmem>>, vector<1x256xf32>
      tpu.vector_store %arg9[%swap3A_257, %swap3A_258], %add3A_256 {strides = array<i32>} : memref<32x256xf32, #tpu.memory_space<vmem>>, vector<1x256xf32>,
      %eq3A_260 = arith.constant 1.100000e+01 : f32
      %eq3A_261 = vector.broadcast %eq3A_260 : f32 to vector<512x256xf32>
      %eq3A_262 = arith.cmpf oeq, %select_n3A_96, %eq3A_261 : vector<512x256xf32>
      %jit3A_263 = arith.constant 0.000000e+00 : f32
      %broadcast_in_dim3A_264 = vector.broadcast %jit3A_263 : f32 to vector<512x256xf32>
      %select_n3A_265 = arith.select %eq3A_262, %add3A_101, %broadcast_in_dim3A_264 : vector<512x256xi1>, vector<512x256xf32>
      %reduce_sum3A_266 = arith.constant dense<0.000000e+00> : vector<256xf32>
      %reduce_sum3A_267 = vector.multi_reduction <add>, %select_n3A_265, %reduce_sum3A_266 [0] : vector<512x256xf32> to vector<256xf32>
      %broadcast_in_dim3A_268 = vector.shape_cast %reduce_sum3A_267 : vector<256xf32> to vector<1x256xf32>
      %get3A_269 = arith.constant 10 : index
      %get3A_270 = arith.constant 0 : index
      %get3A_271 = vector.load %arg9[%get3A_269, %get3A_270] : memref<32x256xf32, #tpu.memory_space<vmem>>, vector<1x256xf32>
      %add3A_272 = arith.addf %get3A_271, %broadcast_in_dim3A_268 : vector<1x256xf32>
      %swap3A_273 = arith.constant 10 : index
      %swap3A_274 = arith.constant 0 : index
      %swap3A_275 = vector.load %arg9[%swap3A_273, %swap3A_274] : memref<32x256xf32, #tpu.memory_space<vmem>>, vector<1x256xf32>
      tpu.vector_store %arg9[%swap3A_273, %swap3A_274], %add3A_272 {strides = array<i32>} : memref<32x256xf32, #tpu.memory_space<vmem>>, vector<1x256xf32>,
      %eq3A_276 = arith.constant 1.200000e+01 : f32
      %eq3A_277 = vector.broadcast %eq3A_276 : f32 to vector<512x256xf32>
      %eq3A_278 = arith.cmpf oeq, %select_n3A_96, %eq3A_277 : vector<512x256xf32>
      %jit3A_279 = arith.constant 0.000000e+00 : f32
      %broadcast_in_dim3A_280 = vector.broadcast %jit3A_279 : f32 to vector<512x256xf32>
      %select_n3A_281 = arith.select %eq3A_278, %add3A_101, %broadcast_in_dim3A_280 : vector<512x256xi1>, vector<512x256xf32>
      %reduce_sum3A_282 = arith.constant dense<0.000000e+00> : vector<256xf32>
      %reduce_sum3A_283 = vector.multi_reduction <add>, %select_n3A_281, %reduce_sum3A_282 [0] : vector<512x256xf32> to vector<256xf32>
      %broadcast_in_dim3A_284 = vector.shape_cast %reduce_sum3A_283 : vector<256xf32> to vector<1x256xf32>
      %get3A_285 = arith.constant 11 : index
      %get3A_286 = arith.constant 0 : index
      %get3A_287 = vector.load %arg9[%get3A_285, %get3A_286] : memref<32x256xf32, #tpu.memory_space<vmem>>, vector<1x256xf32>
      %add3A_288 = arith.addf %get3A_287, %broadcast_in_dim3A_284 : vector<1x256xf32>
      %swap3A_289 = arith.constant 11 : index
      %swap3A_290 = arith.constant 0 : index
      %swap3A_291 = vector.load %arg9[%swap3A_289, %swap3A_290] : memref<32x256xf32, #tpu.memory_space<vmem>>, vector<1x256xf32>
      tpu.vector_store %arg9[%swap3A_289, %swap3A_290], %add3A_288 {strides = array<i32>} : memref<32x256xf32, #tpu.memory_space<vmem>>, vector<1x256xf32>,
      %eq3A_292 = arith.constant 1.300000e+01 : f32
      %eq3A_293 = vector.broadcast %eq3A_292 : f32 to vector<512x256xf32>
      %eq3A_294 = arith.cmpf oeq, %select_n3A_96, %eq3A_293 : vector<512x256xf32>
      %jit3A_295 = arith.constant 0.000000e+00 : f32
      %broadcast_in_dim3A_296 = vector.broadcast %jit3A_295 : f32 to vector<512x256xf32>
      %select_n3A_297 = arith.select %eq3A_294, %add3A_101, %broadcast_in_dim3A_296 : vector<512x256xi1>, vector<512x256xf32>
      %reduce_sum3A_298 = arith.constant dense<0.000000e+00> : vector<256xf32>
      %reduce_sum3A_299 = vector.multi_reduction <add>, %select_n3A_297, %reduce_sum3A_298 [0] : vector<512x256xf32> to vector<256xf32>
      %broadcast_in_dim3A_300 = vector.shape_cast %reduce_sum3A_299 : vector<256xf32> to vector<1x256xf32>
      %get3A_301 = arith.constant 12 : index
      %get3A_302 = arith.constant 0 : index
      %get3A_303 = vector.load %arg9[%get3A_301, %get3A_302] : memref<32x256xf32, #tpu.memory_space<vmem>>, vector<1x256xf32>
      %add3A_304 = arith.addf %get3A_303, %broadcast_in_dim3A_300 : vector<1x256xf32>
      %swap3A_305 = arith.constant 12 : index
      %swap3A_306 = arith.constant 0 : index
      %swap3A_307 = vector.load %arg9[%swap3A_305, %swap3A_306] : memref<32x256xf32, #tpu.memory_space<vmem>>, vector<1x256xf32>
      tpu.vector_store %arg9[%swap3A_305, %swap3A_306], %add3A_304 {strides = array<i32>} : memref<32x256xf32, #tpu.memory_space<vmem>>, vector<1x256xf32>,
      %eq3A_308 = arith.constant 1.400000e+01 : f32
      %eq3A_309 = vector.broadcast %eq3A_308 : f32 to vector<512x256xf32>
      %eq3A_310 = arith.cmpf oeq, %select_n3A_96, %eq3A_309 : vector<512x256xf32>
      %jit3A_311 = arith.constant 0.000000e+00 : f32
      %broadcast_in_dim3A_312 = vector.broadcast %jit3A_311 : f32 to vector<512x256xf32>
      %select_n3A_313 = arith.select %eq3A_310, %add3A_101, %broadcast_in_dim3A_312 : vector<512x256xi1>, vector<512x256xf32>
      %reduce_sum3A_314 = arith.constant dense<0.000000e+00> : vector<256xf32>
      %reduce_sum3A_315 = vector.multi_reduction <add>, %select_n3A_313, %reduce_sum3A_314 [0] : vector<512x256xf32> to vector<256xf32>
      %broadcast_in_dim3A_316 = vector.shape_cast %reduce_sum3A_315 : vector<256xf32> to vector<1x256xf32>
      %get3A_317 = arith.constant 13 : index
      %get3A_318 = arith.constant 0 : index
      %get3A_319 = vector.load %arg9[%get3A_317, %get3A_318] : memref<32x256xf32, #tpu.memory_space<vmem>>, vector<1x256xf32>
      %add3A_320 = arith.addf %get3A_319, %broadcast_in_dim3A_316 : vector<1x256xf32>
      %swap3A_321 = arith.constant 13 : index
      %swap3A_322 = arith.constant 0 : index
      %swap3A_323 = vector.load %arg9[%swap3A_321, %swap3A_322] : memref<32x256xf32, #tpu.memory_space<vmem>>, vector<1x256xf32>
      tpu.vector_store %arg9[%swap3A_321, %swap3A_322], %add3A_320 {strides = array<i32>} : memref<32x256xf32, #tpu.memory_space<vmem>>, vector<1x256xf32>,
      %eq3A_324 = arith.constant 1.500000e+01 : f32
      %eq3A_325 = vector.broadcast %eq3A_324 : f32 to vector<512x256xf32>
      %eq3A_326 = arith.cmpf oeq, %select_n3A_96, %eq3A_325 : vector<512x256xf32>
      %jit3A_327 = arith.constant 0.000000e+00 : f32
      %broadcast_in_dim3A_328 = vector.broadcast %jit3A_327 : f32 to vector<512x256xf32>
      %select_n3A_329 = arith.select %eq3A_326, %add3A_101, %broadcast_in_dim3A_328 : vector<512x256xi1>, vector<512x256xf32>
      %reduce_sum3A_330 = arith.constant dense<0.000000e+00> : vector<256xf32>
      %reduce_sum3A_331 = vector.multi_reduction <add>, %select_n3A_329, %reduce_sum3A_330 [0] : vector<512x256xf32> to vector<256xf32>
      %broadcast_in_dim3A_332 = vector.shape_cast %reduce_sum3A_331 : vector<256xf32> to vector<1x256xf32>
      %get3A_333 = arith.constant 14 : index
      %get3A_334 = arith.constant 0 : index
      %get3A_335 = vector.load %arg9[%get3A_333, %get3A_334] : memref<32x256xf32, #tpu.memory_space<vmem>>, vector<1x256xf32>
      %add3A_336 = arith.addf %get3A_335, %broadcast_in_dim3A_332 : vector<1x256xf32>
      %swap3A_337 = arith.constant 14 : index
      %swap3A_338 = arith.constant 0 : index
      %swap3A_339 = vector.load %arg9[%swap3A_337, %swap3A_338] : memref<32x256xf32, #tpu.memory_space<vmem>>, vector<1x256xf32>
      tpu.vector_store %arg9[%swap3A_337, %swap3A_338], %add3A_336 {strides = array<i32>} : memref<32x256xf32, #tpu.memory_space<vmem>>, vector<1x256xf32>,
      %eq3A_340 = arith.constant 1.600000e+01 : f32
      %eq3A_341 = vector.broadcast %eq3A_340 : f32 to vector<512x256xf32>
      %eq3A_342 = arith.cmpf oeq, %select_n3A_96, %eq3A_341 : vector<512x256xf32>
      %jit3A_343 = arith.constant 0.000000e+00 : f32
      %broadcast_in_dim3A_344 = vector.broadcast %jit3A_343 : f32 to vector<512x256xf32>
      %select_n3A_345 = arith.select %eq3A_342, %add3A_101, %broadcast_in_dim3A_344 : vector<512x256xi1>, vector<512x256xf32>
      %reduce_sum3A_346 = arith.constant dense<0.000000e+00> : vector<256xf32>
      %reduce_sum3A_347 = vector.multi_reduction <add>, %select_n3A_345, %reduce_sum3A_346 [0] : vector<512x256xf32> to vector<256xf32>
      %broadcast_in_dim3A_348 = vector.shape_cast %reduce_sum3A_347 : vector<256xf32> to vector<1x256xf32>
      %get3A_349 = arith.constant 15 : index
      %get3A_350 = arith.constant 0 : index
      %get3A_351 = vector.load %arg9[%get3A_349, %get3A_350] : memref<32x256xf32, #tpu.memory_space<vmem>>, vector<1x256xf32>
      %add3A_352 = arith.addf %get3A_351, %broadcast_in_dim3A_348 : vector<1x256xf32>
      %swap3A_353 = arith.constant 15 : index
      %swap3A_354 = arith.constant 0 : index
      %swap3A_355 = vector.load %arg9[%swap3A_353, %swap3A_354] : memref<32x256xf32, #tpu.memory_space<vmem>>, vector<1x256xf32>
      tpu.vector_store %arg9[%swap3A_353, %swap3A_354], %add3A_352 {strides = array<i32>} : memref<32x256xf32, #tpu.memory_space<vmem>>, vector<1x256xf32>,
      %eq3A_356 = arith.constant 1.700000e+01 : f32
      %eq3A_357 = vector.broadcast %eq3A_356 : f32 to vector<512x256xf32>
      %eq3A_358 = arith.cmpf oeq, %select_n3A_96, %eq3A_357 : vector<512x256xf32>
      %jit3A_359 = arith.constant 0.000000e+00 : f32
      %broadcast_in_dim3A_360 = vector.broadcast %jit3A_359 : f32 to vector<512x256xf32>
      %select_n3A_361 = arith.select %eq3A_358, %add3A_101, %broadcast_in_dim3A_360 : vector<512x256xi1>, vector<512x256xf32>
      %reduce_sum3A_362 = arith.constant dense<0.000000e+00> : vector<256xf32>
      %reduce_sum3A_363 = vector.multi_reduction <add>, %select_n3A_361, %reduce_sum3A_362 [0] : vector<512x256xf32> to vector<256xf32>
      %broadcast_in_dim3A_364 = vector.shape_cast %reduce_sum3A_363 : vector<256xf32> to vector<1x256xf32>
      %get3A_365 = arith.constant 16 : index
      %get3A_366 = arith.constant 0 : index
      %get3A_367 = vector.load %arg9[%get3A_365, %get3A_366] : memref<32x256xf32, #tpu.memory_space<vmem>>, vector<1x256xf32>
      %add3A_368 = arith.addf %get3A_367, %broadcast_in_dim3A_364 : vector<1x256xf32>
      %swap3A_369 = arith.constant 16 : index
      %swap3A_370 = arith.constant 0 : index
      %swap3A_371 = vector.load %arg9[%swap3A_369, %swap3A_370] : memref<32x256xf32, #tpu.memory_space<vmem>>, vector<1x256xf32>
      tpu.vector_store %arg9[%swap3A_369, %swap3A_370], %add3A_368 {strides = array<i32>} : memref<32x256xf32, #tpu.memory_space<vmem>>, vector<1x256xf32>,
      %eq3A_372 = arith.constant 1.800000e+01 : f32
      %eq3A_373 = vector.broadcast %eq3A_372 : f32 to vector<512x256xf32>
      %eq3A_374 = arith.cmpf oeq, %select_n3A_96, %eq3A_373 : vector<512x256xf32>
      %jit3A_375 = arith.constant 0.000000e+00 : f32
      %broadcast_in_dim3A_376 = vector.broadcast %jit3A_375 : f32 to vector<512x256xf32>
      %select_n3A_377 = arith.select %eq3A_374, %add3A_101, %broadcast_in_dim3A_376 : vector<512x256xi1>, vector<512x256xf32>
      %reduce_sum3A_378 = arith.constant dense<0.000000e+00> : vector<256xf32>
      %reduce_sum3A_379 = vector.multi_reduction <add>, %select_n3A_377, %reduce_sum3A_378 [0] : vector<512x256xf32> to vector<256xf32>
      %broadcast_in_dim3A_380 = vector.shape_cast %reduce_sum3A_379 : vector<256xf32> to vector<1x256xf32>
      %get3A_381 = arith.constant 17 : index
      %get3A_382 = arith.constant 0 : index
      %get3A_383 = vector.load %arg9[%get3A_381, %get3A_382] : memref<32x256xf32, #tpu.memory_space<vmem>>, vector<1x256xf32>
      %add3A_384 = arith.addf %get3A_383, %broadcast_in_dim3A_380 : vector<1x256xf32>
      %swap3A_385 = arith.constant 17 : index
      %swap3A_386 = arith.constant 0 : index
      %swap3A_387 = vector.load %arg9[%swap3A_385, %swap3A_386] : memref<32x256xf32, #tpu.memory_space<vmem>>, vector<1x256xf32>
      tpu.vector_store %arg9[%swap3A_385, %swap3A_386], %add3A_384 {strides = array<i32>} : memref<32x256xf32, #tpu.memory_space<vmem>>, vector<1x256xf32>,
      %eq3A_388 = arith.constant 1.900000e+01 : f32
      %eq3A_389 = vector.broadcast %eq3A_388 : f32 to vector<512x256xf32>
      %eq3A_390 = arith.cmpf oeq, %select_n3A_96, %eq3A_389 : vector<512x256xf32>
      %jit3A_391 = arith.constant 0.000000e+00 : f32
      %broadcast_in_dim3A_392 = vector.broadcast %jit3A_391 : f32 to vector<512x256xf32>
      %select_n3A_393 = arith.select %eq3A_390, %add3A_101, %broadcast_in_dim3A_392 : vector<512x256xi1>, vector<512x256xf32>
      %reduce_sum3A_394 = arith.constant dense<0.000000e+00> : vector<256xf32>
      %reduce_sum3A_395 = vector.multi_reduction <add>, %select_n3A_393, %reduce_sum3A_394 [0] : vector<512x256xf32> to vector<256xf32>
      %broadcast_in_dim3A_396 = vector.shape_cast %reduce_sum3A_395 : vector<256xf32> to vector<1x256xf32>
      %get3A_397 = arith.constant 18 : index
      %get3A_398 = arith.constant 0 : index
      %get3A_399 = vector.load %arg9[%get3A_397, %get3A_398] : memref<32x256xf32, #tpu.memory_space<vmem>>, vector<1x256xf32>
      %add3A_400 = arith.addf %get3A_399, %broadcast_in_dim3A_396 : vector<1x256xf32>
      %swap3A_401 = arith.constant 18 : index
      %swap3A_402 = arith.constant 0 : index
      %swap3A_403 = vector.load %arg9[%swap3A_401, %swap3A_402] : memref<32x256xf32, #tpu.memory_space<vmem>>, vector<1x256xf32>
      tpu.vector_store %arg9[%swap3A_401, %swap3A_402], %add3A_400 {strides = array<i32>} : memref<32x256xf32, #tpu.memory_space<vmem>>, vector<1x256xf32>,
      %eq3A_404 = arith.constant 2.000000e+01 : f32
      %eq3A_405 = vector.broadcast %eq3A_404 : f32 to vector<512x256xf32>
      %eq3A_406 = arith.cmpf oeq, %select_n3A_96, %eq3A_405 : vector<512x256xf32>
      %jit3A_407 = arith.constant 0.000000e+00 : f32
      %broadcast_in_dim3A_408 = vector.broadcast %jit3A_407 : f32 to vector<512x256xf32>
      %select_n3A_409 = arith.select %eq3A_406, %add3A_101, %broadcast_in_dim3A_408 : vector<512x256xi1>, vector<512x256xf32>
      %reduce_sum3A_410 = arith.constant dense<0.000000e+00> : vector<256xf32>
      %reduce_sum3A_411 = vector.multi_reduction <add>, %select_n3A_409, %reduce_sum3A_410 [0] : vector<512x256xf32> to vector<256xf32>
      %broadcast_in_dim3A_412 = vector.shape_cast %reduce_sum3A_411 : vector<256xf32> to vector<1x256xf32>
      %get3A_413 = arith.constant 19 : index
      %get3A_414 = arith.constant 0 : index
      %get3A_415 = vector.load %arg9[%get3A_413, %get3A_414] : memref<32x256xf32, #tpu.memory_space<vmem>>, vector<1x256xf32>
      %add3A_416 = arith.addf %get3A_415, %broadcast_in_dim3A_412 : vector<1x256xf32>
      %swap3A_417 = arith.constant 19 : index
      %swap3A_418 = arith.constant 0 : index
      %swap3A_419 = vector.load %arg9[%swap3A_417, %swap3A_418] : memref<32x256xf32, #tpu.memory_space<vmem>>, vector<1x256xf32>
      tpu.vector_store %arg9[%swap3A_417, %swap3A_418], %add3A_416 {strides = array<i32>} : memref<32x256xf32, #tpu.memory_space<vmem>>, vector<1x256xf32>,
      %eq3A_420 = arith.constant 2.100000e+01 : f32
      %eq3A_421 = vector.broadcast %eq3A_420 : f32 to vector<512x256xf32>
      %eq3A_422 = arith.cmpf oeq, %select_n3A_96, %eq3A_421 : vector<512x256xf32>
      %jit3A_423 = arith.constant 0.000000e+00 : f32
      %broadcast_in_dim3A_424 = vector.broadcast %jit3A_423 : f32 to vector<512x256xf32>
      %select_n3A_425 = arith.select %eq3A_422, %add3A_101, %broadcast_in_dim3A_424 : vector<512x256xi1>, vector<512x256xf32>
      %reduce_sum3A_426 = arith.constant dense<0.000000e+00> : vector<256xf32>
      %reduce_sum3A_427 = vector.multi_reduction <add>, %select_n3A_425, %reduce_sum3A_426 [0] : vector<512x256xf32> to vector<256xf32>
      %broadcast_in_dim3A_428 = vector.shape_cast %reduce_sum3A_427 : vector<256xf32> to vector<1x256xf32>
      %get3A_429 = arith.constant 20 : index
      %get3A_430 = arith.constant 0 : index
      %get3A_431 = vector.load %arg9[%get3A_429, %get3A_430] : memref<32x256xf32, #tpu.memory_space<vmem>>, vector<1x256xf32>
      %add3A_432 = arith.addf %get3A_431, %broadcast_in_dim3A_428 : vector<1x256xf32>
      %swap3A_433 = arith.constant 20 : index
      %swap3A_434 = arith.constant 0 : index
      %swap3A_435 = vector.load %arg9[%swap3A_433, %swap3A_434] : memref<32x256xf32, #tpu.memory_space<vmem>>, vector<1x256xf32>
      tpu.vector_store %arg9[%swap3A_433, %swap3A_434], %add3A_432 {strides = array<i32>} : memref<32x256xf32, #tpu.memory_space<vmem>>, vector<1x256xf32>,
      %eq3A_436 = arith.constant 2.200000e+01 : f32
      %eq3A_437 = vector.broadcast %eq3A_436 : f32 to vector<512x256xf32>
      %eq3A_438 = arith.cmpf oeq, %select_n3A_96, %eq3A_437 : vector<512x256xf32>
      %jit3A_439 = arith.constant 0.000000e+00 : f32
      %broadcast_in_dim3A_440 = vector.broadcast %jit3A_439 : f32 to vector<512x256xf32>
      %select_n3A_441 = arith.select %eq3A_438, %add3A_101, %broadcast_in_dim3A_440 : vector<512x256xi1>, vector<512x256xf32>
      %reduce_sum3A_442 = arith.constant dense<0.000000e+00> : vector<256xf32>
      %reduce_sum3A_443 = vector.multi_reduction <add>, %select_n3A_441, %reduce_sum3A_442 [0] : vector<512x256xf32> to vector<256xf32>
      %broadcast_in_dim3A_444 = vector.shape_cast %reduce_sum3A_443 : vector<256xf32> to vector<1x256xf32>
      %get3A_445 = arith.constant 21 : index
      %get3A_446 = arith.constant 0 : index
      %get3A_447 = vector.load %arg9[%get3A_445, %get3A_446] : memref<32x256xf32, #tpu.memory_space<vmem>>, vector<1x256xf32>
      %add3A_448 = arith.addf %get3A_447, %broadcast_in_dim3A_444 : vector<1x256xf32>
      %swap3A_449 = arith.constant 21 : index
      %swap3A_450 = arith.constant 0 : index
      %swap3A_451 = vector.load %arg9[%swap3A_449, %swap3A_450] : memref<32x256xf32, #tpu.memory_space<vmem>>, vector<1x256xf32>
      tpu.vector_store %arg9[%swap3A_449, %swap3A_450], %add3A_448 {strides = array<i32>} : memref<32x256xf32, #tpu.memory_space<vmem>>, vector<1x256xf32>,
      %eq3A_452 = arith.constant 2.300000e+01 : f32
      %eq3A_453 = vector.broadcast %eq3A_452 : f32 to vector<512x256xf32>
      %eq3A_454 = arith.cmpf oeq, %select_n3A_96, %eq3A_453 : vector<512x256xf32>
      %jit3A_455 = arith.constant 0.000000e+00 : f32
      %broadcast_in_dim3A_456 = vector.broadcast %jit3A_455 : f32 to vector<512x256xf32>
      %select_n3A_457 = arith.select %eq3A_454, %add3A_101, %broadcast_in_dim3A_456 : vector<512x256xi1>, vector<512x256xf32>
      %reduce_sum3A_458 = arith.constant dense<0.000000e+00> : vector<256xf32>
      %reduce_sum3A_459 = vector.multi_reduction <add>, %select_n3A_457, %reduce_sum3A_458 [0] : vector<512x256xf32> to vector<256xf32>
      %broadcast_in_dim3A_460 = vector.shape_cast %reduce_sum3A_459 : vector<256xf32> to vector<1x256xf32>
      %get3A_461 = arith.constant 22 : index
      %get3A_462 = arith.constant 0 : index
      %get3A_463 = vector.load %arg9[%get3A_461, %get3A_462] : memref<32x256xf32, #tpu.memory_space<vmem>>, vector<1x256xf32>
      %add3A_464 = arith.addf %get3A_463, %broadcast_in_dim3A_460 : vector<1x256xf32>
      %swap3A_465 = arith.constant 22 : index
      %swap3A_466 = arith.constant 0 : index
      %swap3A_467 = vector.load %arg9[%swap3A_465, %swap3A_466] : memref<32x256xf32, #tpu.memory_space<vmem>>, vector<1x256xf32>
      tpu.vector_store %arg9[%swap3A_465, %swap3A_466], %add3A_464 {strides = array<i32>} : memref<32x256xf32, #tpu.memory_space<vmem>>, vector<1x256xf32>,
      %eq3A_468 = arith.constant 2.400000e+01 : f32
      %eq3A_469 = vector.broadcast %eq3A_468 : f32 to vector<512x256xf32>
      %eq3A_470 = arith.cmpf oeq, %select_n3A_96, %eq3A_469 : vector<512x256xf32>
      %jit3A_471 = arith.constant 0.000000e+00 : f32
      %broadcast_in_dim3A_472 = vector.broadcast %jit3A_471 : f32 to vector<512x256xf32>
      %select_n3A_473 = arith.select %eq3A_470, %add3A_101, %broadcast_in_dim3A_472 : vector<512x256xi1>, vector<512x256xf32>
      %reduce_sum3A_474 = arith.constant dense<0.000000e+00> : vector<256xf32>
      %reduce_sum3A_475 = vector.multi_reduction <add>, %select_n3A_473, %reduce_sum3A_474 [0] : vector<512x256xf32> to vector<256xf32>
      %broadcast_in_dim3A_476 = vector.shape_cast %reduce_sum3A_475 : vector<256xf32> to vector<1x256xf32>
      %get3A_477 = arith.constant 23 : index
      %get3A_478 = arith.constant 0 : index
      %get3A_479 = vector.load %arg9[%get3A_477, %get3A_478] : memref<32x256xf32, #tpu.memory_space<vmem>>, vector<1x256xf32>
      %add3A_480 = arith.addf %get3A_479, %broadcast_in_dim3A_476 : vector<1x256xf32>
      %swap3A_481 = arith.constant 23 : index
      %swap3A_482 = arith.constant 0 : index
      %swap3A_483 = vector.load %arg9[%swap3A_481, %swap3A_482] : memref<32x256xf32, #tpu.memory_space<vmem>>, vector<1x256xf32>
      tpu.vector_store %arg9[%swap3A_481, %swap3A_482], %add3A_480 {strides = array<i32>} : memref<32x256xf32, #tpu.memory_space<vmem>>, vector<1x256xf32>,
      %eq3A_484 = arith.constant 2.500000e+01 : f32
      %eq3A_485 = vector.broadcast %eq3A_484 : f32 to vector<512x256xf32>
      %eq3A_486 = arith.cmpf oeq, %select_n3A_96, %eq3A_485 : vector<512x256xf32>
      %jit3A_487 = arith.constant 0.000000e+00 : f32
      %broadcast_in_dim3A_488 = vector.broadcast %jit3A_487 : f32 to vector<512x256xf32>
      %select_n3A_489 = arith.select %eq3A_486, %add3A_101, %broadcast_in_dim3A_488 : vector<512x256xi1>, vector<512x256xf32>
      %reduce_sum3A_490 = arith.constant dense<0.000000e+00> : vector<256xf32>
      %reduce_sum3A_491 = vector.multi_reduction <add>, %select_n3A_489, %reduce_sum3A_490 [0] : vector<512x256xf32> to vector<256xf32>
      %broadcast_in_dim3A_492 = vector.shape_cast %reduce_sum3A_491 : vector<256xf32> to vector<1x256xf32>
      %get3A_493 = arith.constant 24 : index
      %get3A_494 = arith.constant 0 : index
      %get3A_495 = vector.load %arg9[%get3A_493, %get3A_494] : memref<32x256xf32, #tpu.memory_space<vmem>>, vector<1x256xf32>
      %add3A_496 = arith.addf %get3A_495, %broadcast_in_dim3A_492 : vector<1x256xf32>
      %swap3A_497 = arith.constant 24 : index
      %swap3A_498 = arith.constant 0 : index
      %swap3A_499 = vector.load %arg9[%swap3A_497, %swap3A_498] : memref<32x256xf32, #tpu.memory_space<vmem>>, vector<1x256xf32>
      tpu.vector_store %arg9[%swap3A_497, %swap3A_498], %add3A_496 {strides = array<i32>} : memref<32x256xf32, #tpu.memory_space<vmem>>, vector<1x256xf32>,
      %eq3A_500 = arith.constant 2.600000e+01 : f32
      %eq3A_501 = vector.broadcast %eq3A_500 : f32 to vector<512x256xf32>
      %eq3A_502 = arith.cmpf oeq, %select_n3A_96, %eq3A_501 : vector<512x256xf32>
      %jit3A_503 = arith.constant 0.000000e+00 : f32
      %broadcast_in_dim3A_504 = vector.broadcast %jit3A_503 : f32 to vector<512x256xf32>
      %select_n3A_505 = arith.select %eq3A_502, %add3A_101, %broadcast_in_dim3A_504 : vector<512x256xi1>, vector<512x256xf32>
      %reduce_sum3A_506 = arith.constant dense<0.000000e+00> : vector<256xf32>
      %reduce_sum3A_507 = vector.multi_reduction <add>, %select_n3A_505, %reduce_sum3A_506 [0] : vector<512x256xf32> to vector<256xf32>
      %broadcast_in_dim3A_508 = vector.shape_cast %reduce_sum3A_507 : vector<256xf32> to vector<1x256xf32>
      %get3A_509 = arith.constant 25 : index
      %get3A_510 = arith.constant 0 : index
      %get3A_511 = vector.load %arg9[%get3A_509, %get3A_510] : memref<32x256xf32, #tpu.memory_space<vmem>>, vector<1x256xf32>
      %add3A_512 = arith.addf %get3A_511, %broadcast_in_dim3A_508 : vector<1x256xf32>
      %swap3A_513 = arith.constant 25 : index
      %swap3A_514 = arith.constant 0 : index
      %swap3A_515 = vector.load %arg9[%swap3A_513, %swap3A_514] : memref<32x256xf32, #tpu.memory_space<vmem>>, vector<1x256xf32>
      tpu.vector_store %arg9[%swap3A_513, %swap3A_514], %add3A_512 {strides = array<i32>} : memref<32x256xf32, #tpu.memory_space<vmem>>, vector<1x256xf32>,
      %eq3A_516 = arith.constant 2.700000e+01 : f32
      %eq3A_517 = vector.broadcast %eq3A_516 : f32 to vector<512x256xf32>
      %eq3A_518 = arith.cmpf oeq, %select_n3A_96, %eq3A_517 : vector<512x256xf32>
      %jit3A_519 = arith.constant 0.000000e+00 : f32
      %broadcast_in_dim3A_520 = vector.broadcast %jit3A_519 : f32 to vector<512x256xf32>
      %select_n3A_521 = arith.select %eq3A_518, %add3A_101, %broadcast_in_dim3A_520 : vector<512x256xi1>, vector<512x256xf32>
      %reduce_sum3A_522 = arith.constant dense<0.000000e+00> : vector<256xf32>
      %reduce_sum3A_523 = vector.multi_reduction <add>, %select_n3A_521, %reduce_sum3A_522 [0] : vector<512x256xf32> to vector<256xf32>
      %broadcast_in_dim3A_524 = vector.shape_cast %reduce_sum3A_523 : vector<256xf32> to vector<1x256xf32>
      %get3A_525 = arith.constant 26 : index
      %get3A_526 = arith.constant 0 : index
      %get3A_527 = vector.load %arg9[%get3A_525, %get3A_526] : memref<32x256xf32, #tpu.memory_space<vmem>>, vector<1x256xf32>
      %add3A_528 = arith.addf %get3A_527, %broadcast_in_dim3A_524 : vector<1x256xf32>
      %swap3A_529 = arith.constant 26 : index
      %swap3A_530 = arith.constant 0 : index
      %swap3A_531 = vector.load %arg9[%swap3A_529, %swap3A_530] : memref<32x256xf32, #tpu.memory_space<vmem>>, vector<1x256xf32>
      tpu.vector_store %arg9[%swap3A_529, %swap3A_530], %add3A_528 {strides = array<i32>} : memref<32x256xf32, #tpu.memory_space<vmem>>, vector<1x256xf32>,
      %eq3A_532 = arith.constant 2.800000e+01 : f32
      %eq3A_533 = vector.broadcast %eq3A_532 : f32 to vector<512x256xf32>
      %eq3A_534 = arith.cmpf oeq, %select_n3A_96, %eq3A_533 : vector<512x256xf32>
      %jit3A_535 = arith.constant 0.000000e+00 : f32
      %broadcast_in_dim3A_536 = vector.broadcast %jit3A_535 : f32 to vector<512x256xf32>
      %select_n3A_537 = arith.select %eq3A_534, %add3A_101, %broadcast_in_dim3A_536 : vector<512x256xi1>, vector<512x256xf32>
      %reduce_sum3A_538 = arith.constant dense<0.000000e+00> : vector<256xf32>
      %reduce_sum3A_539 = vector.multi_reduction <add>, %select_n3A_537, %reduce_sum3A_538 [0] : vector<512x256xf32> to vector<256xf32>
      %broadcast_in_dim3A_540 = vector.shape_cast %reduce_sum3A_539 : vector<256xf32> to vector<1x256xf32>
      %get3A_541 = arith.constant 27 : index
      %get3A_542 = arith.constant 0 : index
      %get3A_543 = vector.load %arg9[%get3A_541, %get3A_542] : memref<32x256xf32, #tpu.memory_space<vmem>>, vector<1x256xf32>
      %add3A_544 = arith.addf %get3A_543, %broadcast_in_dim3A_540 : vector<1x256xf32>
      %swap3A_545 = arith.constant 27 : index
      %swap3A_546 = arith.constant 0 : index
      %swap3A_547 = vector.load %arg9[%swap3A_545, %swap3A_546] : memref<32x256xf32, #tpu.memory_space<vmem>>, vector<1x256xf32>
      tpu.vector_store %arg9[%swap3A_545, %swap3A_546], %add3A_544 {strides = array<i32>} : memref<32x256xf32, #tpu.memory_space<vmem>>, vector<1x256xf32>,
      %eq3A_548 = arith.constant 2.900000e+01 : f32
      %eq3A_549 = vector.broadcast %eq3A_548 : f32 to vector<512x256xf32>
      %eq3A_550 = arith.cmpf oeq, %select_n3A_96, %eq3A_549 : vector<512x256xf32>
      %jit3A_551 = arith.constant 0.000000e+00 : f32
      %broadcast_in_dim3A_552 = vector.broadcast %jit3A_551 : f32 to vector<512x256xf32>
      %select_n3A_553 = arith.select %eq3A_550, %add3A_101, %broadcast_in_dim3A_552 : vector<512x256xi1>, vector<512x256xf32>
      %reduce_sum3A_554 = arith.constant dense<0.000000e+00> : vector<256xf32>
      %reduce_sum3A_555 = vector.multi_reduction <add>, %select_n3A_553, %reduce_sum3A_554 [0] : vector<512x256xf32> to vector<256xf32>
      %broadcast_in_dim3A_556 = vector.shape_cast %reduce_sum3A_555 : vector<256xf32> to vector<1x256xf32>
      %get3A_557 = arith.constant 28 : index
      %get3A_558 = arith.constant 0 : index
      %get3A_559 = vector.load %arg9[%get3A_557, %get3A_558] : memref<32x256xf32, #tpu.memory_space<vmem>>, vector<1x256xf32>
      %add3A_560 = arith.addf %get3A_559, %broadcast_in_dim3A_556 : vector<1x256xf32>
      %swap3A_561 = arith.constant 28 : index
      %swap3A_562 = arith.constant 0 : index
      %swap3A_563 = vector.load %arg9[%swap3A_561, %swap3A_562] : memref<32x256xf32, #tpu.memory_space<vmem>>, vector<1x256xf32>
      tpu.vector_store %arg9[%swap3A_561, %swap3A_562], %add3A_560 {strides = array<i32>} : memref<32x256xf32, #tpu.memory_space<vmem>>, vector<1x256xf32>,
      %eq3A_564 = arith.constant 3.000000e+01 : f32
      %eq3A_565 = vector.broadcast %eq3A_564 : f32 to vector<512x256xf32>
      %eq3A_566 = arith.cmpf oeq, %select_n3A_96, %eq3A_565 : vector<512x256xf32>
      %jit3A_567 = arith.constant 0.000000e+00 : f32
      %broadcast_in_dim3A_568 = vector.broadcast %jit3A_567 : f32 to vector<512x256xf32>
      %select_n3A_569 = arith.select %eq3A_566, %add3A_101, %broadcast_in_dim3A_568 : vector<512x256xi1>, vector<512x256xf32>
      %reduce_sum3A_570 = arith.constant dense<0.000000e+00> : vector<256xf32>
      %reduce_sum3A_571 = vector.multi_reduction <add>, %select_n3A_569, %reduce_sum3A_570 [0] : vector<512x256xf32> to vector<256xf32>
      %broadcast_in_dim3A_572 = vector.shape_cast %reduce_sum3A_571 : vector<256xf32> to vector<1x256xf32>
      %get3A_573 = arith.constant 29 : index
      %get3A_574 = arith.constant 0 : index
      %get3A_575 = vector.load %arg9[%get3A_573, %get3A_574] : memref<32x256xf32, #tpu.memory_space<vmem>>, vector<1x256xf32>
      %add3A_576 = arith.addf %get3A_575, %broadcast_in_dim3A_572 : vector<1x256xf32>
      %swap3A_577 = arith.constant 29 : index
      %swap3A_578 = arith.constant 0 : index
      %swap3A_579 = vector.load %arg9[%swap3A_577, %swap3A_578] : memref<32x256xf32, #tpu.memory_space<vmem>>, vector<1x256xf32>
      tpu.vector_store %arg9[%swap3A_577, %swap3A_578], %add3A_576 {strides = array<i32>} : memref<32x256xf32, #tpu.memory_space<vmem>>, vector<1x256xf32>,
      %eq3A_580 = arith.constant 3.100000e+01 : f32
      %eq3A_581 = vector.broadcast %eq3A_580 : f32 to vector<512x256xf32>
      %eq3A_582 = arith.cmpf oeq, %select_n3A_96, %eq3A_581 : vector<512x256xf32>
      %jit3A_583 = arith.constant 0.000000e+00 : f32
      %broadcast_in_dim3A_584 = vector.broadcast %jit3A_583 : f32 to vector<512x256xf32>
      %select_n3A_585 = arith.select %eq3A_582, %add3A_101, %broadcast_in_dim3A_584 : vector<512x256xi1>, vector<512x256xf32>
      %reduce_sum3A_586 = arith.constant dense<0.000000e+00> : vector<256xf32>
      %reduce_sum3A_587 = vector.multi_reduction <add>, %select_n3A_585, %reduce_sum3A_586 [0] : vector<512x256xf32> to vector<256xf32>
      %broadcast_in_dim3A_588 = vector.shape_cast %reduce_sum3A_587 : vector<256xf32> to vector<1x256xf32>
      %get3A_589 = arith.constant 30 : index
      %get3A_590 = arith.constant 0 : index
      %get3A_591 = vector.load %arg9[%get3A_589, %get3A_590] : memref<32x256xf32, #tpu.memory_space<vmem>>, vector<1x256xf32>
      %add3A_592 = arith.addf %get3A_591, %broadcast_in_dim3A_588 : vector<1x256xf32>
      %swap3A_593 = arith.constant 30 : index
      %swap3A_594 = arith.constant 0 : index
      %swap3A_595 = vector.load %arg9[%swap3A_593, %swap3A_594] : memref<32x256xf32, #tpu.memory_space<vmem>>, vector<1x256xf32>
      tpu.vector_store %arg9[%swap3A_593, %swap3A_594], %add3A_592 {strides = array<i32>} : memref<32x256xf32, #tpu.memory_space<vmem>>, vector<1x256xf32>,
      %eq3A_596 = arith.constant 3.200000e+01 : f32
      %eq3A_597 = vector.broadcast %eq3A_596 : f32 to vector<512x256xf32>
      %eq3A_598 = arith.cmpf oeq, %select_n3A_96, %eq3A_597 : vector<512x256xf32>
      %jit3A_599 = arith.constant 0.000000e+00 : f32
      %broadcast_in_dim3A_600 = vector.broadcast %jit3A_599 : f32 to vector<512x256xf32>
      %select_n3A_601 = arith.select %eq3A_598, %add3A_101, %broadcast_in_dim3A_600 : vector<512x256xi1>, vector<512x256xf32>
      %reduce_sum3A_602 = arith.constant dense<0.000000e+00> : vector<256xf32>
      %reduce_sum3A_603 = vector.multi_reduction <add>, %select_n3A_601, %reduce_sum3A_602 [0] : vector<512x256xf32> to vector<256xf32>
      %broadcast_in_dim3A_604 = vector.shape_cast %reduce_sum3A_603 : vector<256xf32> to vector<1x256xf32>
      %get3A_605 = arith.constant 31 : index
      %get3A_606 = arith.constant 0 : index
      %get3A_607 = vector.load %arg9[%get3A_605, %get3A_606] : memref<32x256xf32, #tpu.memory_space<vmem>>, vector<1x256xf32>
      %add3A_608 = arith.addf %get3A_607, %broadcast_in_dim3A_604 : vector<1x256xf32>
      %swap3A_609 = arith.constant 31 : index
      %swap3A_610 = arith.constant 0 : index
      %swap3A_611 = vector.load %arg9[%swap3A_609, %swap3A_610] : memref<32x256xf32, #tpu.memory_space<vmem>>, vector<1x256xf32>
      tpu.vector_store %arg9[%swap3A_609, %swap3A_610], %add3A_608 {strides = array<i32>} : memref<32x256xf32, #tpu.memory_space<vmem>>, vector<1x256xf32>,
      %slice3A_612 = vector.extract_strided_slice %add3A_88 {offsets = [511, 0], sizes = [1, 256], strides = [1, 1]} : vector<512x256xf32> to vector<1x256xf32>
      %add3A_613 = arith.constant 1 : i32
      %add3A_614 = arith.addi %while3A_46, %add3A_613 : i32
      scf.yield %add3A_614, %slice3A_612 : i32, vector<1x256xf32>
    }
    %get3A_27 = arith.constant 0 : index
    %get3A_28 = arith.constant 0 : index
    %get3A_29 = vector.load %arg9[%get3A_27, %get3A_28] : memref<32x256xf32, #tpu.memory_space<vmem>>, vector<32x256xf32>
    %min3A = arith.constant 3.200000e+01 : f32
    %min3A_30 = vector.broadcast %min3A : f32 to vector<1x256xf32>
    %min3A_31 = arith.minimumf %while3A_26#1, %min3A_30 : vector<1x256xf32>
    %slice3A = vector.extract_strided_slice %get3A_29 {offsets = [0, 0], sizes = [1, 256], strides = [1, 1]} : vector<32x256xf32> to vector<1x256xf32>
    %lt3A = vector.broadcast %min3A_31 : vector<1x256xf32> to vector<32x256xf32>
    %lt3A_32 = arith.cmpf olt, %convert_element_type3A_19, %lt3A : vector<32x256xf32>
    %broadcast_in_dim3A_33 = vector.shape_cast %slice3A : vector<1x256xf32> to vector<1x256xf32>
    %broadcast_in_dim3A_34 = vector.broadcast %broadcast_in_dim3A_33 : vector<1x256xf32> to vector<32x256xf32>
    %select_n3A_35 = arith.select %lt3A_32, %get3A_29, %broadcast_in_dim3A_34 : vector<32x256xi1>, vector<32x256xf32>
    %convert_element_type3A_36 = arith.fptosi %select_n3A_35 : vector<32x256xf32> to vector<32x256xi32>
    %mul3A_37 = arith.constant 8192 : i32
    %mul3A_38 = arith.muli %arg0, %mul3A_37 : i32
    %add3A = vector.broadcast %mul3A_38 : i32 to vector<32x256xi32>
    %add3A_39 = arith.addi %convert_element_type3A_36, %add3A : vector<32x256xi32>
    %swap3A_40 = arith.constant 0 : index
    %swap3A_41 = arith.constant 0 : index
    %swap3A_42 = arith.constant 0 : index
    %swap3A_43 = vector.load %arg8[%swap3A_40, %swap3A_41, %swap3A_42] : memref<1x32x256xi32, #tpu.memory_space<vmem>>, vector<1x32x256xi32>
    %swap3A_44 = vector.shape_cast %swap3A_43 : vector<1x32x256xi32> to vector<32x256xi32>
    %swap3A_45 = vector.shape_cast %add3A_39 : vector<32x256xi32> to vector<1x32x256xi32>
    tpu.vector_store %arg8[%swap3A_40, %swap3A_41, %swap3A_42], %swap3A_45 {strides = array<i32>} : memref<1x32x256xi32, #tpu.memory_space<vmem>>, vector<1x32x256xi32>,
    return
  }
  func.func @transform_0(%arg0: i32, %arg1: i32) -> (i32, i32, i32) {
    %c0_i32 = arith.constant 0 : i32
    %c0_i32_0 = arith.constant 0 : i32
    %c0_i32_1 = arith.constant 0 : i32
    return %arg0, %c0_i32, %c0_i32_0 : i32, i32, i32
  }
  func.func @transform_1(%arg0: i32, %arg1: i32) -> (i32, i32, i32) {
    %c0_i32 = arith.constant 0 : i32
    %c0_i32_0 = arith.constant 0 : i32
    %c0_i32_1 = arith.constant 0 : i32
    return %arg0, %c0_i32, %c0_i32_0 : i32, i32, i32
  }
  func.func @transform_2(%arg0: i32, %arg1: i32) -> (i32, i32, i32) {
    %c0_i32 = arith.constant 0 : i32
    %c0_i32_0 = arith.constant 0 : i32
    %c0_i32_1 = arith.constant 0 : i32
    return %arg0, %c0_i32, %c0_i32_0 : i32, i32, i32
  }
  func.func @transform_3(%arg0: i32, %arg1: i32) -> (i32, i32, i32) {
    %c0_i32 = arith.constant 0 : i32
    %c0_i32_0 = arith.constant 0 : i32
    return %arg0, %c0_i32, %arg1 : i32, i32, i32
  }
  func.func @transform_4(%arg0: i32, %arg1: i32) -> (i32, i32, i32) {
    %c0_i32 = arith.constant 0 : i32
    %c0_i32_0 = arith.constant 0 : i32
    return %arg0, %c0_i32, %arg1 : i32, i32, i32
  }
  func.func @transform_5(%arg0: i32, %arg1: i32) -> (i32, i32, i32) {
    %c0_i32 = arith.constant 0 : i32
    %c0_i32_0 = arith.constant 0 : i32
    return %arg0, %c0_i32, %arg1 : i32, i32, i32
  }
  func.func @transform_6(%arg0: i32, %arg1: i32) -> (i32, i32, i32) {
    %c0_i32 = arith.constant 0 : i32
    %c0_i32_0 = arith.constant 0 : i32
    return %arg0, %c0_i32, %arg1 : i32, i32, i32
  }
}

module attributes {stable_mosaic.version = 14 : i64} {
  func.func @_tmat_body(%arg0: i32, %arg1: memref<1x64x8192xf32, #tpu.memory_space<vmem>>, %arg2: memref<1x8192x3xf32, #tpu.memory_space<vmem>>, %arg3: memref<64x64xf32, #tpu.memory_space<vmem>>, %arg4: memref<3x64xf32, #tpu.memory_space<vmem>>, %arg5: memref<1x8192x64xf32, #tpu.memory_space<vmem>>) attributes {dimension_semantics = [#tpu.dimension_semantics<arbitrary>], iteration_bounds = array<i64: 8>, scalar_prefetch = 0 : i64, scratch_operands = 0 : i64, tpu.core_type = #tpu.core_type<tc>, window_params = [{transform_indices = @transform_0, window_bounds = array<i64: 1, 64, 8192>}, {transform_indices = @transform_1, window_bounds = array<i64: 1, 8192, 3>}, {pipeline_mode = #tpu.pipeline_mode<synchronous>, transform_indices = @transform_2, window_bounds = array<i64: 64, 64>}, {pipeline_mode = #tpu.pipeline_mode<synchronous>, transform_indices = @transform_3, window_bounds = array<i64: 3, 64>}, {transform_indices = @transform_4, window_bounds = array<i64: 1, 8192, 64>}]} {
    %get3A = arith.constant 0 : index
    %get3A_0 = arith.constant 0 : index
    %get3A_1 = arith.constant 0 : index
    %get3A_2 = vector.load %arg1[%get3A, %get3A_0, %get3A_1] : memref<1x64x8192xf32, #tpu.memory_space<vmem>>, vector<1x64x8192xf32>
    %get3A_3 = vector.shape_cast %get3A_2 : vector<1x64x8192xf32> to vector<64x8192xf32>
    %get3A_4 = arith.constant 0 : index
    %get3A_5 = arith.constant 0 : index
    %get3A_6 = vector.load %arg3[%get3A_4, %get3A_5] : memref<64x64xf32, #tpu.memory_space<vmem>>, vector<64x64xf32>
    %dot_general3A = arith.constant dense<0.000000e+00> : vector<8192x64xf32>
    %dot_general3A_7 = tpu.matmul %get3A_3, %get3A_6, %dot_general3A {dimension_numbers = #tpu.dot_dimension_numbers<[0], [0], [1], [1], [0, 1, 1, 1], [], []>, transpose_lhs_hint = false} : vector<64x8192xf32>, vector<64x64xf32>, vector<8192x64xf32> -> vector<8192x64xf32>
    %get3A_8 = arith.constant 0 : index
    %get3A_9 = arith.constant 0 : index
    %get3A_10 = arith.constant 0 : index
    %get3A_11 = vector.load %arg2[%get3A_8, %get3A_9, %get3A_10] : memref<1x8192x3xf32, #tpu.memory_space<vmem>>, vector<1x8192x3xf32>
    %get3A_12 = vector.shape_cast %get3A_11 : vector<1x8192x3xf32> to vector<8192x3xf32>
    %get3A_13 = arith.constant 0 : index
    %get3A_14 = arith.constant 0 : index
    %get3A_15 = vector.load %arg4[%get3A_13, %get3A_14] : memref<3x64xf32, #tpu.memory_space<vmem>>, vector<3x64xf32>
    %dot_general3A_16 = arith.constant dense<0.000000e+00> : vector<8192x64xf32>
    %dot_general3A_17 = tpu.matmul %get3A_12, %get3A_15, %dot_general3A_16 {dimension_numbers = #tpu.dot_dimension_numbers<[1], [0], [0], [1], [0, 0, 1, 1], [], []>, transpose_lhs_hint = false} : vector<8192x3xf32>, vector<3x64xf32>, vector<8192x64xf32> -> vector<8192x64xf32>
    %add3A = arith.addf %dot_general3A_7, %dot_general3A_17 : vector<8192x64xf32>
    %swap3A = arith.constant 0 : index
    %swap3A_18 = arith.constant 0 : index
    %swap3A_19 = arith.constant 0 : index
    %swap3A_20 = vector.load %arg5[%swap3A, %swap3A_18, %swap3A_19] : memref<1x8192x64xf32, #tpu.memory_space<vmem>>, vector<1x8192x64xf32>
    %swap3A_21 = vector.shape_cast %swap3A_20 : vector<1x8192x64xf32> to vector<8192x64xf32>
    %swap3A_22 = vector.shape_cast %add3A : vector<8192x64xf32> to vector<1x8192x64xf32>
    tpu.vector_store %arg5[%swap3A, %swap3A_18, %swap3A_19], %swap3A_22 {strides = array<i32>} : memref<1x8192x64xf32, #tpu.memory_space<vmem>>, vector<1x8192x64xf32>,
    return
  }
  func.func @transform_0(%arg0: i32) -> (i32, i32, i32) {
    %c0_i32 = arith.constant 0 : i32
    %c0_i32_0 = arith.constant 0 : i32
    %c0_i32_1 = arith.constant 0 : i32
    return %arg0, %c0_i32, %c0_i32_0 : i32, i32, i32
  }
  func.func @transform_1(%arg0: i32) -> (i32, i32, i32) {
    %c0_i32 = arith.constant 0 : i32
    %c0_i32_0 = arith.constant 0 : i32
    %c0_i32_1 = arith.constant 0 : i32
    return %arg0, %c0_i32, %c0_i32_0 : i32, i32, i32
  }
  func.func @transform_2(%arg0: i32) -> (i32, i32) {
    %c0_i32 = arith.constant 0 : i32
    %c0_i32_0 = arith.constant 0 : i32
    %c0_i32_1 = arith.constant 0 : i32
    return %c0_i32, %c0_i32_0 : i32, i32
  }
  func.func @transform_3(%arg0: i32) -> (i32, i32) {
    %c0_i32 = arith.constant 0 : i32
    %c0_i32_0 = arith.constant 0 : i32
    %c0_i32_1 = arith.constant 0 : i32
    return %c0_i32, %c0_i32_0 : i32, i32
  }
  func.func @transform_4(%arg0: i32) -> (i32, i32, i32) {
    %c0_i32 = arith.constant 0 : i32
    %c0_i32_0 = arith.constant 0 : i32
    %c0_i32_1 = arith.constant 0 : i32
    return %arg0, %c0_i32, %c0_i32_0 : i32, i32, i32
  }
}

module attributes {stable_mosaic.version = 14 : i64} {
  func.func @_mlp_body(%arg0: i32, %arg1: i32, %arg2: memref<1x32x256x64xf32, #tpu.memory_space<vmem>>, %arg3: memref<1x256x3xf32, #tpu.memory_space<vmem>>, %arg4: memref<64x128xf32, #tpu.memory_space<vmem>>, %arg5: memref<1x128xf32, #tpu.memory_space<vmem>>, %arg6: memref<1x64xf32, #tpu.memory_space<vmem>>, %arg7: memref<1x64xf32, #tpu.memory_space<vmem>>, %arg8: memref<1x64xf32, #tpu.memory_space<vmem>>, %arg9: memref<1x64xf32, #tpu.memory_space<vmem>>, %arg10: memref<1x256x128xf32, #tpu.memory_space<vmem>>) attributes {dimension_semantics = [#tpu.dimension_semantics<arbitrary>, #tpu.dimension_semantics<arbitrary>], iteration_bounds = array<i64: 8, 4>, scalar_prefetch = 0 : i64, scratch_operands = 0 : i64, tpu.core_type = #tpu.core_type<tc>, window_params = [{transform_indices = @transform_0, window_bounds = array<i64: 1, 32, 256, 64>}, {transform_indices = @transform_1, window_bounds = array<i64: 1, 256, 3>}, {pipeline_mode = #tpu.pipeline_mode<synchronous>, transform_indices = @transform_2, window_bounds = array<i64: 64, 128>}, {pipeline_mode = #tpu.pipeline_mode<synchronous>, transform_indices = @transform_3, window_bounds = array<i64: 1, 128>}, {pipeline_mode = #tpu.pipeline_mode<synchronous>, transform_indices = @transform_4, window_bounds = array<i64: 1, 64>}, {pipeline_mode = #tpu.pipeline_mode<synchronous>, transform_indices = @transform_5, window_bounds = array<i64: 1, 64>}, {pipeline_mode = #tpu.pipeline_mode<synchronous>, transform_indices = @transform_6, window_bounds = array<i64: 1, 64>}, {pipeline_mode = #tpu.pipeline_mode<synchronous>, transform_indices = @transform_7, window_bounds = array<i64: 1, 64>}, {transform_indices = @transform_8, window_bounds = array<i64: 1, 256, 128>}]} {
    %get3A = arith.constant 0 : index
    %get3A_0 = arith.constant 0 : index
    %get3A_1 = arith.constant 0 : index
    %get3A_2 = vector.load %arg3[%get3A, %get3A_0, %get3A_1] : memref<1x256x3xf32, #tpu.memory_space<vmem>>, vector<1x256x3xf32>
    %get3A_3 = vector.shape_cast %get3A_2 : vector<1x256x3xf32> to vector<256x3xf32>
    %slice3A = vector.extract_strided_slice %get3A_3 {offsets = [0, 0], sizes = [256, 1], strides = [1, 1]} : vector<256x3xf32> to vector<256x1xf32>
    %slice3A_4 = vector.extract_strided_slice %get3A_3 {offsets = [0, 1], sizes = [256, 1], strides = [1, 1]} : vector<256x3xf32> to vector<256x1xf32>
    %slice3A_5 = vector.extract_strided_slice %get3A_3 {offsets = [0, 2], sizes = [256, 1], strides = [1, 1]} : vector<256x3xf32> to vector<256x1xf32>
    %get3A_6 = arith.constant 0 : index
    %get3A_7 = arith.constant 0 : index
    %get3A_8 = vector.load %arg6[%get3A_6, %get3A_7] : memref<1x64xf32, #tpu.memory_space<vmem>>, vector<1x64xf32>
    %get3A_9 = arith.constant 0 : index
    %get3A_10 = arith.constant 0 : index
    %get3A_11 = vector.load %arg7[%get3A_9, %get3A_10] : memref<1x64xf32, #tpu.memory_space<vmem>>, vector<1x64xf32>
    %mul3A = vector.broadcast %slice3A : vector<256x1xf32> to vector<256x64xf32>
    %mul3A_12 = vector.broadcast %get3A_11 : vector<1x64xf32> to vector<256x64xf32>
    %mul3A_13 = arith.mulf %mul3A, %mul3A_12 : vector<256x64xf32>
    %get3A_14 = arith.constant 0 : index
    %get3A_15 = arith.constant 0 : index
    %get3A_16 = vector.load %arg8[%get3A_14, %get3A_15] : memref<1x64xf32, #tpu.memory_space<vmem>>, vector<1x64xf32>
    %mul3A_17 = vector.broadcast %slice3A_4 : vector<256x1xf32> to vector<256x64xf32>
    %mul3A_18 = vector.broadcast %get3A_16 : vector<1x64xf32> to vector<256x64xf32>
    %mul3A_19 = arith.mulf %mul3A_17, %mul3A_18 : vector<256x64xf32>
    %add3A = arith.addf %mul3A_13, %mul3A_19 : vector<256x64xf32>
    %get3A_20 = arith.constant 0 : index
    %get3A_21 = arith.constant 0 : index
    %get3A_22 = vector.load %arg9[%get3A_20, %get3A_21] : memref<1x64xf32, #tpu.memory_space<vmem>>, vector<1x64xf32>
    %mul3A_23 = vector.broadcast %slice3A_5 : vector<256x1xf32> to vector<256x64xf32>
    %mul3A_24 = vector.broadcast %get3A_22 : vector<1x64xf32> to vector<256x64xf32>
    %mul3A_25 = arith.mulf %mul3A_23, %mul3A_24 : vector<256x64xf32>
    %add3A_26 = arith.addf %add3A, %mul3A_25 : vector<256x64xf32>
    %sub3A = vector.broadcast %get3A_8 : vector<1x64xf32> to vector<256x64xf32>
    %sub3A_27 = arith.subf %sub3A, %add3A_26 : vector<256x64xf32>
    %get3A_28 = arith.constant 0 : index
    %get3A_29 = arith.constant 0 : index
    %get3A_30 = arith.constant 0 : index
    %get3A_31 = arith.constant 0 : index
    %get3A_32 = vector.load %arg2[%get3A_28, %get3A_29, %get3A_30, %get3A_31] : memref<1x32x256x64xf32, #tpu.memory_space<vmem>>, vector<1x32x256x64xf32>
    %get3A_33 = vector.shape_cast %get3A_32 : vector<1x32x256x64xf32> to vector<32x256x64xf32>
    %broadcast_in_dim3A = vector.shape_cast %sub3A_27 : vector<256x64xf32> to vector<1x256x64xf32>
    %add3A_34 = vector.broadcast %broadcast_in_dim3A : vector<1x256x64xf32> to vector<32x256x64xf32>
    %add3A_35 = arith.addf %get3A_33, %add3A_34 : vector<32x256x64xf32>
    %max3A = arith.constant 0.000000e+00 : f32
    %max3A_36 = vector.broadcast %max3A : f32 to vector<32x256x64xf32>
    %max3A_37 = arith.maximumf %add3A_35, %max3A_36 : vector<32x256x64xf32>
    %reshape3A = vector.shape_cast %max3A_37 : vector<32x256x64xf32> to vector<8192x64xf32>
    %get3A_38 = arith.constant 0 : index
    %get3A_39 = arith.constant 0 : index
    %get3A_40 = vector.load %arg4[%get3A_38, %get3A_39] : memref<64x128xf32, #tpu.memory_space<vmem>>, vector<64x128xf32>
    %dot_general3A = arith.constant dense<0.000000e+00> : vector<8192x128xf32>
    %dot_general3A_41 = tpu.matmul %reshape3A, %get3A_40, %dot_general3A {dimension_numbers = #tpu.dot_dimension_numbers<[1], [0], [0], [1], [0, 0, 1, 1], [], []>, transpose_lhs_hint = false} : vector<8192x64xf32>, vector<64x128xf32>, vector<8192x128xf32> -> vector<8192x128xf32>
    %get3A_42 = arith.constant 0 : index
    %get3A_43 = arith.constant 0 : index
    %get3A_44 = vector.load %arg5[%get3A_42, %get3A_43] : memref<1x128xf32, #tpu.memory_space<vmem>>, vector<1x128xf32>
    %add3A_45 = vector.broadcast %get3A_44 : vector<1x128xf32> to vector<8192x128xf32>
    %add3A_46 = arith.addf %dot_general3A_41, %add3A_45 : vector<8192x128xf32>
    %max3A_47 = arith.constant 0.000000e+00 : f32
    %max3A_48 = vector.broadcast %max3A_47 : f32 to vector<8192x128xf32>
    %max3A_49 = arith.maximumf %add3A_46, %max3A_48 : vector<8192x128xf32>
    %reshape3A_50 = vector.shape_cast %max3A_49 : vector<8192x128xf32> to vector<32x256x128xf32>
    %reduce_max3A = arith.constant dense<0xFF800000> : vector<256x128xf32>
    %reduce_max3A_51 = vector.multi_reduction <maximumf>, %reshape3A_50, %reduce_max3A [0] : vector<32x256x128xf32> to vector<256x128xf32>
    %swap3A = arith.constant 0 : index
    %swap3A_52 = arith.constant 0 : index
    %swap3A_53 = arith.constant 0 : index
    %swap3A_54 = vector.load %arg10[%swap3A, %swap3A_52, %swap3A_53] : memref<1x256x128xf32, #tpu.memory_space<vmem>>, vector<1x256x128xf32>
    %swap3A_55 = vector.shape_cast %swap3A_54 : vector<1x256x128xf32> to vector<256x128xf32>
    %swap3A_56 = vector.shape_cast %reduce_max3A_51 : vector<256x128xf32> to vector<1x256x128xf32>
    tpu.vector_store %arg10[%swap3A, %swap3A_52, %swap3A_53], %swap3A_56 {strides = array<i32>} : memref<1x256x128xf32, #tpu.memory_space<vmem>>, vector<1x256x128xf32>,
    return
  }
  func.func @transform_0(%arg0: i32, %arg1: i32) -> (i32, i32, i32, i32) {
    %c0_i32 = arith.constant 0 : i32
    %c0_i32_0 = arith.constant 0 : i32
    %c0_i32_1 = arith.constant 0 : i32
    return %arg0, %c0_i32, %arg1, %c0_i32_0 : i32, i32, i32, i32
  }
  func.func @transform_1(%arg0: i32, %arg1: i32) -> (i32, i32, i32) {
    %c0_i32 = arith.constant 0 : i32
    %c0_i32_0 = arith.constant 0 : i32
    return %arg0, %arg1, %c0_i32 : i32, i32, i32
  }
  func.func @transform_2(%arg0: i32, %arg1: i32) -> (i32, i32) {
    %c0_i32 = arith.constant 0 : i32
    %c0_i32_0 = arith.constant 0 : i32
    %c0_i32_1 = arith.constant 0 : i32
    return %c0_i32, %c0_i32_0 : i32, i32
  }
  func.func @transform_3(%arg0: i32, %arg1: i32) -> (i32, i32) {
    %c0_i32 = arith.constant 0 : i32
    %c0_i32_0 = arith.constant 0 : i32
    %c0_i32_1 = arith.constant 0 : i32
    return %c0_i32, %c0_i32_0 : i32, i32
  }
  func.func @transform_4(%arg0: i32, %arg1: i32) -> (i32, i32) {
    %c0_i32 = arith.constant 0 : i32
    %c0_i32_0 = arith.constant 0 : i32
    %c0_i32_1 = arith.constant 0 : i32
    return %c0_i32, %c0_i32_0 : i32, i32
  }
  func.func @transform_5(%arg0: i32, %arg1: i32) -> (i32, i32) {
    %c0_i32 = arith.constant 0 : i32
    %c0_i32_0 = arith.constant 0 : i32
    %c0_i32_1 = arith.constant 0 : i32
    return %c0_i32, %c0_i32_0 : i32, i32
  }
  func.func @transform_6(%arg0: i32, %arg1: i32) -> (i32, i32) {
    %c0_i32 = arith.constant 0 : i32
    %c0_i32_0 = arith.constant 0 : i32
    %c0_i32_1 = arith.constant 0 : i32
    return %c0_i32, %c0_i32_0 : i32, i32
  }
  func.func @transform_7(%arg0: i32, %arg1: i32) -> (i32, i32) {
    %c0_i32 = arith.constant 0 : i32
    %c0_i32_0 = arith.constant 0 : i32
    %c0_i32_1 = arith.constant 0 : i32
    return %c0_i32, %c0_i32_0 : i32, i32
  }
  func.func @transform_8(%arg0: i32, %arg1: i32) -> (i32, i32, i32) {
    %c0_i32 = arith.constant 0 : i32
    %c0_i32_0 = arith.constant 0 : i32
    return %arg0, %arg1, %c0_i32 : i32, i32, i32
  }
}

</mosaic_0001>

<sc_bundles>
// kernel: kernel.7.cloned.1.call-start
scs
__scs_entry_jumppad:
0x0: {  	(pc) =	sbr.rel $0x88, $3  }
0x1: {  	(tag) =	ssettag $0x0;
	lr =	simm.s32 $0x1  }
0x2: {  	[smem:$0x3F97] =	sst lr;
	_ =	strace $0xD0000000  }
0x3: {  	_ = 	snop  }
0x4: {  	_ = 	snop  }
0x5: {  	_ = 	snop  }
0x6: {  	_ = 	snop  }
0x7: {  	_ = 	snop  }
__scs_overlays_trampoline_lowered:
0x8: {  	[smem:$0x3FA6] =	sst s0  }
0x9: {  	[smem:$0x3FA7] =	sst s1  }
0xa: {  	[smem:$0x3FA8] =	sst s2  }
0xb: {  	[smem:$0x3FA9] =	sst s3  }
0xc: {  	[smem:$0x3FAA] =	sst s4  }
0xd: {  	[smem:$0x3FAB] =	sst s5  }
0xe: {  	[smem:$0x3FAC] =	sst s6  }
0xf: {  	[smem:$0x3FAD] =	sst s7  }
0x10: {  	[smem:$0x3FAE] =	sst s8  }
0x11: {  	[smem:$0x3FAF] =	sst s9;
	s0 =	simm.s32 @!p0 $0x0  }
0x12: {  	s1 =	sld [smem:$0x3F95];
	s0 =	simm.s32 @p0 $0x1  }
0x13: {  	[smem:$0x3FB0] =	sst s0;
	s0 =	simm.s32 @!p1 $0x0  }
0x14: {  	s2 =	sld [smem:$0x3F94];
	s0 =	simm.s32 @p1 $0x1  }
0x15: {  	[smem:$0x3FB1] =	sst s0;
	s0 =	simm.s32 @!p2 $0x0  }
0x16: {  	s3 =	sld [smem:$0x3FDB];
	s0 =	simm.s32 @p2 $0x1  }
0x17: {  	s4 =	simm.s32 $0x1BF5;
	[smem:$0x3FB3] =	sst s0  }
0x18: {  	s0 =	sld [smem:$0x3F96];
	_ =	swait.ge [sflag:s4], $0x0  }
0x19: {  	s7 =	sld [smem:$0x3F97]  }
0x1a: {  	s8 =	sadd.s32 $0xFFFFE003, lr  }
0x1b: {  	s9 =	sadd.s32 $0xFFFFFEF7, lr;
	s5 =	simm.s32 $0xFFFFFFFF;
	p2 =	slt.u32 s8, $0xFFFFF086  }
0x1c: {  	p1 =	slt.u32 s9, $0xF7A;
	s5 =	simm.s32 @!p2 $0x0  }
0x1d: {  	s5 =	simm.s32 @p1 $0x1;
	p0 =	seq.s32 s7, s2  }
0x1e: {  	s7 =	smul.u32 @!p0 $0xF7A, s2;
	p2 =	seq.s32 @!p0 s5, $0x0  }
0x1f: {  	s9 =	smul.u32 $0xF7A, s1;
	s8 =	simm.s32 @!p0 $0x1BF5;
	p2 =	por !p2, p0  }
0x20: {  	[sflag:s8] =	ssyncset.s32 @!p0 $0xFFFFF086;
	s6 =	sadd.s32 @!p0 s3, s7;
	s7 =	simm.s32 @!p0 $0x108  }
0x21: {  	s3 =	sadd.s32 s3, s9;
	s6 =	sadd.s32 @!p0 $0x88, s6;
	s7 =	simm.s32 @p2 $0x1082  }
0x22: {  	[simem:s7], [sflag:s8] =	dma.local @!p0 [hbm:s6], $0xF7A  }
0x23: {  	s9 =	sor.u32 $0xD0000000, s2;
	s6 =	simm.s32 $0x108;
	_ =	swait.ge @!p0 [sflag:s8], $0x0  }
0x24: {  	s3 =	sadd.s32 $0x88, s3;
	s6 =	simm.s32 @!p1 $0x1082;
	[sflag:s4] =	ssyncset.s32 $0xFFFFF086  }
0x25: {  	[simem:s6], [sflag:s4] =	dma.local [hbm:s3], $0xF7A  }
0x26: {  	[smem:$0x3F97] =	sst s1;
	(tag) =	ssettag s2;
	_ =	strace s9  }
0x27: {  	s1 =	sld [smem:$0x3FA7]  }
0x28: {  	s2 =	sld [smem:$0x3FA8]  }
0x29: {  	s4 =	sld [smem:$0x3FAA]  }
0x2a: {  	p0 =	seq.s32 s5, $0x0;
	s5 =	sld [smem:$0x3FAB]  }
0x2b: {  	s6 =	sld [smem:$0x3FAC]  }
0x2c: {  	s7 =	sld [smem:$0x3FAD]  }
0x2d: {  	s3 =	simm.s32 $0x108;
	s8 =	sld [smem:$0x3FAE]  }
0x2e: {  	s3 =	simm.s32 @!p0 $0x1082;
	s9 =	sld [smem:$0x3FAF]  }
0x2f: {  	lr =	sadd.s32 s0, s3;
	s0 =	sld [smem:$0x3FA6]  }
0x30: {  	s3 =	sld [smem:$0x3FA9]  }
0x31: {  	[smem:$0x3FB2] =	sst s10  }
0x32: {  	s10 =	sld [smem:$0x3FB0];
	_ =	sdelay $0x3  }
0x33: {  	p0 =	seq.s32 s10, $0x1;
	s10 =	sld [smem:$0x3FB2];
	_ =	sdelay $0x3  }
0x34: {  	[smem:$0x3FB2] =	sst s10  }
0x35: {  	s10 =	sld [smem:$0x3FB1];
	_ =	sdelay $0x3  }
0x36: {  	p1 =	seq.s32 s10, $0x1;
	s10 =	sld [smem:$0x3FB2];
	_ =	sdelay $0x3  }
0x37: {  	[smem:$0x3FB2] =	sst s10  }
0x38: {  	s10 =	sld [smem:$0x3FB3]  }
0x39: {  	_ = 	snop;
	(pc) =	sbr.ind lr, $3  }
0x3a: {  	_ = 	snop  }
0x3b: {  	_ = 	snop  }
0x3c: {  	p2 =	seq.s32 s10, $0x1;
	s10 =	sld [smem:$0x3FB2]  }
0x3d: {  	_ =	shalt  }
0x3e: {  	_ =	shalt  }
0x3f: {  	_ =	shalt  }
0x40: {  	_ =	shalt  }
0x41: {  	_ =	shalt  }
0x42: {  	_ =	shalt  }
0x43: {  	_ =	shalt  }
0x44: {  	_ =	shalt  }
0x45: {  	_ =	shalt  }
0x46: {  	_ =	shalt  }
0x47: {  	_ =	shalt  }
0x48: {  	_ =	shalt  }
0x49: {  	_ =	shalt  }
0x4a: {  	_ =	shalt  }
0x4b: {  	_ =	shalt  }
0x4c: {  	_ =	shalt  }
0x4d: {  	_ =	shalt  }
0x4e: {  	_ =	shalt  }
0x4f: {  	_ =	shalt  }
0x50: {  	_ =	shalt  }
0x51: {  	_ =	shalt  }
0x52: {  	_ =	shalt  }
0x53: {  	_ =	shalt  }
0x54: {  	_ =	shalt  }
0x55: {  	_ =	shalt  }
0x56: {  	_ =	shalt  }
0x57: {  	_ =	shalt  }
0x58: {  	_ =	shalt  }
0x59: {  	_ =	shalt  }
0x5a: {  	_ =	shalt  }
0x5b: {  	_ =	shalt  }
0x5c: {  	_ =	shalt  }
0x5d: {  	_ =	shalt  }
0x5e: {  	_ =	shalt  }
0x5f: {  	_ =	shalt  }
0x60: {  	_ =	shalt  }
0x61: {  	_ =	shalt  }
0x62: {  	_ =	shalt  }
0x63: {  	_ =	shalt  }
0x64: {  	_ =	shalt  }
0x65: {  	_ =	shalt  }
0x66: {  	_ =	shalt  }
0x67: {  	_ =	shalt  }
0x68: {  	_ =	shalt  }
0x69: {  	_ =	shalt  }
0x6a: {  	_ =	shalt  }
0x6b: {  	_ =	shalt  }
0x6c: {  	_ =	shalt  }
0x6d: {  	_ =	shalt  }
0x6e: {  	_ =	shalt  }
0x6f: {  	_ =	shalt  }
0x70: {  	_ =	shalt  }
0x71: {  	_ =	shalt  }
0x72: {  	_ =	shalt  }
0x73: {  	_ =	shalt  }
0x74: {  	_ =	shalt  }
0x75: {  	_ =	shalt  }
0x76: {  	_ =	shalt  }
0x77: {  	_ =	shalt  }
0x78: {  	_ =	shalt  }
0x79: {  	_ =	shalt  }
0x7a: {  	_ =	shalt  }
0x7b: {  	_ =	shalt  }
0x7c: {  	_ =	shalt  }
0x7d: {  	_ =	shalt  }
0x7e: {  	_ =	shalt  }
0x7f: {  	_ =	shalt  }
0x80: {  	_ =	shalt  }
0x81: {  	_ =	shalt  }
0x82: {  	_ =	shalt  }
0x83: {  	_ =	shalt  }
0x84: {  	_ =	shalt  }
0x85: {  	_ =	shalt  }
0x86: {  	_ =	shalt  }
0x87: {  	_ =	shalt  }
.Lfunc_end0:
.L_simem_size_0:
called_computation_lowered:
.L_overlay_start_0:
0x88: {  	s2 =	sld [smem:$0x3FD9]  }
0x89: {  	s3 =	sld [smem:$0x3FFE];
	_ =	sdelay $0x1  }
0x8a: {  	s1 =	srdreg.scid  }
0x8b: {  	s0 =	sand.u32 $0x1, s1  }
0x8c: {  	s14 =	sshll.u32 s0, $0xA;
	s2 =	sadd.s32 s3, s2  }
0x8d: {  	s2 =	sadd.s32 s2, s14  }
0x8e: {  	[smem:$0x3FBE] =	sst s2  }
0x8f: {  	_ = 	snop  }
0x90: {  	s2 =	sld [smem:$0x3FD0];
	_ =	sdelay $0x2  }
0x91: {  	s15 =	simm.s32 $0xA;
	s4 =	simm.s32 $0x10  }
0x92: {  	[smem:s4], [sflag:s15] =	dma.local [hbm:s2], $0x1  }
0x93: {  	_ =	swait.eq [sflag:s15], $0x1  }
0x94: {  	[sflag:s15] =	ssyncset.done $0x0  }
0x95: {  	[sflag:s15] =	ssyncadd.s32 $0xFFFFFFFF  }
0x96: {  	s16 =	sld [smem:$0x11];
	(tm) =	ssettm $0x1  }
0x97: {  	s17 =	sld [smem:$0x3FFB];
	_ =	sdelay $0x3  }
0x98: {  	_ =	strace s17  }
0x99: {  	s3 =	sld [smem:$0x3FFC];
	_ =	sdelay $0x3  }
0x9a: {  	_ =	strace s3  }
0x9b: {  	s3 =	sld [smem:$0x3FFD];
	_ =	sdelay $0x3  }
0x9c: {  	_ =	strace s3  }
0x9d: {  	_ =	strace $0x8FFFFFFF  }
0x9e: {  	s18 =	sld [smem:$0x3FDB];
	_ =	sdelay $0x1  }
0x9f: {  	s19 =	simm.s32 $_scs_section_size  }
0xa0: {  	s5 =	simm.s32 $_size__tile_overlayer_lowered;
	s6 =	simm.s32 $_tile_overlayer_lowered  }
0xa1: {  	s22 =	simm.s32 $0x1BFF;
	s21 =	sshll.u32 s6, $0x1;
	s3 =	sadd.s32 s19, s18  }
0xa2: {  	s7 =	simm.s32 $0x0;
	s20 =	sshll.u32 s5, $0x1;
	s5 =	sadd.s32 s21, s3  }
0xa3: {  	[timem:s7], [sflag:s22] =	dma.local [hbm:s5], s20  }
0xa4: {  	_ =	swait.ge [sflag:s22], s20  }
0xa5: {  	s4 =	ssub.s32 $0x0, s20;
	[sflag:s22] =	ssyncset.done $0x0  }
0xa6: {  	[sflag:s22] =	ssyncadd.s32 s4;
	_ =	sdelay $0x1  }
0xa7: {  	s23 =	simm.s32 $0x1B8B  }
0xa8: {  	_ =	swait.ge [sflag:s23], $0x1  }
0xa9: {  	[sflag:s23] =	ssyncset.done $0x0  }
0xaa: {  	s25 =	simm.s32 $0x1B8E;
	s24 =	sld [smem:$0x3FFE];
	[sflag:s23] =	ssyncadd.s32 $0xFFFFFFFF  }
0xab: {  	s26 =	simm.s32 $execute0_lowered;
	[smem:$0x3FD2] =	sst s25  }
0xac: {  	s5 =	sshll.u32 s26, $0x1;
	_ =	strace $0x80000046;
	[dreg:$0x1] =	wrdreg $0xFFFFFFFF  }
0xad: {  	s28 =	simm.s32 $_size_execute0_lowered;
	s3 =	sadd.s32 s3, s5;
	[dreg:$0x0] =	wrdreg $0x0  }
0xae: {  	s5 =	sshll.u32 s28, $0x1;
	[dreg:$0x2] =	wrdreg s3  }
0xaf: {  	[dreg:$0x3] =	wrdreg s5  }
0xb0: {  	[dreg:$0x4] =	wrdreg $0xC0  }
0xb1: {  	_ =	task [dreg:s7], $0x5FFFF  }
0xb2: {  	[dreg:$0x1] =	wrdreg $0xFFFFFFFF  }
0xb3: {  	[dreg:$0x0] =	wrdreg $0x60  }
0xb4: {  	[dreg:$0x2] =	wrdreg s24  }
0xb5: {  	[dreg:$0x3] =	wrdreg s16  }
0xb6: {  	[dreg:$0x4] =	wrdreg $0x9  }
0xb7: {  	_ =	task.clear_ibuf [dreg:s7], $0x5FFFF;
	_ =	strace $0x90000046  }
0xb8: {  	s29 =	simm.s32 $0x9;
	_ =	strace $0x80000048  }
0xb9: {  	_ =	swait.ge [sflag:s29], $0x1  }
0xba: {  	[sflag:s29] =	ssyncadd.s32 $0xFFFFFFFF  }
0xbb: {  	_ =	strace $0x90000048  }
0xbc: {  	_ =	sfence  }
0xbd: {  	s30 =	sld [smem:$0x0];
	_ =	sdelay $0x2  }
0xbe: {  	s31 =	sshll.u32 s1, $0xD;
	s1 =	sshrl.u32 s1, $0x2  }
0xbf: {  	s3 =	sand.u32 $0x4000, s31;
	s1 =	sadd.s32 s1, s30  }
0xc0: {  	s0 =	sor.u32 s3, s0;
	s1 =	sshll.u32 s1, $0x11  }
0xc1: {  	s0 =	sor.u32 s1, s0  }
0xc2: {  	s0 =	sadd.s32 $0x8F2B, s0  }
0xc3: {  	[sflag:s0] =	ssyncadd.remote.s32 $0x1  }
0xc4: {  	_ =	sfence.sel $0xFFFF  }
0xc5: {  	[dreg:$0x0] =	wrdreg $0xFFFFFFFF;
	(pc) =	sbr.abs _section_cstart, $3  }
0xc6: {  	[dreg:$0x1] =	wrdreg $0xFFFFFFFF  }
0xc7: {  	_ =	task.clear_ibuf [dreg:s7], $0x2FFFF;
	_ =	strace $0x9FFFFFFF  }
0xc8: {  	(tm) =	ssettm $0x7FFFFFFF  }
0xc9: {  	_ =	shalt  }
tec
execute0_lowered:
.L_overlay_start_1:
0x0: {  	(tag) =	ssettag $0x1  }
0x1: {  	s4 =	rddreg [dreg:$0x0]  }
0x2: {  	s5 =	rddreg [dreg:$0x1]  }
0x3: {  	s0 =	rddreg [dreg:$0x2]  }
0x4: {  	s2 =	simm.s32 $0x0;
	s1 =	stileid.u32;
	s7 =	srdreg.scid  }
0x5: {  	s11 =	simm.s32 $0x6000;
	s12 =	simm.s32 $0x8000;
	s13 =	simm.s32 $0xA000  }
0x6: {  	s14 =	simm.s32 $0xC000;
	s15 =	simm.s32 $0xE000;
	s16 =	simm.s32 $0x10000  }
0x7: {  	s17 =	simm.s32 $0x1;
	s18 =	simm.s32 $0x0;
	[smem:$0x7FF] =	sst s2  }
0x8: {  	s6 =	sshll.u32 s1, $0x11;
	s3 =	sadd.s32 $0x2400, s4;
	s31 =	sand.u32 $0x1, s7  }
0x9: {  	s8 =	sshll.u32 s1, $0xE;
	_ =	strace $0x80000047;
	s4 =	sadd.s32 s6, s4  }
0xa: {  	s7 =	ssub.s32 $0x2, s31;
	s9 =	sshll.u32 s31, $0xD;
	s6 =	sshll.u32 s31, $0x10  }
0xb: {  	s10 =	sshrl.u32 s7, $0x1;
	s8 =	sor.u32 s9, s8;
	s6 =	sadd.s32 s6, s4  }
0xc: {  	s9 =	simm.s32 $0x2000;
	s7 =	ssub.s32 s7, s10;
	s8 =	sshrl.u32 s8, $0x3  }
0xd: {  	s6 =	sadd.s32 $0x82400, s6;
	s10 =	simm.s32 $0x4000;
	s4 =	sadd.s32 s5, s8  }
0xe: {  	s5 =	smax.u32 s7, $0x1;
	s7 =	simm.s32 $0x2;
	s8 =	simm.s32 $0x80  }
.LBB2_1:
0xf: {  	[tilespmem:s2], [sflag:$0x2] =	stream.linear.gather [hbm4b:s4+s2], $0x2000, $0x38;
	[tilespmem:$0x12000] =	vst v63  }
0x10: {  	_ =	swait.ge [sflag:s7], $0x2000  }
0x11: {  	[sflag:s7] =	ssyncset.done $0x0  }
0x12: {  	[sflag:s7] =	ssyncadd.s32 $0xFFFFE000  }
0x13: {  	[tilespmem:s9], [sflag:$0x1] =	stream.indirect.gather [hbm4b:s3+s8], $0x40, s2, s8, $0xb8;
	[tilespmem:$0x12000] =	vst v63  }
0x14: {  	s19 =	simm.s32 $0x80  }
0x15: {  	[tilespmem:s10], [sflag:$0x1] =	stream.indirect.gather [hbm4b:s3+s8], $0x40, s19, s8, $0xb8;
	[tilespmem:$0x12000] =	vst v63  }
0x16: {  	s31 =	simm.s32 $0x100  }
0x17: {  	[tilespmem:s11], [sflag:$0x1] =	stream.indirect.gather [hbm4b:s3+s8], $0x40, s31, s8, $0xb8;
	[tilespmem:$0x12000] =	vst v63  }
0x18: {  	s20 =	simm.s32 $0x180  }
0x19: {  	[tilespmem:s12], [sflag:$0x1] =	stream.indirect.gather [hbm4b:s3+s8], $0x40, s20, s8, $0xb8;
	[tilespmem:$0x12000] =	vst v63  }
0x1a: {  	s21 =	simm.s32 $0x200  }
0x1b: {  	[tilespmem:s13], [sflag:$0x1] =	stream.indirect.gather [hbm4b:s3+s8], $0x40, s21, s8, $0xb8;
	[tilespmem:$0x12000] =	vst v63  }
0x1c: {  	s22 =	simm.s32 $0x280  }
0x1d: {  	[tilespmem:s14], [sflag:$0x1] =	stream.indirect.gather [hbm4b:s3+s8], $0x40, s22, s8, $0xb8;
	[tilespmem:$0x12000] =	vst v63  }
0x1e: {  	s23 =	simm.s32 $0x300  }
0x1f: {  	[tilespmem:s15], [sflag:$0x1] =	stream.indirect.gather [hbm4b:s3+s8], $0x40, s23, s8, $0xb8;
	[tilespmem:$0x12000] =	vst v63  }
0x20: {  	s24 =	simm.s32 $0x380  }
0x21: {  	[tilespmem:s16], [sflag:$0x1] =	stream.indirect.gather [hbm4b:s3+s8], $0x40, s24, s8, $0xb8;
	[tilespmem:$0x12000] =	vst v63  }
0x22: {  	_ =	swait.ge [sflag:s17], $0x2000  }
0x23: {  	[sflag:s17] =	ssyncset.done $0x0  }
0x24: {  	s25 =	sadd.s32 $0x0, s6;
	[sflag:s17] =	ssyncadd.s32 $0xFFFFE000  }
0x25: {  	[hbm4b:s25+s2] =	stream.linear.scatter [tilespmem:s9], [sflag:$0x2], $0x2000, $0x38;
	[tilespmem:$0x12000] =	vst v63  }
0x26: {  	_ =	swait.ge [sflag:s7], $0x2000  }
0x27: {  	[sflag:s7] =	ssyncset.done $0x0  }
0x28: {  	[sflag:s7] =	ssyncadd.s32 $0xFFFFE000  }
0x29: {  	_ =	swait.ge [sflag:s17], $0x2000  }
0x2a: {  	[sflag:s17] =	ssyncset.done $0x0  }
0x2b: {  	s20 =	sadd.s32 $0x400, s25;
	[sflag:s17] =	ssyncadd.s32 $0xFFFFE000  }
0x2c: {  	[hbm4b:s20+s2] =	stream.linear.scatter [tilespmem:s10], [sflag:$0x2], $0x2000, $0x38;
	[tilespmem:$0x12000] =	vst v63  }
0x2d: {  	_ =	swait.ge [sflag:s7], $0x2000  }
0x2e: {  	[sflag:s7] =	ssyncset.done $0x0  }
0x2f: {  	[sflag:s7] =	ssyncadd.s32 $0xFFFFE000  }
0x30: {  	_ =	swait.ge [sflag:s17], $0x2000  }
0x31: {  	[sflag:s17] =	ssyncset.done $0x0  }
0x32: {  	s26 =	sadd.s32 $0x800, s25;
	[sflag:s17] =	ssyncadd.s32 $0xFFFFE000  }
0x33: {  	[hbm4b:s26+s2] =	stream.linear.scatter [tilespmem:s11], [sflag:$0x2], $0x2000, $0x38;
	[tilespmem:$0x12000] =	vst v63  }
0x34: {  	_ =	swait.ge [sflag:s7], $0x2000  }
0x35: {  	[sflag:s7] =	ssyncset.done $0x0  }
0x36: {  	[sflag:s7] =	ssyncadd.s32 $0xFFFFE000  }
0x37: {  	_ =	swait.ge [sflag:s17], $0x2000  }
0x38: {  	[sflag:s17] =	ssyncset.done $0x0  }
0x39: {  	s28 =	sadd.s32 $0xC00, s25;
	[sflag:s17] =	ssyncadd.s32 $0xFFFFE000  }
0x3a: {  	[hbm4b:s28+s2] =	stream.linear.scatter [tilespmem:s12], [sflag:$0x2], $0x2000, $0x38;
	[tilespmem:$0x12000] =	vst v63  }
0x3b: {  	_ =	swait.ge [sflag:s7], $0x2000  }
0x3c: {  	[sflag:s7] =	ssyncset.done $0x0  }
0x3d: {  	[sflag:s7] =	ssyncadd.s32 $0xFFFFE000  }
0x3e: {  	_ =	swait.ge [sflag:s17], $0x2000  }
0x3f: {  	[sflag:s17] =	ssyncset.done $0x0  }
0x40: {  	s29 =	sadd.s32 $0x1000, s25;
	[sflag:s17] =	ssyncadd.s32 $0xFFFFE000  }
0x41: {  	[hbm4b:s29+s2] =	stream.linear.scatter [tilespmem:s13], [sflag:$0x2], $0x2000, $0x38;
	[tilespmem:$0x12000] =	vst v63  }
0x42: {  	_ =	swait.ge [sflag:s7], $0x2000  }
0x43: {  	[sflag:s7] =	ssyncset.done $0x0  }
0x44: {  	[sflag:s7] =	ssyncadd.s32 $0xFFFFE000  }
0x45: {  	_ =	swait.ge [sflag:s17], $0x2000  }
0x46: {  	[sflag:s17] =	ssyncset.done $0x0  }
0x47: {  	s30 =	sadd.s32 $0x1400, s25;
	[sflag:s17] =	ssyncadd.s32 $0xFFFFE000  }
0x48: {  	[hbm4b:s30+s2] =	stream.linear.scatter [tilespmem:s14], [sflag:$0x2], $0x2000, $0x38;
	[tilespmem:$0x12000] =	vst v63  }
0x49: {  	_ =	swait.ge [sflag:s7], $0x2000  }
0x4a: {  	[sflag:s7] =	ssyncset.done $0x0  }
0x4b: {  	[sflag:s7] =	ssyncadd.s32 $0xFFFFE000  }
0x4c: {  	_ =	swait.ge [sflag:s17], $0x2000  }
0x4d: {  	[sflag:s17] =	ssyncset.done $0x0  }
0x4e: {  	s31 =	sadd.s32 $0x1800, s25;
	[sflag:s17] =	ssyncadd.s32 $0xFFFFE000  }
0x4f: {  	[hbm4b:s31+s2] =	stream.linear.scatter [tilespmem:s15], [sflag:$0x2], $0x2000, $0x38;
	[tilespmem:$0x12000] =	vst v63  }
0x50: {  	_ =	swait.ge [sflag:s7], $0x2000  }
0x51: {  	[sflag:s7] =	ssyncset.done $0x0  }
0x52: {  	[sflag:s7] =	ssyncadd.s32 $0xFFFFE000  }
0x53: {  	_ =	swait.ge [sflag:s17], $0x2000  }
0x54: {  	[sflag:s17] =	ssyncset.done $0x0  }
0x55: {  	s19 =	sadd.s32 $0x1C00, s25;
	[sflag:s17] =	ssyncadd.s32 $0xFFFFE000  }
0x56: {  	[hbm4b:s19+s2] =	stream.linear.scatter [tilespmem:s16], [sflag:$0x2], $0x2000, $0x38;
	[tilespmem:$0x12000] =	vst v63  }
0x57: {  	_ =	swait.ge [sflag:s7], $0x2000  }
0x58: {  	s20 =	simm.s32 $0x0;
	s19 =	simm.s32 $0x2000;
	[sflag:s7] =	ssyncset.done $0x0  }
.LBB2_2:
0x59: {  	p0 =	sne.s32 s19, $0xE000;
	[sflag:s7] =	ssyncadd.s32 $0xFFFFE000;
	s20 =	sadd.s32 $0x400, s20  }
0x5a: {  	[tilespmem:s9], [sflag:$0x1] =	stream.indirect.gather [hbm4b:s3+s8], $0x40, s20, s8, $0xb8;
	[tilespmem:$0x12000] =	vst v63  }
0x5b: {  	s22 =	smov.u32 s19;
	s19 =	sadd.s32 $0x2000, s19;
	s21 =	sadd.s32 $0x80, s20  }
0x5c: {  	[tilespmem:s10], [sflag:$0x1] =	stream.indirect.gather [hbm4b:s3+s8], $0x40, s21, s8, $0xb8;
	[tilespmem:$0x12000] =	vst v63  }
0x5d: {  	s21 =	sadd.s32 $0x100, s20  }
0x5e: {  	[tilespmem:s11], [sflag:$0x1] =	stream.indirect.gather [hbm4b:s3+s8], $0x40, s21, s8, $0xb8;
	[tilespmem:$0x12000] =	vst v63  }
0x5f: {  	s21 =	sadd.s32 $0x180, s20  }
0x60: {  	[tilespmem:s12], [sflag:$0x1] =	stream.indirect.gather [hbm4b:s3+s8], $0x40, s21, s8, $0xb8;
	[tilespmem:$0x12000] =	vst v63  }
0x61: {  	s21 =	sadd.s32 $0x200, s20  }
0x62: {  	[tilespmem:s13], [sflag:$0x1] =	stream.indirect.gather [hbm4b:s3+s8], $0x40, s21, s8, $0xb8;
	[tilespmem:$0x12000] =	vst v63  }
0x63: {  	s21 =	sadd.s32 $0x280, s20  }
0x64: {  	[tilespmem:s14], [sflag:$0x1] =	stream.indirect.gather [hbm4b:s3+s8], $0x40, s21, s8, $0xb8;
	[tilespmem:$0x12000] =	vst v63  }
0x65: {  	s21 =	sadd.s32 $0x300, s20  }
0x66: {  	[tilespmem:s15], [sflag:$0x1] =	stream.indirect.gather [hbm4b:s3+s8], $0x40, s21, s8, $0xb8;
	[tilespmem:$0x12000] =	vst v63  }
0x67: {  	s21 =	sadd.s32 $0x380, s20  }
0x68: {  	[tilespmem:s16], [sflag:$0x1] =	stream.indirect.gather [hbm4b:s3+s8], $0x40, s21, s8, $0xb8;
	[tilespmem:$0x12000] =	vst v63  }
0x69: {  	_ =	swait.ge [sflag:s17], $0x2000  }
0x6a: {  	[sflag:s17] =	ssyncset.done $0x0  }
0x6b: {  	s21 =	sadd.s32 s22, s6;
	[sflag:s17] =	ssyncadd.s32 $0xFFFFE000  }
0x6c: {  	[hbm4b:s21+s2] =	stream.linear.scatter [tilespmem:s9], [sflag:$0x2], $0x2000, $0x38;
	[tilespmem:$0x12000] =	vst v63  }
0x6d: {  	_ =	swait.ge [sflag:s7], $0x2000  }
0x6e: {  	[sflag:s7] =	ssyncset.done $0x0  }
0x6f: {  	[sflag:s7] =	ssyncadd.s32 $0xFFFFE000  }
0x70: {  	_ =	swait.ge [sflag:s17], $0x2000  }
0x71: {  	[sflag:s17] =	ssyncset.done $0x0  }
0x72: {  	s22 =	sadd.s32 $0x400, s21;
	[sflag:s17] =	ssyncadd.s32 $0xFFFFE000  }
0x73: {  	[hbm4b:s22+s2] =	stream.linear.scatter [tilespmem:s10], [sflag:$0x2], $0x2000, $0x38;
	[tilespmem:$0x12000] =	vst v63  }
0x74: {  	_ =	swait.ge [sflag:s7], $0x2000  }
0x75: {  	[sflag:s7] =	ssyncset.done $0x0  }
0x76: {  	[sflag:s7] =	ssyncadd.s32 $0xFFFFE000  }
0x77: {  	_ =	swait.ge [sflag:s17], $0x2000  }
0x78: {  	[sflag:s17] =	ssyncset.done $0x0  }
0x79: {  	s22 =	sadd.s32 $0x800, s21;
	[sflag:s17] =	ssyncadd.s32 $0xFFFFE000  }
0x7a: {  	[hbm4b:s22+s2] =	stream.linear.scatter [tilespmem:s11], [sflag:$0x2], $0x2000, $0x38;
	[tilespmem:$0x12000] =	vst v63  }
0x7b: {  	_ =	swait.ge [sflag:s7], $0x2000  }
0x7c: {  	[sflag:s7] =	ssyncset.done $0x0  }
0x7d: {  	[sflag:s7] =	ssyncadd.s32 $0xFFFFE000  }
0x7e: {  	_ =	swait.ge [sflag:s17], $0x2000  }
0x7f: {  	[sflag:s17] =	ssyncset.done $0x0  }
0x80: {  	s22 =	sadd.s32 $0xC00, s21;
	[sflag:s17] =	ssyncadd.s32 $0xFFFFE000  }
0x81: {  	[hbm4b:s22+s2] =	stream.linear.scatter [tilespmem:s12], [sflag:$0x2], $0x2000, $0x38;
	[tilespmem:$0x12000] =	vst v63  }
0x82: {  	_ =	swait.ge [sflag:s7], $0x2000  }
0x83: {  	[sflag:s7] =	ssyncset.done $0x0  }
0x84: {  	[sflag:s7] =	ssyncadd.s32 $0xFFFFE000  }
0x85: {  	_ =	swait.ge [sflag:s17], $0x2000  }
0x86: {  	[sflag:s17] =	ssyncset.done $0x0  }
0x87: {  	s22 =	sadd.s32 $0x1000, s21;
	[sflag:s17] =	ssyncadd.s32 $0xFFFFE000  }
0x88: {  	[hbm4b:s22+s2] =	stream.linear.scatter [tilespmem:s13], [sflag:$0x2], $0x2000, $0x38;
	[tilespmem:$0x12000] =	vst v63  }
0x89: {  	_ =	swait.ge [sflag:s7], $0x2000  }
0x8a: {  	[sflag:s7] =	ssyncset.done $0x0  }
0x8b: {  	[sflag:s7] =	ssyncadd.s32 $0xFFFFE000  }
0x8c: {  	_ =	swait.ge [sflag:s17], $0x2000  }
0x8d: {  	[sflag:s17] =	ssyncset.done $0x0  }
0x8e: {  	s22 =	sadd.s32 $0x1400, s21;
	[sflag:s17] =	ssyncadd.s32 $0xFFFFE000  }
0x8f: {  	[hbm4b:s22+s2] =	stream.linear.scatter [tilespmem:s14], [sflag:$0x2], $0x2000, $0x38;
	[tilespmem:$0x12000] =	vst v63  }
0x90: {  	_ =	swait.ge [sflag:s7], $0x2000  }
0x91: {  	[sflag:s7] =	ssyncset.done $0x0  }
0x92: {  	[sflag:s7] =	ssyncadd.s32 $0xFFFFE000  }
0x93: {  	_ =	swait.ge [sflag:s17], $0x2000  }
0x94: {  	[sflag:s17] =	ssyncset.done $0x0  }
0x95: {  	s22 =	sadd.s32 $0x1800, s21;
	[sflag:s17] =	ssyncadd.s32 $0xFFFFE000  }
0x96: {  	[hbm4b:s22+s2] =	stream.linear.scatter [tilespmem:s15], [sflag:$0x2], $0x2000, $0x38;
	[tilespmem:$0x12000] =	vst v63  }
0x97: {  	_ =	swait.ge [sflag:s7], $0x2000  }
0x98: {  	[sflag:s7] =	ssyncset.done $0x0  }
0x99: {  	[sflag:s7] =	ssyncadd.s32 $0xFFFFE000  }
0x9a: {  	_ =	swait.ge [sflag:s17], $0x2000  }
.Ltmp0:
0x9b: {  	[sflag:s17] =	ssyncset.done $0x0;
	(pc) =	sbr.rel @p0 .LBB2_2-.Ltmp0, $4  }
0x9c: {  	s21 =	sadd.s32 $0x1C00, s21;
	[sflag:s17] =	ssyncadd.s32 $0xFFFFE000  }
0x9d: {  	[hbm4b:s21+s2] =	stream.linear.scatter [tilespmem:s16], [sflag:$0x2], $0x2000, $0x38;
	[tilespmem:$0x12000] =	vst v63  }
0x9e: {  	_ =	swait.ge [sflag:s7], $0x2000  }
0x9f: {  	[sflag:s7] =	ssyncset.done $0x0  }
0xa0: {  	s18 =	sadd.s32 $0x1, s18  }
0xa1: {  	p0 =	sne.s32 s18, s5  }
.Ltmp1:
0xa2: {  	_ = 	snop;
	(pc) =	sbr.rel @p0 .LBB2_1-.Ltmp1, $2  }
0xa3: {  	_ =	sdelay $0x2  }
0xa4: {  	[sflag:s7] =	ssyncadd.s32 $0xFFFFE000  }
0xa5: {  	_ =	sfence.sel $0x180000  }
0xa6: {  	[bflag:$0x0] =	sbarrier.arrive $0xFFFF  }
0xa7: {  	p0 =	sne.s32 s1, $0x0;
	_ =	strace $0x90000047  }
0xa8: {  	s0 =	sadd.s32 @!p0 $0x100000, s0;
	[bflag:$0x2] =	sbarrier.arrive $0xFFFF  }
0xa9: {  	[sflag:s0] =	ssyncadd.tile.s32 @!p0 $0x1;
	_ =	shalt  }
.Lfunc_end2:
_tile_overlayer_lowered:
.L_overlay_start_2:
0xaa: {  	(tag) =	ssettag $0x2  }
0xab: {  	s0 =	rddreg [dreg:$0x0];
	s2 =	stileid.u32  }
0xac: {  	s1 =	rddreg [dreg:$0x1];
	p0 =	sne.s32 s2, $0x0  }
0xad: {  	s3 =	rddreg [dreg:$0x2];
	[bflag:$0x3] =	sbarrier.arrive $0xFFFF;
	s2 =	simm.s32 @!p0 $0x1C02  }
0xae: {  	[timem:s3], [sflag:s2] =	dma.local @!p0 [hbm:s0], s1  }
0xaf: {  	s0 =	simm.s32 @!p0 $0x2  }
0xb0: {  	_ =	swait.ge @!p0 [sflag:s0], s1  }
0xb1: {  	s1 =	ssub.s32 @!p0 $0x0, s1;
	[sflag:s0] =	ssyncset.done @!p0 $0x0  }
0xb2: {  	[sflag:s0] =	ssyncadd.s32 @!p0 s1  }
0xb3: {  	[bflag:$0x3] =	sbarrier.arrive $0xFFFF  }
0xb4: {  	_ =	shalt  }

</sc_bundles>
